<compile_context>
chip_gen: v7x
topology: tpu7x:2x2x1
jax: 0.10.2.dev20260603
libtpu: 0.0.44.dev20260713+nightly
codegen_flags: <defaults>
</compile_context>

<pallas_src>
import functools

import jax
import jax.numpy as jnp
from jax.experimental import pallas as pl
from jax.experimental.pallas import tpu as pltpu

KNB = 20
NPTS = 1024


def _knn_body(f_ref, sq_ref, idx_ref, nd_ref):
    f = f_ref[0]
    inner = jax.lax.dot_general(f, f, (((1,), (1,)), ((), ())),
                                preferred_element_type=jnp.float32)
    sq = sq_ref[0, 0]
    nd_ref[...] = 2.0 * inner - sq[:, None] - sq[None, :]
    col = jax.lax.broadcasted_iota(jnp.int32, (NPTS, NPTS), 1)
    for t in range(KNB):
        nd = nd_ref[...]
        m = jnp.max(nd, axis=1)
        am = jnp.min(jnp.where(nd == m[:, None], col, NPTS), axis=1)
        idx_ref[0, t, :] = am
        nd_ref[...] = jnp.where(col == am[:, None], -jnp.inf, nd)


def _knn_topk(feats, sq):
    B, N, C = feats.shape
    sq3 = sq.reshape(B, 1, N)
    return pl.pallas_call(
        _knn_body,
        grid=(B,),
        in_specs=[pl.BlockSpec((1, N, C), lambda b: (b, 0, 0)),
                  pl.BlockSpec((1, 1, N), lambda b: (b, 0, 0))],
        out_specs=pl.BlockSpec((1, KNB, N), lambda b: (b, 0, 0)),
        out_shape=jax.ShapeDtypeStruct((B, KNB, N), jnp.int32),
        scratch_shapes=[pltpu.VMEM((N, N), jnp.float32)],
    )(feats, sq3)


def _knn_idx(x):
    feats = jnp.transpose(x, (0, 2, 1))
    sq = jnp.sum(x * x, axis=1)
    idx = _knn_topk(feats, sq)
    return jnp.transpose(idx, (0, 2, 1))


def _gather_nb(x, idx):
    xt = jnp.transpose(x, (0, 2, 1))
    nb = jax.vmap(lambda a, i: a[i])(xt, idx)
    return jnp.transpose(nb, (0, 3, 1, 2))


def _bn(x, gamma, beta, axes, pshape):
    mean = jnp.mean(x, axis=axes, keepdims=True)
    var = jnp.var(x, axis=axes, keepdims=True)
    xn = (x - mean) * jax.lax.rsqrt(var + 1e-5)
    return xn * gamma.reshape(pshape) + beta.reshape(pshape)


def _lrelu(x):
    return jnp.where(x >= 0, x, 0.2 * x)


def _conv_bn(feat, p):
    out = jnp.einsum('oc,bcnk->bonk', p['W'], feat)
    return _lrelu(_bn(out, p['gamma'], p['beta'], (0, 2, 3), (1, -1, 1, 1)))


def _gec_layer1(xyz, nrm, p):
    idx = _knn_idx(xyz)
    xyz_j = _gather_nb(xyz, idx)
    n_j = _gather_nb(nrm, idx)
    xyz_i = jnp.broadcast_to(xyz[:, :, :, None], xyz_j.shape)
    n_i = jnp.broadcast_to(nrm[:, :, :, None], n_j.shape)
    rel = xyz_j - xyz_i
    dist = jnp.sqrt(jnp.sum(rel * rel, axis=1, keepdims=True) + 1e-12)
    dotn = jnp.sum(n_i * n_j, axis=1, keepdims=True)
    feat = jnp.concatenate([xyz_i, rel, dist, n_i, n_j, dotn], axis=1)
    return _conv_bn(feat, p)


def _gec_dyn(x, p):
    idx = _knn_idx(x)
    x_j = _gather_nb(x, idx)
    x_i = jnp.broadcast_to(x[:, :, :, None], x_j.shape)
    feat = jnp.concatenate([x_i, x_j - x_i], axis=1)
    return _conv_bn(feat, p)


def kernel(x, n, params):
    g = params['gec']
    feat = _gec_layer1(x, n, g[0])
    resx = feat
    x1 = jnp.max(feat, axis=-1)
    feat = _gec_dyn(x1, g[1]) + resx
    x2 = jnp.max(feat, axis=-1)
    feat = _gec_dyn(x2, g[2])
    resx = feat
    x3 = jnp.max(feat, axis=-1)
    feat = _gec_dyn(x3, g[3]) + resx
    x4 = jnp.max(feat, axis=-1)
    feat = _gec_dyn(x4, g[4])
    resx = feat
    x5 = jnp.max(feat, axis=-1)
    feat = _gec_dyn(x5, g[5]) + resx
    x6 = jnp.max(feat, axis=-1)
    feat = _gec_dyn(x6, g[6])
    resx = feat
    x7 = jnp.max(feat, axis=-1)
    feat = _gec_dyn(x7, g[7]) + resx
    x8 = jnp.max(feat, axis=-1)
    cat = jnp.concatenate([x1, x2, x3, x4, x5, x6, x7, x8], axis=1)
    h = jnp.einsum('oc,bcn->bon', params['conv4_W'], cat)
    h = _lrelu(_bn(h, params['conv4_gamma'], params['conv4_beta'], (0, 2), (1, -1, 1)))
    p1 = jnp.max(h, axis=-1)
    p2 = jnp.mean(h, axis=-1)
    z = jnp.concatenate([p1, p2], axis=1)
    z = _lrelu(_bn(z @ params['lin1_W'].T, params['bn6_gamma'], params['bn6_beta'], (0,), (1, -1)))
    z = _lrelu(_bn(z @ params['lin2_W'].T + params['lin2_b'], params['bn7_gamma'], params['bn7_beta'], (0,), (1, -1)))
    return z @ params['lin3_W'].T + params['lin3_b']

# --- scband reference (transcript-rebuilt; emitter-appended) ---
"""Pipeline reference for scband-geconv-net-deep-32701880992133 (READ-ONLY COPY).

The authoritative reference and input builder live on the scoring server;
editing this copy changes nothing except your own understanding.
"""

import jax, jax.numpy as jnp
import numpy as np

K = 20

def knn_idx(x, k):
    # x: [B, C, N] -> idx [B, N, k] of nearest neighbors (incl. self)
    xt = jnp.transpose(x, (0, 2, 1))
    inner = jnp.matmul(xt, x)
    sq = jnp.sum(x * x, axis=1)
    neg_dist = 2.0 * inner - sq[:, :, None] - sq[:, None, :]
    return jax.lax.top_k(neg_dist, k)[1]

def gather_nb(x, idx):
    # x: [B, C, N], idx: [B, N, k] -> [B, C, N, k]
    xt = jnp.transpose(x, (0, 2, 1))
    nb = jax.vmap(lambda a, i: a[i])(xt, idx)
    return jnp.transpose(nb, (0, 3, 1, 2))

def bn(x, gamma, beta, axes, pshape):
    mean = jnp.mean(x, axis=axes, keepdims=True)
    var = jnp.var(x, axis=axes, keepdims=True)
    xn = (x - mean) * jax.lax.rsqrt(var + 1e-5)
    return xn * gamma.reshape(pshape) + beta.reshape(pshape)

def lrelu(x):
    return jnp.where(x >= 0, x, 0.2 * x)

def conv_bn(feat, p):
    out = jnp.einsum('oc,bcnk->bonk', p['W'], feat)
    return lrelu(bn(out, p['gamma'], p['beta'], (0, 2, 3), (1, -1, 1, 1)))

def gec_layer1(xyz, nrm, p, k):
    idx = knn_idx(xyz, k)
    xyz_j = gather_nb(xyz, idx)
    n_j = gather_nb(nrm, idx)
    xyz_i = jnp.broadcast_to(xyz[:, :, :, None], xyz_j.shape)
    n_i = jnp.broadcast_to(nrm[:, :, :, None], n_j.shape)
    rel = xyz_j - xyz_i
    dist = jnp.sqrt(jnp.sum(rel * rel, axis=1, keepdims=True) + 1e-12)
    dotn = jnp.sum(n_i * n_j, axis=1, keepdims=True)
    feat = jnp.concatenate([xyz_i, rel, dist, n_i, n_j, dotn], axis=1)  # 14 ch
    return conv_bn(feat, p)

def gec_dyn(x, p, k):
    idx = knn_idx(x, k)
    x_j = gather_nb(x, idx)
    x_i = jnp.broadcast_to(x[:, :, :, None], x_j.shape)
    feat = jnp.concatenate([x_i, x_j - x_i], axis=1)
    return conv_bn(feat, p)

def _forward(x, n, params):
    g = params['gec']
    feat = gec_layer1(x, n, g[0], K)
    resx = feat
    x1 = jnp.max(feat, axis=-1)
    feat = gec_dyn(x1, g[1], K) + resx
    x2 = jnp.max(feat, axis=-1)
    feat = gec_dyn(x2, g[2], K)
    resx = feat
    x3 = jnp.max(feat, axis=-1)
    feat = gec_dyn(x3, g[3], K) + resx
    x4 = jnp.max(feat, axis=-1)
    feat = gec_dyn(x4, g[4], K)
    resx = feat
    x5 = jnp.max(feat, axis=-1)
    feat = gec_dyn(x5, g[5], K) + resx
    x6 = jnp.max(feat, axis=-1)
    feat = gec_dyn(x6, g[6], K)
    resx = feat
    x7 = jnp.max(feat, axis=-1)
    feat = gec_dyn(x7, g[7], K) + resx
    x8 = jnp.max(feat, axis=-1)
    cat = jnp.concatenate([x1, x2, x3, x4, x5, x6, x7, x8], axis=1)  # [B,544,N]
    h = jnp.einsum('oc,bcn->bon', params['conv4_W'], cat)
    h = lrelu(bn(h, params['conv4_gamma'], params['conv4_beta'], (0, 2), (1, -1, 1)))
    p1 = jnp.max(h, axis=-1)
    p2 = jnp.mean(h, axis=-1)
    z = jnp.concatenate([p1, p2], axis=1)  # [B, 2048]
    z = lrelu(bn(z @ params['lin1_W'].T, params['bn6_gamma'], params['bn6_beta'], (0,), (1, -1)))
    z = lrelu(bn(z @ params['lin2_W'].T + params['lin2_b'], params['bn7_gamma'], params['bn7_beta'], (0,), (1, -1)))
    return z @ params['lin3_W'].T + params['lin3_b']

def setup_inputs(seed: int = 0):
    key = jax.random.key(seed)
    B, N = 8, 1024
    x = jax.random.normal(jax.random.fold_in(key, 0), (B, 3, N), jnp.float32)
    n = jax.random.normal(jax.random.fold_in(key, 1), (B, 3, N), jnp.float32)
    n = n / (jnp.linalg.norm(n, axis=1, keepdims=True) + 1e-8)
    dims = [(14, 32), (64, 32), (64, 48), (96, 48), (96, 64), (128, 64), (128, 128), (256, 128)]
    gec = []
    for i, (ci, co) in enumerate(dims):
        kk = jax.random.fold_in(key, 100 + i)
        gec.append({'W': jax.random.normal(kk, (co, ci), jnp.float32) / np.sqrt(ci), 'gamma': jnp.ones((co,), jnp.float32), 'beta': jnp.zeros((co,), jnp.float32)})
    emb = 1024
    def rnd(i, shape, fan):
        return jax.random.normal(jax.random.fold_in(key, i), shape, jnp.float32) / np.sqrt(fan)
    params = {'gec': gec,
              'conv4_W': rnd(200, (emb, 544), 544), 'conv4_gamma': jnp.ones((emb,), jnp.float32), 'conv4_beta': jnp.zeros((emb,), jnp.float32),
              'lin1_W': rnd(201, (512, 2 * emb), 2 * emb), 'bn6_gamma': jnp.ones((512,), jnp.float32), 'bn6_beta': jnp.zeros((512,), jnp.float32),
              'lin2_W': rnd(202, (256, 512), 512), 'lin2_b': jnp.zeros((256,), jnp.float32), 'bn7_gamma': jnp.ones((256,), jnp.float32), 'bn7_beta': jnp.zeros((256,), jnp.float32),
              'lin3_W': rnd(203, (40, 256), 256), 'lin3_b': jnp.zeros((40,), jnp.float32)}
    return {'x': x, 'n': n, 'params': params}

def reference(x, n, params):
    return _forward(x, n, params)

if __name__ == "__main__":
    import jax
    _d = setup_inputs()
    print(jax.jit(kernel)(*tuple(_d.values())))

</pallas_src>

<mosaic_0001>
module attributes {stable_mosaic.version = 14 : i64} {
  func.func @_knn_body(%arg0: i32, %arg1: memref<1x1024x3xf32, #tpu.memory_space<vmem>>, %arg2: memref<1x1x1024xf32, #tpu.memory_space<vmem>>, %arg3: memref<1x20x1024xi32, #tpu.memory_space<vmem>>, %arg4: memref<1024x1024xf32, #tpu.memory_space<vmem>>) attributes {dimension_semantics = [#tpu.dimension_semantics<arbitrary>], iteration_bounds = array<i64: 8>, scalar_prefetch = 0 : i64, scratch_operands = 1 : i64, tpu.core_type = #tpu.core_type<tc>, window_params = [{transform_indices = @transform_0, window_bounds = array<i64: 1, 1024, 3>}, {transform_indices = @transform_1, window_bounds = array<i64: 1, 1, 1024>}, {transform_indices = @transform_2, window_bounds = array<i64: 1, 20, 1024>}]} {
    %get3A = arith.constant 0 : index
    %get3A_0 = arith.constant 0 : index
    %get3A_1 = arith.constant 0 : index
    %get3A_2 = vector.load %arg1[%get3A, %get3A_0, %get3A_1] : memref<1x1024x3xf32, #tpu.memory_space<vmem>>, vector<1x1024x3xf32>
    %get3A_3 = vector.shape_cast %get3A_2 : vector<1x1024x3xf32> to vector<1024x3xf32>
    %dot_general3A = arith.constant dense<0.000000e+00> : vector<1024x1024xf32>
    %dot_general3A_4 = tpu.matmul %get3A_3, %get3A_3, %dot_general3A {dimension_numbers = #tpu.dot_dimension_numbers<[1], [1], [0], [0], [0, 0, 1, 0], [], []>, transpose_lhs_hint = false} : vector<1024x3xf32>, vector<1024x3xf32>, vector<1024x1024xf32> -> vector<1024x1024xf32>
    %get3A_5 = arith.constant 0 : index
    %get3A_6 = arith.constant 0 : index
    %get3A_7 = arith.constant 0 : index
    %get3A_8 = vector.load %arg2[%get3A_5, %get3A_6, %get3A_7] : memref<1x1x1024xf32, #tpu.memory_space<vmem>>, vector<1x1x1024xf32>
    %get3A_9 = vector.shape_cast %get3A_8 : vector<1x1x1024xf32> to vector<1024xf32>
    %mul3A = arith.constant 2.000000e+00 : f32
    %mul3A_10 = vector.broadcast %mul3A : f32 to vector<1024x1024xf32>
    %mul3A_11 = arith.mulf %mul3A_10, %dot_general3A_4 : vector<1024x1024xf32>
    %broadcast_in_dim3A = vector.shape_cast %get3A_9 : vector<1024xf32> to vector<1024x1xf32>
    %sub3A = vector.broadcast %broadcast_in_dim3A : vector<1024x1xf32> to vector<1024x1024xf32>
    %sub3A_12 = arith.subf %mul3A_11, %sub3A : vector<1024x1024xf32>
    %broadcast_in_dim3A_13 = vector.shape_cast %get3A_9 : vector<1024xf32> to vector<1x1024xf32>
    %sub3A_14 = vector.broadcast %broadcast_in_dim3A_13 : vector<1x1024xf32> to vector<1024x1024xf32>
    %sub3A_15 = arith.subf %sub3A_12, %sub3A_14 : vector<1024x1024xf32>
    %swap3A = arith.constant 0 : index
    %swap3A_16 = arith.constant 0 : index
    %swap3A_17 = vector.load %arg4[%swap3A, %swap3A_16] : memref<1024x1024xf32, #tpu.memory_space<vmem>>, vector<1024x1024xf32>
    tpu.vector_store %arg4[%swap3A, %swap3A_16], %sub3A_15 {strides = array<i32>} : memref<1024x1024xf32, #tpu.memory_space<vmem>>, vector<1024x1024xf32>,
    %iota3A = tpu.iota {dimensions = array<i32: 1>} : vector<1024x1024xi32>
    %get3A_18 = arith.constant 0 : index
    %get3A_19 = arith.constant 0 : index
    %get3A_20 = vector.load %arg4[%get3A_18, %get3A_19] : memref<1024x1024xf32, #tpu.memory_space<vmem>>, vector<1024x1024xf32>
    %reduce_max3A = arith.constant dense<0xFF800000> : vector<1024xf32>
    %reduce_max3A_21 = vector.multi_reduction <maximumf>, %get3A_20, %reduce_max3A [1] : vector<1024x1024xf32> to vector<1024xf32>
    %broadcast_in_dim3A_22 = vector.shape_cast %reduce_max3A_21 : vector<1024xf32> to vector<1024x1xf32>
    %eq3A = vector.broadcast %broadcast_in_dim3A_22 : vector<1024x1xf32> to vector<1024x1024xf32>
    %eq3A_23 = arith.cmpf oeq, %get3A_20, %eq3A : vector<1024x1024xf32>
    %jit3A = arith.constant 1024 : i32
    %broadcast_in_dim3A_24 = vector.broadcast %jit3A : i32 to vector<1024x1024xi32>
    %select_n3A = arith.select %eq3A_23, %iota3A, %broadcast_in_dim3A_24 : vector<1024x1024xi1>, vector<1024x1024xi32>
    %reduce_min3A = arith.constant dense<2147483647> : vector<1024xi32>
    %reduce_min3A_25 = vector.multi_reduction <minsi>, %select_n3A, %reduce_min3A [1] : vector<1024x1024xi32> to vector<1024xi32>
    %swap3A_26 = arith.constant 0 : index
    %swap3A_27 = arith.constant 0 : index
    %swap3A_28 = arith.constant 0 : index
    %swap3A_29 = vector.load %arg3[%swap3A_26, %swap3A_27, %swap3A_28] : memref<1x20x1024xi32, #tpu.memory_space<vmem>>, vector<1x1x1024xi32>
    %swap3A_30 = vector.shape_cast %swap3A_29 : vector<1x1x1024xi32> to vector<1024xi32>
    %swap3A_31 = vector.shape_cast %reduce_min3A_25 : vector<1024xi32> to vector<1x1x1024xi32>
    tpu.vector_store %arg3[%swap3A_26, %swap3A_27, %swap3A_28], %swap3A_31 {strides = array<i32>} : memref<1x20x1024xi32, #tpu.memory_space<vmem>>, vector<1x1x1024xi32>,
    %broadcast_in_dim3A_32 = vector.shape_cast %reduce_min3A_25 : vector<1024xi32> to vector<1024x1xi32>
    %eq3A_33 = vector.broadcast %broadcast_in_dim3A_32 : vector<1024x1xi32> to vector<1024x1024xi32>
    %eq3A_34 = arith.cmpi eq, %iota3A, %eq3A_33 : vector<1024x1024xi32>
    %jit3A_35 = arith.constant 0xFF800000 : f32
    %broadcast_in_dim3A_36 = vector.broadcast %jit3A_35 : f32 to vector<1024x1024xf32>
    %select_n3A_37 = arith.select %eq3A_34, %broadcast_in_dim3A_36, %get3A_20 : vector<1024x1024xi1>, vector<1024x1024xf32>
    %swap3A_38 = arith.constant 0 : index
    %swap3A_39 = arith.constant 0 : index
    %swap3A_40 = vector.load %arg4[%swap3A_38, %swap3A_39] : memref<1024x1024xf32, #tpu.memory_space<vmem>>, vector<1024x1024xf32>
    tpu.vector_store %arg4[%swap3A_38, %swap3A_39], %select_n3A_37 {strides = array<i32>} : memref<1024x1024xf32, #tpu.memory_space<vmem>>, vector<1024x1024xf32>,
    %get3A_41 = arith.constant 0 : index
    %get3A_42 = arith.constant 0 : index
    %get3A_43 = vector.load %arg4[%get3A_41, %get3A_42] : memref<1024x1024xf32, #tpu.memory_space<vmem>>, vector<1024x1024xf32>
    %reduce_max3A_44 = arith.constant dense<0xFF800000> : vector<1024xf32>
    %reduce_max3A_45 = vector.multi_reduction <maximumf>, %get3A_43, %reduce_max3A_44 [1] : vector<1024x1024xf32> to vector<1024xf32>
    %broadcast_in_dim3A_46 = vector.shape_cast %reduce_max3A_45 : vector<1024xf32> to vector<1024x1xf32>
    %eq3A_47 = vector.broadcast %broadcast_in_dim3A_46 : vector<1024x1xf32> to vector<1024x1024xf32>
    %eq3A_48 = arith.cmpf oeq, %get3A_43, %eq3A_47 : vector<1024x1024xf32>
    %jit3A_49 = arith.constant 1024 : i32
    %broadcast_in_dim3A_50 = vector.broadcast %jit3A_49 : i32 to vector<1024x1024xi32>
    %select_n3A_51 = arith.select %eq3A_48, %iota3A, %broadcast_in_dim3A_50 : vector<1024x1024xi1>, vector<1024x1024xi32>
    %reduce_min3A_52 = arith.constant dense<2147483647> : vector<1024xi32>
    %reduce_min3A_53 = vector.multi_reduction <minsi>, %select_n3A_51, %reduce_min3A_52 [1] : vector<1024x1024xi32> to vector<1024xi32>
    %swap3A_54 = arith.constant 0 : index
    %swap3A_55 = arith.constant 1 : index
    %swap3A_56 = arith.constant 0 : index
    %swap3A_57 = vector.load %arg3[%swap3A_54, %swap3A_55, %swap3A_56] : memref<1x20x1024xi32, #tpu.memory_space<vmem>>, vector<1x1x1024xi32>
    %swap3A_58 = vector.shape_cast %swap3A_57 : vector<1x1x1024xi32> to vector<1024xi32>
    %swap3A_59 = vector.shape_cast %reduce_min3A_53 : vector<1024xi32> to vector<1x1x1024xi32>
    tpu.vector_store %arg3[%swap3A_54, %swap3A_55, %swap3A_56], %swap3A_59 {strides = array<i32>} : memref<1x20x1024xi32, #tpu.memory_space<vmem>>, vector<1x1x1024xi32>,
    %broadcast_in_dim3A_60 = vector.shape_cast %reduce_min3A_53 : vector<1024xi32> to vector<1024x1xi32>
    %eq3A_61 = vector.broadcast %broadcast_in_dim3A_60 : vector<1024x1xi32> to vector<1024x1024xi32>
    %eq3A_62 = arith.cmpi eq, %iota3A, %eq3A_61 : vector<1024x1024xi32>
    %jit3A_63 = arith.constant 0xFF800000 : f32
    %broadcast_in_dim3A_64 = vector.broadcast %jit3A_63 : f32 to vector<1024x1024xf32>
    %select_n3A_65 = arith.select %eq3A_62, %broadcast_in_dim3A_64, %get3A_43 : vector<1024x1024xi1>, vector<1024x1024xf32>
    %swap3A_66 = arith.constant 0 : index
    %swap3A_67 = arith.constant 0 : index
    %swap3A_68 = vector.load %arg4[%swap3A_66, %swap3A_67] : memref<1024x1024xf32, #tpu.memory_space<vmem>>, vector<1024x1024xf32>
    tpu.vector_store %arg4[%swap3A_66, %swap3A_67], %select_n3A_65 {strides = array<i32>} : memref<1024x1024xf32, #tpu.memory_space<vmem>>, vector<1024x1024xf32>,
    %get3A_69 = arith.constant 0 : index
    %get3A_70 = arith.constant 0 : index
    %get3A_71 = vector.load %arg4[%get3A_69, %get3A_70] : memref<1024x1024xf32, #tpu.memory_space<vmem>>, vector<1024x1024xf32>
    %reduce_max3A_72 = arith.constant dense<0xFF800000> : vector<1024xf32>
    %reduce_max3A_73 = vector.multi_reduction <maximumf>, %get3A_71, %reduce_max3A_72 [1] : vector<1024x1024xf32> to vector<1024xf32>
    %broadcast_in_dim3A_74 = vector.shape_cast %reduce_max3A_73 : vector<1024xf32> to vector<1024x1xf32>
    %eq3A_75 = vector.broadcast %broadcast_in_dim3A_74 : vector<1024x1xf32> to vector<1024x1024xf32>
    %eq3A_76 = arith.cmpf oeq, %get3A_71, %eq3A_75 : vector<1024x1024xf32>
    %jit3A_77 = arith.constant 1024 : i32
    %broadcast_in_dim3A_78 = vector.broadcast %jit3A_77 : i32 to vector<1024x1024xi32>
    %select_n3A_79 = arith.select %eq3A_76, %iota3A, %broadcast_in_dim3A_78 : vector<1024x1024xi1>, vector<1024x1024xi32>
    %reduce_min3A_80 = arith.constant dense<2147483647> : vector<1024xi32>
    %reduce_min3A_81 = vector.multi_reduction <minsi>, %select_n3A_79, %reduce_min3A_80 [1] : vector<1024x1024xi32> to vector<1024xi32>
    %swap3A_82 = arith.constant 0 : index
    %swap3A_83 = arith.constant 2 : index
    %swap3A_84 = arith.constant 0 : index
    %swap3A_85 = vector.load %arg3[%swap3A_82, %swap3A_83, %swap3A_84] : memref<1x20x1024xi32, #tpu.memory_space<vmem>>, vector<1x1x1024xi32>
    %swap3A_86 = vector.shape_cast %swap3A_85 : vector<1x1x1024xi32> to vector<1024xi32>
    %swap3A_87 = vector.shape_cast %reduce_min3A_81 : vector<1024xi32> to vector<1x1x1024xi32>
    tpu.vector_store %arg3[%swap3A_82, %swap3A_83, %swap3A_84], %swap3A_87 {strides = array<i32>} : memref<1x20x1024xi32, #tpu.memory_space<vmem>>, vector<1x1x1024xi32>,
    %broadcast_in_dim3A_88 = vector.shape_cast %reduce_min3A_81 : vector<1024xi32> to vector<1024x1xi32>
    %eq3A_89 = vector.broadcast %broadcast_in_dim3A_88 : vector<1024x1xi32> to vector<1024x1024xi32>
    %eq3A_90 = arith.cmpi eq, %iota3A, %eq3A_89 : vector<1024x1024xi32>
    %jit3A_91 = arith.constant 0xFF800000 : f32
    %broadcast_in_dim3A_92 = vector.broadcast %jit3A_91 : f32 to vector<1024x1024xf32>
    %select_n3A_93 = arith.select %eq3A_90, %broadcast_in_dim3A_92, %get3A_71 : vector<1024x1024xi1>, vector<1024x1024xf32>
    %swap3A_94 = arith.constant 0 : index
    %swap3A_95 = arith.constant 0 : index
    %swap3A_96 = vector.load %arg4[%swap3A_94, %swap3A_95] : memref<1024x1024xf32, #tpu.memory_space<vmem>>, vector<1024x1024xf32>
    tpu.vector_store %arg4[%swap3A_94, %swap3A_95], %select_n3A_93 {strides = array<i32>} : memref<1024x1024xf32, #tpu.memory_space<vmem>>, vector<1024x1024xf32>,
    %get3A_97 = arith.constant 0 : index
    %get3A_98 = arith.constant 0 : index
    %get3A_99 = vector.load %arg4[%get3A_97, %get3A_98] : memref<1024x1024xf32, #tpu.memory_space<vmem>>, vector<1024x1024xf32>
    %reduce_max3A_100 = arith.constant dense<0xFF800000> : vector<1024xf32>
    %reduce_max3A_101 = vector.multi_reduction <maximumf>, %get3A_99, %reduce_max3A_100 [1] : vector<1024x1024xf32> to vector<1024xf32>
    %broadcast_in_dim3A_102 = vector.shape_cast %reduce_max3A_101 : vector<1024xf32> to vector<1024x1xf32>
    %eq3A_103 = vector.broadcast %broadcast_in_dim3A_102 : vector<1024x1xf32> to vector<1024x1024xf32>
    %eq3A_104 = arith.cmpf oeq, %get3A_99, %eq3A_103 : vector<1024x1024xf32>
    %jit3A_105 = arith.constant 1024 : i32
    %broadcast_in_dim3A_106 = vector.broadcast %jit3A_105 : i32 to vector<1024x1024xi32>
    %select_n3A_107 = arith.select %eq3A_104, %iota3A, %broadcast_in_dim3A_106 : vector<1024x1024xi1>, vector<1024x1024xi32>
    %reduce_min3A_108 = arith.constant dense<2147483647> : vector<1024xi32>
    %reduce_min3A_109 = vector.multi_reduction <minsi>, %select_n3A_107, %reduce_min3A_108 [1] : vector<1024x1024xi32> to vector<1024xi32>
    %swap3A_110 = arith.constant 0 : index
    %swap3A_111 = arith.constant 3 : index
    %swap3A_112 = arith.constant 0 : index
    %swap3A_113 = vector.load %arg3[%swap3A_110, %swap3A_111, %swap3A_112] : memref<1x20x1024xi32, #tpu.memory_space<vmem>>, vector<1x1x1024xi32>
    %swap3A_114 = vector.shape_cast %swap3A_113 : vector<1x1x1024xi32> to vector<1024xi32>
    %swap3A_115 = vector.shape_cast %reduce_min3A_109 : vector<1024xi32> to vector<1x1x1024xi32>
    tpu.vector_store %arg3[%swap3A_110, %swap3A_111, %swap3A_112], %swap3A_115 {strides = array<i32>} : memref<1x20x1024xi32, #tpu.memory_space<vmem>>, vector<1x1x1024xi32>,
    %broadcast_in_dim3A_116 = vector.shape_cast %reduce_min3A_109 : vector<1024xi32> to vector<1024x1xi32>
    %eq3A_117 = vector.broadcast %broadcast_in_dim3A_116 : vector<1024x1xi32> to vector<1024x1024xi32>
    %eq3A_118 = arith.cmpi eq, %iota3A, %eq3A_117 : vector<1024x1024xi32>
    %jit3A_119 = arith.constant 0xFF800000 : f32
    %broadcast_in_dim3A_120 = vector.broadcast %jit3A_119 : f32 to vector<1024x1024xf32>
    %select_n3A_121 = arith.select %eq3A_118, %broadcast_in_dim3A_120, %get3A_99 : vector<1024x1024xi1>, vector<1024x1024xf32>
    %swap3A_122 = arith.constant 0 : index
    %swap3A_123 = arith.constant 0 : index
    %swap3A_124 = vector.load %arg4[%swap3A_122, %swap3A_123] : memref<1024x1024xf32, #tpu.memory_space<vmem>>, vector<1024x1024xf32>
    tpu.vector_store %arg4[%swap3A_122, %swap3A_123], %select_n3A_121 {strides = array<i32>} : memref<1024x1024xf32, #tpu.memory_space<vmem>>, vector<1024x1024xf32>,
    %get3A_125 = arith.constant 0 : index
    %get3A_126 = arith.constant 0 : index
    %get3A_127 = vector.load %arg4[%get3A_125, %get3A_126] : memref<1024x1024xf32, #tpu.memory_space<vmem>>, vector<1024x1024xf32>
    %reduce_max3A_128 = arith.constant dense<0xFF800000> : vector<1024xf32>
    %reduce_max3A_129 = vector.multi_reduction <maximumf>, %get3A_127, %reduce_max3A_128 [1] : vector<1024x1024xf32> to vector<1024xf32>
    %broadcast_in_dim3A_130 = vector.shape_cast %reduce_max3A_129 : vector<1024xf32> to vector<1024x1xf32>
    %eq3A_131 = vector.broadcast %broadcast_in_dim3A_130 : vector<1024x1xf32> to vector<1024x1024xf32>
    %eq3A_132 = arith.cmpf oeq, %get3A_127, %eq3A_131 : vector<1024x1024xf32>
    %jit3A_133 = arith.constant 1024 : i32
    %broadcast_in_dim3A_134 = vector.broadcast %jit3A_133 : i32 to vector<1024x1024xi32>
    %select_n3A_135 = arith.select %eq3A_132, %iota3A, %broadcast_in_dim3A_134 : vector<1024x1024xi1>, vector<1024x1024xi32>
    %reduce_min3A_136 = arith.constant dense<2147483647> : vector<1024xi32>
    %reduce_min3A_137 = vector.multi_reduction <minsi>, %select_n3A_135, %reduce_min3A_136 [1] : vector<1024x1024xi32> to vector<1024xi32>
    %swap3A_138 = arith.constant 0 : index
    %swap3A_139 = arith.constant 4 : index
    %swap3A_140 = arith.constant 0 : index
    %swap3A_141 = vector.load %arg3[%swap3A_138, %swap3A_139, %swap3A_140] : memref<1x20x1024xi32, #tpu.memory_space<vmem>>, vector<1x1x1024xi32>
    %swap3A_142 = vector.shape_cast %swap3A_141 : vector<1x1x1024xi32> to vector<1024xi32>
    %swap3A_143 = vector.shape_cast %reduce_min3A_137 : vector<1024xi32> to vector<1x1x1024xi32>
    tpu.vector_store %arg3[%swap3A_138, %swap3A_139, %swap3A_140], %swap3A_143 {strides = array<i32>} : memref<1x20x1024xi32, #tpu.memory_space<vmem>>, vector<1x1x1024xi32>,
    %broadcast_in_dim3A_144 = vector.shape_cast %reduce_min3A_137 : vector<1024xi32> to vector<1024x1xi32>
    %eq3A_145 = vector.broadcast %broadcast_in_dim3A_144 : vector<1024x1xi32> to vector<1024x1024xi32>
    %eq3A_146 = arith.cmpi eq, %iota3A, %eq3A_145 : vector<1024x1024xi32>
    %jit3A_147 = arith.constant 0xFF800000 : f32
    %broadcast_in_dim3A_148 = vector.broadcast %jit3A_147 : f32 to vector<1024x1024xf32>
    %select_n3A_149 = arith.select %eq3A_146, %broadcast_in_dim3A_148, %get3A_127 : vector<1024x1024xi1>, vector<1024x1024xf32>
    %swap3A_150 = arith.constant 0 : index
    %swap3A_151 = arith.constant 0 : index
    %swap3A_152 = vector.load %arg4[%swap3A_150, %swap3A_151] : memref<1024x1024xf32, #tpu.memory_space<vmem>>, vector<1024x1024xf32>
    tpu.vector_store %arg4[%swap3A_150, %swap3A_151], %select_n3A_149 {strides = array<i32>} : memref<1024x1024xf32, #tpu.memory_space<vmem>>, vector<1024x1024xf32>,
    %get3A_153 = arith.constant 0 : index
    %get3A_154 = arith.constant 0 : index
    %get3A_155 = vector.load %arg4[%get3A_153, %get3A_154] : memref<1024x1024xf32, #tpu.memory_space<vmem>>, vector<1024x1024xf32>
    %reduce_max3A_156 = arith.constant dense<0xFF800000> : vector<1024xf32>
    %reduce_max3A_157 = vector.multi_reduction <maximumf>, %get3A_155, %reduce_max3A_156 [1] : vector<1024x1024xf32> to vector<1024xf32>
    %broadcast_in_dim3A_158 = vector.shape_cast %reduce_max3A_157 : vector<1024xf32> to vector<1024x1xf32>
    %eq3A_159 = vector.broadcast %broadcast_in_dim3A_158 : vector<1024x1xf32> to vector<1024x1024xf32>
    %eq3A_160 = arith.cmpf oeq, %get3A_155, %eq3A_159 : vector<1024x1024xf32>
    %jit3A_161 = arith.constant 1024 : i32
    %broadcast_in_dim3A_162 = vector.broadcast %jit3A_161 : i32 to vector<1024x1024xi32>
    %select_n3A_163 = arith.select %eq3A_160, %iota3A, %broadcast_in_dim3A_162 : vector<1024x1024xi1>, vector<1024x1024xi32>
    %reduce_min3A_164 = arith.constant dense<2147483647> : vector<1024xi32>
    %reduce_min3A_165 = vector.multi_reduction <minsi>, %select_n3A_163, %reduce_min3A_164 [1] : vector<1024x1024xi32> to vector<1024xi32>
    %swap3A_166 = arith.constant 0 : index
    %swap3A_167 = arith.constant 5 : index
    %swap3A_168 = arith.constant 0 : index
    %swap3A_169 = vector.load %arg3[%swap3A_166, %swap3A_167, %swap3A_168] : memref<1x20x1024xi32, #tpu.memory_space<vmem>>, vector<1x1x1024xi32>
    %swap3A_170 = vector.shape_cast %swap3A_169 : vector<1x1x1024xi32> to vector<1024xi32>
    %swap3A_171 = vector.shape_cast %reduce_min3A_165 : vector<1024xi32> to vector<1x1x1024xi32>
    tpu.vector_store %arg3[%swap3A_166, %swap3A_167, %swap3A_168], %swap3A_171 {strides = array<i32>} : memref<1x20x1024xi32, #tpu.memory_space<vmem>>, vector<1x1x1024xi32>,
    %broadcast_in_dim3A_172 = vector.shape_cast %reduce_min3A_165 : vector<1024xi32> to vector<1024x1xi32>
    %eq3A_173 = vector.broadcast %broadcast_in_dim3A_172 : vector<1024x1xi32> to vector<1024x1024xi32>
    %eq3A_174 = arith.cmpi eq, %iota3A, %eq3A_173 : vector<1024x1024xi32>
    %jit3A_175 = arith.constant 0xFF800000 : f32
    %broadcast_in_dim3A_176 = vector.broadcast %jit3A_175 : f32 to vector<1024x1024xf32>
    %select_n3A_177 = arith.select %eq3A_174, %broadcast_in_dim3A_176, %get3A_155 : vector<1024x1024xi1>, vector<1024x1024xf32>
    %swap3A_178 = arith.constant 0 : index
    %swap3A_179 = arith.constant 0 : index
    %swap3A_180 = vector.load %arg4[%swap3A_178, %swap3A_179] : memref<1024x1024xf32, #tpu.memory_space<vmem>>, vector<1024x1024xf32>
    tpu.vector_store %arg4[%swap3A_178, %swap3A_179], %select_n3A_177 {strides = array<i32>} : memref<1024x1024xf32, #tpu.memory_space<vmem>>, vector<1024x1024xf32>,
    %get3A_181 = arith.constant 0 : index
    %get3A_182 = arith.constant 0 : index
    %get3A_183 = vector.load %arg4[%get3A_181, %get3A_182] : memref<1024x1024xf32, #tpu.memory_space<vmem>>, vector<1024x1024xf32>
    %reduce_max3A_184 = arith.constant dense<0xFF800000> : vector<1024xf32>
    %reduce_max3A_185 = vector.multi_reduction <maximumf>, %get3A_183, %reduce_max3A_184 [1] : vector<1024x1024xf32> to vector<1024xf32>
    %broadcast_in_dim3A_186 = vector.shape_cast %reduce_max3A_185 : vector<1024xf32> to vector<1024x1xf32>
    %eq3A_187 = vector.broadcast %broadcast_in_dim3A_186 : vector<1024x1xf32> to vector<1024x1024xf32>
    %eq3A_188 = arith.cmpf oeq, %get3A_183, %eq3A_187 : vector<1024x1024xf32>
    %jit3A_189 = arith.constant 1024 : i32
    %broadcast_in_dim3A_190 = vector.broadcast %jit3A_189 : i32 to vector<1024x1024xi32>
    %select_n3A_191 = arith.select %eq3A_188, %iota3A, %broadcast_in_dim3A_190 : vector<1024x1024xi1>, vector<1024x1024xi32>
    %reduce_min3A_192 = arith.constant dense<2147483647> : vector<1024xi32>
    %reduce_min3A_193 = vector.multi_reduction <minsi>, %select_n3A_191, %reduce_min3A_192 [1] : vector<1024x1024xi32> to vector<1024xi32>
    %swap3A_194 = arith.constant 0 : index
    %swap3A_195 = arith.constant 6 : index
    %swap3A_196 = arith.constant 0 : index
    %swap3A_197 = vector.load %arg3[%swap3A_194, %swap3A_195, %swap3A_196] : memref<1x20x1024xi32, #tpu.memory_space<vmem>>, vector<1x1x1024xi32>
    %swap3A_198 = vector.shape_cast %swap3A_197 : vector<1x1x1024xi32> to vector<1024xi32>
    %swap3A_199 = vector.shape_cast %reduce_min3A_193 : vector<1024xi32> to vector<1x1x1024xi32>
    tpu.vector_store %arg3[%swap3A_194, %swap3A_195, %swap3A_196], %swap3A_199 {strides = array<i32>} : memref<1x20x1024xi32, #tpu.memory_space<vmem>>, vector<1x1x1024xi32>,
    %broadcast_in_dim3A_200 = vector.shape_cast %reduce_min3A_193 : vector<1024xi32> to vector<1024x1xi32>
    %eq3A_201 = vector.broadcast %broadcast_in_dim3A_200 : vector<1024x1xi32> to vector<1024x1024xi32>
    %eq3A_202 = arith.cmpi eq, %iota3A, %eq3A_201 : vector<1024x1024xi32>
    %jit3A_203 = arith.constant 0xFF800000 : f32
    %broadcast_in_dim3A_204 = vector.broadcast %jit3A_203 : f32 to vector<1024x1024xf32>
    %select_n3A_205 = arith.select %eq3A_202, %broadcast_in_dim3A_204, %get3A_183 : vector<1024x1024xi1>, vector<1024x1024xf32>
    %swap3A_206 = arith.constant 0 : index
    %swap3A_207 = arith.constant 0 : index
    %swap3A_208 = vector.load %arg4[%swap3A_206, %swap3A_207] : memref<1024x1024xf32, #tpu.memory_space<vmem>>, vector<1024x1024xf32>
    tpu.vector_store %arg4[%swap3A_206, %swap3A_207], %select_n3A_205 {strides = array<i32>} : memref<1024x1024xf32, #tpu.memory_space<vmem>>, vector<1024x1024xf32>,
    %get3A_209 = arith.constant 0 : index
    %get3A_210 = arith.constant 0 : index
    %get3A_211 = vector.load %arg4[%get3A_209, %get3A_210] : memref<1024x1024xf32, #tpu.memory_space<vmem>>, vector<1024x1024xf32>
    %reduce_max3A_212 = arith.constant dense<0xFF800000> : vector<1024xf32>
    %reduce_max3A_213 = vector.multi_reduction <maximumf>, %get3A_211, %reduce_max3A_212 [1] : vector<1024x1024xf32> to vector<1024xf32>
    %broadcast_in_dim3A_214 = vector.shape_cast %reduce_max3A_213 : vector<1024xf32> to vector<1024x1xf32>
    %eq3A_215 = vector.broadcast %broadcast_in_dim3A_214 : vector<1024x1xf32> to vector<1024x1024xf32>
    %eq3A_216 = arith.cmpf oeq, %get3A_211, %eq3A_215 : vector<1024x1024xf32>
    %jit3A_217 = arith.constant 1024 : i32
    %broadcast_in_dim3A_218 = vector.broadcast %jit3A_217 : i32 to vector<1024x1024xi32>
    %select_n3A_219 = arith.select %eq3A_216, %iota3A, %broadcast_in_dim3A_218 : vector<1024x1024xi1>, vector<1024x1024xi32>
    %reduce_min3A_220 = arith.constant dense<2147483647> : vector<1024xi32>
    %reduce_min3A_221 = vector.multi_reduction <minsi>, %select_n3A_219, %reduce_min3A_220 [1] : vector<1024x1024xi32> to vector<1024xi32>
    %swap3A_222 = arith.constant 0 : index
    %swap3A_223 = arith.constant 7 : index
    %swap3A_224 = arith.constant 0 : index
    %swap3A_225 = vector.load %arg3[%swap3A_222, %swap3A_223, %swap3A_224] : memref<1x20x1024xi32, #tpu.memory_space<vmem>>, vector<1x1x1024xi32>
    %swap3A_226 = vector.shape_cast %swap3A_225 : vector<1x1x1024xi32> to vector<1024xi32>
    %swap3A_227 = vector.shape_cast %reduce_min3A_221 : vector<1024xi32> to vector<1x1x1024xi32>
    tpu.vector_store %arg3[%swap3A_222, %swap3A_223, %swap3A_224], %swap3A_227 {strides = array<i32>} : memref<1x20x1024xi32, #tpu.memory_space<vmem>>, vector<1x1x1024xi32>,
    %broadcast_in_dim3A_228 = vector.shape_cast %reduce_min3A_221 : vector<1024xi32> to vector<1024x1xi32>
    %eq3A_229 = vector.broadcast %broadcast_in_dim3A_228 : vector<1024x1xi32> to vector<1024x1024xi32>
    %eq3A_230 = arith.cmpi eq, %iota3A, %eq3A_229 : vector<1024x1024xi32>
    %jit3A_231 = arith.constant 0xFF800000 : f32
    %broadcast_in_dim3A_232 = vector.broadcast %jit3A_231 : f32 to vector<1024x1024xf32>
    %select_n3A_233 = arith.select %eq3A_230, %broadcast_in_dim3A_232, %get3A_211 : vector<1024x1024xi1>, vector<1024x1024xf32>
    %swap3A_234 = arith.constant 0 : index
    %swap3A_235 = arith.constant 0 : index
    %swap3A_236 = vector.load %arg4[%swap3A_234, %swap3A_235] : memref<1024x1024xf32, #tpu.memory_space<vmem>>, vector<1024x1024xf32>
    tpu.vector_store %arg4[%swap3A_234, %swap3A_235], %select_n3A_233 {strides = array<i32>} : memref<1024x1024xf32, #tpu.memory_space<vmem>>, vector<1024x1024xf32>,
    %get3A_237 = arith.constant 0 : index
    %get3A_238 = arith.constant 0 : index
    %get3A_239 = vector.load %arg4[%get3A_237, %get3A_238] : memref<1024x1024xf32, #tpu.memory_space<vmem>>, vector<1024x1024xf32>
    %reduce_max3A_240 = arith.constant dense<0xFF800000> : vector<1024xf32>
    %reduce_max3A_241 = vector.multi_reduction <maximumf>, %get3A_239, %reduce_max3A_240 [1] : vector<1024x1024xf32> to vector<1024xf32>
    %broadcast_in_dim3A_242 = vector.shape_cast %reduce_max3A_241 : vector<1024xf32> to vector<1024x1xf32>
    %eq3A_243 = vector.broadcast %broadcast_in_dim3A_242 : vector<1024x1xf32> to vector<1024x1024xf32>
    %eq3A_244 = arith.cmpf oeq, %get3A_239, %eq3A_243 : vector<1024x1024xf32>
    %jit3A_245 = arith.constant 1024 : i32
    %broadcast_in_dim3A_246 = vector.broadcast %jit3A_245 : i32 to vector<1024x1024xi32>
    %select_n3A_247 = arith.select %eq3A_244, %iota3A, %broadcast_in_dim3A_246 : vector<1024x1024xi1>, vector<1024x1024xi32>
    %reduce_min3A_248 = arith.constant dense<2147483647> : vector<1024xi32>
    %reduce_min3A_249 = vector.multi_reduction <minsi>, %select_n3A_247, %reduce_min3A_248 [1] : vector<1024x1024xi32> to vector<1024xi32>
    %swap3A_250 = arith.constant 0 : index
    %swap3A_251 = arith.constant 8 : index
    %swap3A_252 = arith.constant 0 : index
    %swap3A_253 = vector.load %arg3[%swap3A_250, %swap3A_251, %swap3A_252] : memref<1x20x1024xi32, #tpu.memory_space<vmem>>, vector<1x1x1024xi32>
    %swap3A_254 = vector.shape_cast %swap3A_253 : vector<1x1x1024xi32> to vector<1024xi32>
    %swap3A_255 = vector.shape_cast %reduce_min3A_249 : vector<1024xi32> to vector<1x1x1024xi32>
    tpu.vector_store %arg3[%swap3A_250, %swap3A_251, %swap3A_252], %swap3A_255 {strides = array<i32>} : memref<1x20x1024xi32, #tpu.memory_space<vmem>>, vector<1x1x1024xi32>,
    %broadcast_in_dim3A_256 = vector.shape_cast %reduce_min3A_249 : vector<1024xi32> to vector<1024x1xi32>
    %eq3A_257 = vector.broadcast %broadcast_in_dim3A_256 : vector<1024x1xi32> to vector<1024x1024xi32>
    %eq3A_258 = arith.cmpi eq, %iota3A, %eq3A_257 : vector<1024x1024xi32>
    %jit3A_259 = arith.constant 0xFF800000 : f32
    %broadcast_in_dim3A_260 = vector.broadcast %jit3A_259 : f32 to vector<1024x1024xf32>
    %select_n3A_261 = arith.select %eq3A_258, %broadcast_in_dim3A_260, %get3A_239 : vector<1024x1024xi1>, vector<1024x1024xf32>
    %swap3A_262 = arith.constant 0 : index
    %swap3A_263 = arith.constant 0 : index
    %swap3A_264 = vector.load %arg4[%swap3A_262, %swap3A_263] : memref<1024x1024xf32, #tpu.memory_space<vmem>>, vector<1024x1024xf32>
    tpu.vector_store %arg4[%swap3A_262, %swap3A_263], %select_n3A_261 {strides = array<i32>} : memref<1024x1024xf32, #tpu.memory_space<vmem>>, vector<1024x1024xf32>,
    %get3A_265 = arith.constant 0 : index
    %get3A_266 = arith.constant 0 : index
    %get3A_267 = vector.load %arg4[%get3A_265, %get3A_266] : memref<1024x1024xf32, #tpu.memory_space<vmem>>, vector<1024x1024xf32>
    %reduce_max3A_268 = arith.constant dense<0xFF800000> : vector<1024xf32>
    %reduce_max3A_269 = vector.multi_reduction <maximumf>, %get3A_267, %reduce_max3A_268 [1] : vector<1024x1024xf32> to vector<1024xf32>
    %broadcast_in_dim3A_270 = vector.shape_cast %reduce_max3A_269 : vector<1024xf32> to vector<1024x1xf32>
    %eq3A_271 = vector.broadcast %broadcast_in_dim3A_270 : vector<1024x1xf32> to vector<1024x1024xf32>
    %eq3A_272 = arith.cmpf oeq, %get3A_267, %eq3A_271 : vector<1024x1024xf32>
    %jit3A_273 = arith.constant 1024 : i32
    %broadcast_in_dim3A_274 = vector.broadcast %jit3A_273 : i32 to vector<1024x1024xi32>
    %select_n3A_275 = arith.select %eq3A_272, %iota3A, %broadcast_in_dim3A_274 : vector<1024x1024xi1>, vector<1024x1024xi32>
    %reduce_min3A_276 = arith.constant dense<2147483647> : vector<1024xi32>
    %reduce_min3A_277 = vector.multi_reduction <minsi>, %select_n3A_275, %reduce_min3A_276 [1] : vector<1024x1024xi32> to vector<1024xi32>
    %swap3A_278 = arith.constant 0 : index
    %swap3A_279 = arith.constant 9 : index
    %swap3A_280 = arith.constant 0 : index
    %swap3A_281 = vector.load %arg3[%swap3A_278, %swap3A_279, %swap3A_280] : memref<1x20x1024xi32, #tpu.memory_space<vmem>>, vector<1x1x1024xi32>
    %swap3A_282 = vector.shape_cast %swap3A_281 : vector<1x1x1024xi32> to vector<1024xi32>
    %swap3A_283 = vector.shape_cast %reduce_min3A_277 : vector<1024xi32> to vector<1x1x1024xi32>
    tpu.vector_store %arg3[%swap3A_278, %swap3A_279, %swap3A_280], %swap3A_283 {strides = array<i32>} : memref<1x20x1024xi32, #tpu.memory_space<vmem>>, vector<1x1x1024xi32>,
    %broadcast_in_dim3A_284 = vector.shape_cast %reduce_min3A_277 : vector<1024xi32> to vector<1024x1xi32>
    %eq3A_285 = vector.broadcast %broadcast_in_dim3A_284 : vector<1024x1xi32> to vector<1024x1024xi32>
    %eq3A_286 = arith.cmpi eq, %iota3A, %eq3A_285 : vector<1024x1024xi32>
    %jit3A_287 = arith.constant 0xFF800000 : f32
    %broadcast_in_dim3A_288 = vector.broadcast %jit3A_287 : f32 to vector<1024x1024xf32>
    %select_n3A_289 = arith.select %eq3A_286, %broadcast_in_dim3A_288, %get3A_267 : vector<1024x1024xi1>, vector<1024x1024xf32>
    %swap3A_290 = arith.constant 0 : index
    %swap3A_291 = arith.constant 0 : index
    %swap3A_292 = vector.load %arg4[%swap3A_290, %swap3A_291] : memref<1024x1024xf32, #tpu.memory_space<vmem>>, vector<1024x1024xf32>
    tpu.vector_store %arg4[%swap3A_290, %swap3A_291], %select_n3A_289 {strides = array<i32>} : memref<1024x1024xf32, #tpu.memory_space<vmem>>, vector<1024x1024xf32>,
    %get3A_293 = arith.constant 0 : index
    %get3A_294 = arith.constant 0 : index
    %get3A_295 = vector.load %arg4[%get3A_293, %get3A_294] : memref<1024x1024xf32, #tpu.memory_space<vmem>>, vector<1024x1024xf32>
    %reduce_max3A_296 = arith.constant dense<0xFF800000> : vector<1024xf32>
    %reduce_max3A_297 = vector.multi_reduction <maximumf>, %get3A_295, %reduce_max3A_296 [1] : vector<1024x1024xf32> to vector<1024xf32>
    %broadcast_in_dim3A_298 = vector.shape_cast %reduce_max3A_297 : vector<1024xf32> to vector<1024x1xf32>
    %eq3A_299 = vector.broadcast %broadcast_in_dim3A_298 : vector<1024x1xf32> to vector<1024x1024xf32>
    %eq3A_300 = arith.cmpf oeq, %get3A_295, %eq3A_299 : vector<1024x1024xf32>
    %jit3A_301 = arith.constant 1024 : i32
    %broadcast_in_dim3A_302 = vector.broadcast %jit3A_301 : i32 to vector<1024x1024xi32>
    %select_n3A_303 = arith.select %eq3A_300, %iota3A, %broadcast_in_dim3A_302 : vector<1024x1024xi1>, vector<1024x1024xi32>
    %reduce_min3A_304 = arith.constant dense<2147483647> : vector<1024xi32>
    %reduce_min3A_305 = vector.multi_reduction <minsi>, %select_n3A_303, %reduce_min3A_304 [1] : vector<1024x1024xi32> to vector<1024xi32>
    %swap3A_306 = arith.constant 0 : index
    %swap3A_307 = arith.constant 10 : index
    %swap3A_308 = arith.constant 0 : index
    %swap3A_309 = vector.load %arg3[%swap3A_306, %swap3A_307, %swap3A_308] : memref<1x20x1024xi32, #tpu.memory_space<vmem>>, vector<1x1x1024xi32>
    %swap3A_310 = vector.shape_cast %swap3A_309 : vector<1x1x1024xi32> to vector<1024xi32>
    %swap3A_311 = vector.shape_cast %reduce_min3A_305 : vector<1024xi32> to vector<1x1x1024xi32>
    tpu.vector_store %arg3[%swap3A_306, %swap3A_307, %swap3A_308], %swap3A_311 {strides = array<i32>} : memref<1x20x1024xi32, #tpu.memory_space<vmem>>, vector<1x1x1024xi32>,
    %broadcast_in_dim3A_312 = vector.shape_cast %reduce_min3A_305 : vector<1024xi32> to vector<1024x1xi32>
    %eq3A_313 = vector.broadcast %broadcast_in_dim3A_312 : vector<1024x1xi32> to vector<1024x1024xi32>
    %eq3A_314 = arith.cmpi eq, %iota3A, %eq3A_313 : vector<1024x1024xi32>
    %jit3A_315 = arith.constant 0xFF800000 : f32
    %broadcast_in_dim3A_316 = vector.broadcast %jit3A_315 : f32 to vector<1024x1024xf32>
    %select_n3A_317 = arith.select %eq3A_314, %broadcast_in_dim3A_316, %get3A_295 : vector<1024x1024xi1>, vector<1024x1024xf32>
    %swap3A_318 = arith.constant 0 : index
    %swap3A_319 = arith.constant 0 : index
    %swap3A_320 = vector.load %arg4[%swap3A_318, %swap3A_319] : memref<1024x1024xf32, #tpu.memory_space<vmem>>, vector<1024x1024xf32>
    tpu.vector_store %arg4[%swap3A_318, %swap3A_319], %select_n3A_317 {strides = array<i32>} : memref<1024x1024xf32, #tpu.memory_space<vmem>>, vector<1024x1024xf32>,
    %get3A_321 = arith.constant 0 : index
    %get3A_322 = arith.constant 0 : index
    %get3A_323 = vector.load %arg4[%get3A_321, %get3A_322] : memref<1024x1024xf32, #tpu.memory_space<vmem>>, vector<1024x1024xf32>
    %reduce_max3A_324 = arith.constant dense<0xFF800000> : vector<1024xf32>
    %reduce_max3A_325 = vector.multi_reduction <maximumf>, %get3A_323, %reduce_max3A_324 [1] : vector<1024x1024xf32> to vector<1024xf32>
    %broadcast_in_dim3A_326 = vector.shape_cast %reduce_max3A_325 : vector<1024xf32> to vector<1024x1xf32>
    %eq3A_327 = vector.broadcast %broadcast_in_dim3A_326 : vector<1024x1xf32> to vector<1024x1024xf32>
    %eq3A_328 = arith.cmpf oeq, %get3A_323, %eq3A_327 : vector<1024x1024xf32>
    %jit3A_329 = arith.constant 1024 : i32
    %broadcast_in_dim3A_330 = vector.broadcast %jit3A_329 : i32 to vector<1024x1024xi32>
    %select_n3A_331 = arith.select %eq3A_328, %iota3A, %broadcast_in_dim3A_330 : vector<1024x1024xi1>, vector<1024x1024xi32>
    %reduce_min3A_332 = arith.constant dense<2147483647> : vector<1024xi32>
    %reduce_min3A_333 = vector.multi_reduction <minsi>, %select_n3A_331, %reduce_min3A_332 [1] : vector<1024x1024xi32> to vector<1024xi32>
    %swap3A_334 = arith.constant 0 : index
    %swap3A_335 = arith.constant 11 : index
    %swap3A_336 = arith.constant 0 : index
    %swap3A_337 = vector.load %arg3[%swap3A_334, %swap3A_335, %swap3A_336] : memref<1x20x1024xi32, #tpu.memory_space<vmem>>, vector<1x1x1024xi32>
    %swap3A_338 = vector.shape_cast %swap3A_337 : vector<1x1x1024xi32> to vector<1024xi32>
    %swap3A_339 = vector.shape_cast %reduce_min3A_333 : vector<1024xi32> to vector<1x1x1024xi32>
    tpu.vector_store %arg3[%swap3A_334, %swap3A_335, %swap3A_336], %swap3A_339 {strides = array<i32>} : memref<1x20x1024xi32, #tpu.memory_space<vmem>>, vector<1x1x1024xi32>,
    %broadcast_in_dim3A_340 = vector.shape_cast %reduce_min3A_333 : vector<1024xi32> to vector<1024x1xi32>
    %eq3A_341 = vector.broadcast %broadcast_in_dim3A_340 : vector<1024x1xi32> to vector<1024x1024xi32>
    %eq3A_342 = arith.cmpi eq, %iota3A, %eq3A_341 : vector<1024x1024xi32>
    %jit3A_343 = arith.constant 0xFF800000 : f32
    %broadcast_in_dim3A_344 = vector.broadcast %jit3A_343 : f32 to vector<1024x1024xf32>
    %select_n3A_345 = arith.select %eq3A_342, %broadcast_in_dim3A_344, %get3A_323 : vector<1024x1024xi1>, vector<1024x1024xf32>
    %swap3A_346 = arith.constant 0 : index
    %swap3A_347 = arith.constant 0 : index
    %swap3A_348 = vector.load %arg4[%swap3A_346, %swap3A_347] : memref<1024x1024xf32, #tpu.memory_space<vmem>>, vector<1024x1024xf32>
    tpu.vector_store %arg4[%swap3A_346, %swap3A_347], %select_n3A_345 {strides = array<i32>} : memref<1024x1024xf32, #tpu.memory_space<vmem>>, vector<1024x1024xf32>,
    %get3A_349 = arith.constant 0 : index
    %get3A_350 = arith.constant 0 : index
    %get3A_351 = vector.load %arg4[%get3A_349, %get3A_350] : memref<1024x1024xf32, #tpu.memory_space<vmem>>, vector<1024x1024xf32>
    %reduce_max3A_352 = arith.constant dense<0xFF800000> : vector<1024xf32>
    %reduce_max3A_353 = vector.multi_reduction <maximumf>, %get3A_351, %reduce_max3A_352 [1] : vector<1024x1024xf32> to vector<1024xf32>
    %broadcast_in_dim3A_354 = vector.shape_cast %reduce_max3A_353 : vector<1024xf32> to vector<1024x1xf32>
    %eq3A_355 = vector.broadcast %broadcast_in_dim3A_354 : vector<1024x1xf32> to vector<1024x1024xf32>
    %eq3A_356 = arith.cmpf oeq, %get3A_351, %eq3A_355 : vector<1024x1024xf32>
    %jit3A_357 = arith.constant 1024 : i32
    %broadcast_in_dim3A_358 = vector.broadcast %jit3A_357 : i32 to vector<1024x1024xi32>
    %select_n3A_359 = arith.select %eq3A_356, %iota3A, %broadcast_in_dim3A_358 : vector<1024x1024xi1>, vector<1024x1024xi32>
    %reduce_min3A_360 = arith.constant dense<2147483647> : vector<1024xi32>
    %reduce_min3A_361 = vector.multi_reduction <minsi>, %select_n3A_359, %reduce_min3A_360 [1] : vector<1024x1024xi32> to vector<1024xi32>
    %swap3A_362 = arith.constant 0 : index
    %swap3A_363 = arith.constant 12 : index
    %swap3A_364 = arith.constant 0 : index
    %swap3A_365 = vector.load %arg3[%swap3A_362, %swap3A_363, %swap3A_364] : memref<1x20x1024xi32, #tpu.memory_space<vmem>>, vector<1x1x1024xi32>
    %swap3A_366 = vector.shape_cast %swap3A_365 : vector<1x1x1024xi32> to vector<1024xi32>
    %swap3A_367 = vector.shape_cast %reduce_min3A_361 : vector<1024xi32> to vector<1x1x1024xi32>
    tpu.vector_store %arg3[%swap3A_362, %swap3A_363, %swap3A_364], %swap3A_367 {strides = array<i32>} : memref<1x20x1024xi32, #tpu.memory_space<vmem>>, vector<1x1x1024xi32>,
    %broadcast_in_dim3A_368 = vector.shape_cast %reduce_min3A_361 : vector<1024xi32> to vector<1024x1xi32>
    %eq3A_369 = vector.broadcast %broadcast_in_dim3A_368 : vector<1024x1xi32> to vector<1024x1024xi32>
    %eq3A_370 = arith.cmpi eq, %iota3A, %eq3A_369 : vector<1024x1024xi32>
    %jit3A_371 = arith.constant 0xFF800000 : f32
    %broadcast_in_dim3A_372 = vector.broadcast %jit3A_371 : f32 to vector<1024x1024xf32>
    %select_n3A_373 = arith.select %eq3A_370, %broadcast_in_dim3A_372, %get3A_351 : vector<1024x1024xi1>, vector<1024x1024xf32>
    %swap3A_374 = arith.constant 0 : index
    %swap3A_375 = arith.constant 0 : index
    %swap3A_376 = vector.load %arg4[%swap3A_374, %swap3A_375] : memref<1024x1024xf32, #tpu.memory_space<vmem>>, vector<1024x1024xf32>
    tpu.vector_store %arg4[%swap3A_374, %swap3A_375], %select_n3A_373 {strides = array<i32>} : memref<1024x1024xf32, #tpu.memory_space<vmem>>, vector<1024x1024xf32>,
    %get3A_377 = arith.constant 0 : index
    %get3A_378 = arith.constant 0 : index
    %get3A_379 = vector.load %arg4[%get3A_377, %get3A_378] : memref<1024x1024xf32, #tpu.memory_space<vmem>>, vector<1024x1024xf32>
    %reduce_max3A_380 = arith.constant dense<0xFF800000> : vector<1024xf32>
    %reduce_max3A_381 = vector.multi_reduction <maximumf>, %get3A_379, %reduce_max3A_380 [1] : vector<1024x1024xf32> to vector<1024xf32>
    %broadcast_in_dim3A_382 = vector.shape_cast %reduce_max3A_381 : vector<1024xf32> to vector<1024x1xf32>
    %eq3A_383 = vector.broadcast %broadcast_in_dim3A_382 : vector<1024x1xf32> to vector<1024x1024xf32>
    %eq3A_384 = arith.cmpf oeq, %get3A_379, %eq3A_383 : vector<1024x1024xf32>
    %jit3A_385 = arith.constant 1024 : i32
    %broadcast_in_dim3A_386 = vector.broadcast %jit3A_385 : i32 to vector<1024x1024xi32>
    %select_n3A_387 = arith.select %eq3A_384, %iota3A, %broadcast_in_dim3A_386 : vector<1024x1024xi1>, vector<1024x1024xi32>
    %reduce_min3A_388 = arith.constant dense<2147483647> : vector<1024xi32>
    %reduce_min3A_389 = vector.multi_reduction <minsi>, %select_n3A_387, %reduce_min3A_388 [1] : vector<1024x1024xi32> to vector<1024xi32>
    %swap3A_390 = arith.constant 0 : index
    %swap3A_391 = arith.constant 13 : index
    %swap3A_392 = arith.constant 0 : index
    %swap3A_393 = vector.load %arg3[%swap3A_390, %swap3A_391, %swap3A_392] : memref<1x20x1024xi32, #tpu.memory_space<vmem>>, vector<1x1x1024xi32>
    %swap3A_394 = vector.shape_cast %swap3A_393 : vector<1x1x1024xi32> to vector<1024xi32>
    %swap3A_395 = vector.shape_cast %reduce_min3A_389 : vector<1024xi32> to vector<1x1x1024xi32>
    tpu.vector_store %arg3[%swap3A_390, %swap3A_391, %swap3A_392], %swap3A_395 {strides = array<i32>} : memref<1x20x1024xi32, #tpu.memory_space<vmem>>, vector<1x1x1024xi32>,
    %broadcast_in_dim3A_396 = vector.shape_cast %reduce_min3A_389 : vector<1024xi32> to vector<1024x1xi32>
    %eq3A_397 = vector.broadcast %broadcast_in_dim3A_396 : vector<1024x1xi32> to vector<1024x1024xi32>
    %eq3A_398 = arith.cmpi eq, %iota3A, %eq3A_397 : vector<1024x1024xi32>
    %jit3A_399 = arith.constant 0xFF800000 : f32
    %broadcast_in_dim3A_400 = vector.broadcast %jit3A_399 : f32 to vector<1024x1024xf32>
    %select_n3A_401 = arith.select %eq3A_398, %broadcast_in_dim3A_400, %get3A_379 : vector<1024x1024xi1>, vector<1024x1024xf32>
    %swap3A_402 = arith.constant 0 : index
    %swap3A_403 = arith.constant 0 : index
    %swap3A_404 = vector.load %arg4[%swap3A_402, %swap3A_403] : memref<1024x1024xf32, #tpu.memory_space<vmem>>, vector<1024x1024xf32>
    tpu.vector_store %arg4[%swap3A_402, %swap3A_403], %select_n3A_401 {strides = array<i32>} : memref<1024x1024xf32, #tpu.memory_space<vmem>>, vector<1024x1024xf32>,
    %get3A_405 = arith.constant 0 : index
    %get3A_406 = arith.constant 0 : index
    %get3A_407 = vector.load %arg4[%get3A_405, %get3A_406] : memref<1024x1024xf32, #tpu.memory_space<vmem>>, vector<1024x1024xf32>
    %reduce_max3A_408 = arith.constant dense<0xFF800000> : vector<1024xf32>
    %reduce_max3A_409 = vector.multi_reduction <maximumf>, %get3A_407, %reduce_max3A_408 [1] : vector<1024x1024xf32> to vector<1024xf32>
    %broadcast_in_dim3A_410 = vector.shape_cast %reduce_max3A_409 : vector<1024xf32> to vector<1024x1xf32>
    %eq3A_411 = vector.broadcast %broadcast_in_dim3A_410 : vector<1024x1xf32> to vector<1024x1024xf32>
    %eq3A_412 = arith.cmpf oeq, %get3A_407, %eq3A_411 : vector<1024x1024xf32>
    %jit3A_413 = arith.constant 1024 : i32
    %broadcast_in_dim3A_414 = vector.broadcast %jit3A_413 : i32 to vector<1024x1024xi32>
    %select_n3A_415 = arith.select %eq3A_412, %iota3A, %broadcast_in_dim3A_414 : vector<1024x1024xi1>, vector<1024x1024xi32>
    %reduce_min3A_416 = arith.constant dense<2147483647> : vector<1024xi32>
    %reduce_min3A_417 = vector.multi_reduction <minsi>, %select_n3A_415, %reduce_min3A_416 [1] : vector<1024x1024xi32> to vector<1024xi32>
    %swap3A_418 = arith.constant 0 : index
    %swap3A_419 = arith.constant 14 : index
    %swap3A_420 = arith.constant 0 : index
    %swap3A_421 = vector.load %arg3[%swap3A_418, %swap3A_419, %swap3A_420] : memref<1x20x1024xi32, #tpu.memory_space<vmem>>, vector<1x1x1024xi32>
    %swap3A_422 = vector.shape_cast %swap3A_421 : vector<1x1x1024xi32> to vector<1024xi32>
    %swap3A_423 = vector.shape_cast %reduce_min3A_417 : vector<1024xi32> to vector<1x1x1024xi32>
    tpu.vector_store %arg3[%swap3A_418, %swap3A_419, %swap3A_420], %swap3A_423 {strides = array<i32>} : memref<1x20x1024xi32, #tpu.memory_space<vmem>>, vector<1x1x1024xi32>,
    %broadcast_in_dim3A_424 = vector.shape_cast %reduce_min3A_417 : vector<1024xi32> to vector<1024x1xi32>
    %eq3A_425 = vector.broadcast %broadcast_in_dim3A_424 : vector<1024x1xi32> to vector<1024x1024xi32>
    %eq3A_426 = arith.cmpi eq, %iota3A, %eq3A_425 : vector<1024x1024xi32>
    %jit3A_427 = arith.constant 0xFF800000 : f32
    %broadcast_in_dim3A_428 = vector.broadcast %jit3A_427 : f32 to vector<1024x1024xf32>
    %select_n3A_429 = arith.select %eq3A_426, %broadcast_in_dim3A_428, %get3A_407 : vector<1024x1024xi1>, vector<1024x1024xf32>
    %swap3A_430 = arith.constant 0 : index
    %swap3A_431 = arith.constant 0 : index
    %swap3A_432 = vector.load %arg4[%swap3A_430, %swap3A_431] : memref<1024x1024xf32, #tpu.memory_space<vmem>>, vector<1024x1024xf32>
    tpu.vector_store %arg4[%swap3A_430, %swap3A_431], %select_n3A_429 {strides = array<i32>} : memref<1024x1024xf32, #tpu.memory_space<vmem>>, vector<1024x1024xf32>,
    %get3A_433 = arith.constant 0 : index
    %get3A_434 = arith.constant 0 : index
    %get3A_435 = vector.load %arg4[%get3A_433, %get3A_434] : memref<1024x1024xf32, #tpu.memory_space<vmem>>, vector<1024x1024xf32>
    %reduce_max3A_436 = arith.constant dense<0xFF800000> : vector<1024xf32>
    %reduce_max3A_437 = vector.multi_reduction <maximumf>, %get3A_435, %reduce_max3A_436 [1] : vector<1024x1024xf32> to vector<1024xf32>
    %broadcast_in_dim3A_438 = vector.shape_cast %reduce_max3A_437 : vector<1024xf32> to vector<1024x1xf32>
    %eq3A_439 = vector.broadcast %broadcast_in_dim3A_438 : vector<1024x1xf32> to vector<1024x1024xf32>
    %eq3A_440 = arith.cmpf oeq, %get3A_435, %eq3A_439 : vector<1024x1024xf32>
    %jit3A_441 = arith.constant 1024 : i32
    %broadcast_in_dim3A_442 = vector.broadcast %jit3A_441 : i32 to vector<1024x1024xi32>
    %select_n3A_443 = arith.select %eq3A_440, %iota3A, %broadcast_in_dim3A_442 : vector<1024x1024xi1>, vector<1024x1024xi32>
    %reduce_min3A_444 = arith.constant dense<2147483647> : vector<1024xi32>
    %reduce_min3A_445 = vector.multi_reduction <minsi>, %select_n3A_443, %reduce_min3A_444 [1] : vector<1024x1024xi32> to vector<1024xi32>
    %swap3A_446 = arith.constant 0 : index
    %swap3A_447 = arith.constant 15 : index
    %swap3A_448 = arith.constant 0 : index
    %swap3A_449 = vector.load %arg3[%swap3A_446, %swap3A_447, %swap3A_448] : memref<1x20x1024xi32, #tpu.memory_space<vmem>>, vector<1x1x1024xi32>
    %swap3A_450 = vector.shape_cast %swap3A_449 : vector<1x1x1024xi32> to vector<1024xi32>
    %swap3A_451 = vector.shape_cast %reduce_min3A_445 : vector<1024xi32> to vector<1x1x1024xi32>
    tpu.vector_store %arg3[%swap3A_446, %swap3A_447, %swap3A_448], %swap3A_451 {strides = array<i32>} : memref<1x20x1024xi32, #tpu.memory_space<vmem>>, vector<1x1x1024xi32>,
    %broadcast_in_dim3A_452 = vector.shape_cast %reduce_min3A_445 : vector<1024xi32> to vector<1024x1xi32>
    %eq3A_453 = vector.broadcast %broadcast_in_dim3A_452 : vector<1024x1xi32> to vector<1024x1024xi32>
    %eq3A_454 = arith.cmpi eq, %iota3A, %eq3A_453 : vector<1024x1024xi32>
    %jit3A_455 = arith.constant 0xFF800000 : f32
    %broadcast_in_dim3A_456 = vector.broadcast %jit3A_455 : f32 to vector<1024x1024xf32>
    %select_n3A_457 = arith.select %eq3A_454, %broadcast_in_dim3A_456, %get3A_435 : vector<1024x1024xi1>, vector<1024x1024xf32>
    %swap3A_458 = arith.constant 0 : index
    %swap3A_459 = arith.constant 0 : index
    %swap3A_460 = vector.load %arg4[%swap3A_458, %swap3A_459] : memref<1024x1024xf32, #tpu.memory_space<vmem>>, vector<1024x1024xf32>
    tpu.vector_store %arg4[%swap3A_458, %swap3A_459], %select_n3A_457 {strides = array<i32>} : memref<1024x1024xf32, #tpu.memory_space<vmem>>, vector<1024x1024xf32>,
    %get3A_461 = arith.constant 0 : index
    %get3A_462 = arith.constant 0 : index
    %get3A_463 = vector.load %arg4[%get3A_461, %get3A_462] : memref<1024x1024xf32, #tpu.memory_space<vmem>>, vector<1024x1024xf32>
    %reduce_max3A_464 = arith.constant dense<0xFF800000> : vector<1024xf32>
    %reduce_max3A_465 = vector.multi_reduction <maximumf>, %get3A_463, %reduce_max3A_464 [1] : vector<1024x1024xf32> to vector<1024xf32>
    %broadcast_in_dim3A_466 = vector.shape_cast %reduce_max3A_465 : vector<1024xf32> to vector<1024x1xf32>
    %eq3A_467 = vector.broadcast %broadcast_in_dim3A_466 : vector<1024x1xf32> to vector<1024x1024xf32>
    %eq3A_468 = arith.cmpf oeq, %get3A_463, %eq3A_467 : vector<1024x1024xf32>
    %jit3A_469 = arith.constant 1024 : i32
    %broadcast_in_dim3A_470 = vector.broadcast %jit3A_469 : i32 to vector<1024x1024xi32>
    %select_n3A_471 = arith.select %eq3A_468, %iota3A, %broadcast_in_dim3A_470 : vector<1024x1024xi1>, vector<1024x1024xi32>
    %reduce_min3A_472 = arith.constant dense<2147483647> : vector<1024xi32>
    %reduce_min3A_473 = vector.multi_reduction <minsi>, %select_n3A_471, %reduce_min3A_472 [1] : vector<1024x1024xi32> to vector<1024xi32>
    %swap3A_474 = arith.constant 0 : index
    %swap3A_475 = arith.constant 16 : index
    %swap3A_476 = arith.constant 0 : index
    %swap3A_477 = vector.load %arg3[%swap3A_474, %swap3A_475, %swap3A_476] : memref<1x20x1024xi32, #tpu.memory_space<vmem>>, vector<1x1x1024xi32>
    %swap3A_478 = vector.shape_cast %swap3A_477 : vector<1x1x1024xi32> to vector<1024xi32>
    %swap3A_479 = vector.shape_cast %reduce_min3A_473 : vector<1024xi32> to vector<1x1x1024xi32>
    tpu.vector_store %arg3[%swap3A_474, %swap3A_475, %swap3A_476], %swap3A_479 {strides = array<i32>} : memref<1x20x1024xi32, #tpu.memory_space<vmem>>, vector<1x1x1024xi32>,
    %broadcast_in_dim3A_480 = vector.shape_cast %reduce_min3A_473 : vector<1024xi32> to vector<1024x1xi32>
    %eq3A_481 = vector.broadcast %broadcast_in_dim3A_480 : vector<1024x1xi32> to vector<1024x1024xi32>
    %eq3A_482 = arith.cmpi eq, %iota3A, %eq3A_481 : vector<1024x1024xi32>
    %jit3A_483 = arith.constant 0xFF800000 : f32
    %broadcast_in_dim3A_484 = vector.broadcast %jit3A_483 : f32 to vector<1024x1024xf32>
    %select_n3A_485 = arith.select %eq3A_482, %broadcast_in_dim3A_484, %get3A_463 : vector<1024x1024xi1>, vector<1024x1024xf32>
    %swap3A_486 = arith.constant 0 : index
    %swap3A_487 = arith.constant 0 : index
    %swap3A_488 = vector.load %arg4[%swap3A_486, %swap3A_487] : memref<1024x1024xf32, #tpu.memory_space<vmem>>, vector<1024x1024xf32>
    tpu.vector_store %arg4[%swap3A_486, %swap3A_487], %select_n3A_485 {strides = array<i32>} : memref<1024x1024xf32, #tpu.memory_space<vmem>>, vector<1024x1024xf32>,
    %get3A_489 = arith.constant 0 : index
    %get3A_490 = arith.constant 0 : index
    %get3A_491 = vector.load %arg4[%get3A_489, %get3A_490] : memref<1024x1024xf32, #tpu.memory_space<vmem>>, vector<1024x1024xf32>
    %reduce_max3A_492 = arith.constant dense<0xFF800000> : vector<1024xf32>
    %reduce_max3A_493 = vector.multi_reduction <maximumf>, %get3A_491, %reduce_max3A_492 [1] : vector<1024x1024xf32> to vector<1024xf32>
    %broadcast_in_dim3A_494 = vector.shape_cast %reduce_max3A_493 : vector<1024xf32> to vector<1024x1xf32>
    %eq3A_495 = vector.broadcast %broadcast_in_dim3A_494 : vector<1024x1xf32> to vector<1024x1024xf32>
    %eq3A_496 = arith.cmpf oeq, %get3A_491, %eq3A_495 : vector<1024x1024xf32>
    %jit3A_497 = arith.constant 1024 : i32
    %broadcast_in_dim3A_498 = vector.broadcast %jit3A_497 : i32 to vector<1024x1024xi32>
    %select_n3A_499 = arith.select %eq3A_496, %iota3A, %broadcast_in_dim3A_498 : vector<1024x1024xi1>, vector<1024x1024xi32>
    %reduce_min3A_500 = arith.constant dense<2147483647> : vector<1024xi32>
    %reduce_min3A_501 = vector.multi_reduction <minsi>, %select_n3A_499, %reduce_min3A_500 [1] : vector<1024x1024xi32> to vector<1024xi32>
    %swap3A_502 = arith.constant 0 : index
    %swap3A_503 = arith.constant 17 : index
    %swap3A_504 = arith.constant 0 : index
    %swap3A_505 = vector.load %arg3[%swap3A_502, %swap3A_503, %swap3A_504] : memref<1x20x1024xi32, #tpu.memory_space<vmem>>, vector<1x1x1024xi32>
    %swap3A_506 = vector.shape_cast %swap3A_505 : vector<1x1x1024xi32> to vector<1024xi32>
    %swap3A_507 = vector.shape_cast %reduce_min3A_501 : vector<1024xi32> to vector<1x1x1024xi32>
    tpu.vector_store %arg3[%swap3A_502, %swap3A_503, %swap3A_504], %swap3A_507 {strides = array<i32>} : memref<1x20x1024xi32, #tpu.memory_space<vmem>>, vector<1x1x1024xi32>,
    %broadcast_in_dim3A_508 = vector.shape_cast %reduce_min3A_501 : vector<1024xi32> to vector<1024x1xi32>
    %eq3A_509 = vector.broadcast %broadcast_in_dim3A_508 : vector<1024x1xi32> to vector<1024x1024xi32>
    %eq3A_510 = arith.cmpi eq, %iota3A, %eq3A_509 : vector<1024x1024xi32>
    %jit3A_511 = arith.constant 0xFF800000 : f32
    %broadcast_in_dim3A_512 = vector.broadcast %jit3A_511 : f32 to vector<1024x1024xf32>
    %select_n3A_513 = arith.select %eq3A_510, %broadcast_in_dim3A_512, %get3A_491 : vector<1024x1024xi1>, vector<1024x1024xf32>
    %swap3A_514 = arith.constant 0 : index
    %swap3A_515 = arith.constant 0 : index
    %swap3A_516 = vector.load %arg4[%swap3A_514, %swap3A_515] : memref<1024x1024xf32, #tpu.memory_space<vmem>>, vector<1024x1024xf32>
    tpu.vector_store %arg4[%swap3A_514, %swap3A_515], %select_n3A_513 {strides = array<i32>} : memref<1024x1024xf32, #tpu.memory_space<vmem>>, vector<1024x1024xf32>,
    %get3A_517 = arith.constant 0 : index
    %get3A_518 = arith.constant 0 : index
    %get3A_519 = vector.load %arg4[%get3A_517, %get3A_518] : memref<1024x1024xf32, #tpu.memory_space<vmem>>, vector<1024x1024xf32>
    %reduce_max3A_520 = arith.constant dense<0xFF800000> : vector<1024xf32>
    %reduce_max3A_521 = vector.multi_reduction <maximumf>, %get3A_519, %reduce_max3A_520 [1] : vector<1024x1024xf32> to vector<1024xf32>
    %broadcast_in_dim3A_522 = vector.shape_cast %reduce_max3A_521 : vector<1024xf32> to vector<1024x1xf32>
    %eq3A_523 = vector.broadcast %broadcast_in_dim3A_522 : vector<1024x1xf32> to vector<1024x1024xf32>
    %eq3A_524 = arith.cmpf oeq, %get3A_519, %eq3A_523 : vector<1024x1024xf32>
    %jit3A_525 = arith.constant 1024 : i32
    %broadcast_in_dim3A_526 = vector.broadcast %jit3A_525 : i32 to vector<1024x1024xi32>
    %select_n3A_527 = arith.select %eq3A_524, %iota3A, %broadcast_in_dim3A_526 : vector<1024x1024xi1>, vector<1024x1024xi32>
    %reduce_min3A_528 = arith.constant dense<2147483647> : vector<1024xi32>
    %reduce_min3A_529 = vector.multi_reduction <minsi>, %select_n3A_527, %reduce_min3A_528 [1] : vector<1024x1024xi32> to vector<1024xi32>
    %swap3A_530 = arith.constant 0 : index
    %swap3A_531 = arith.constant 18 : index
    %swap3A_532 = arith.constant 0 : index
    %swap3A_533 = vector.load %arg3[%swap3A_530, %swap3A_531, %swap3A_532] : memref<1x20x1024xi32, #tpu.memory_space<vmem>>, vector<1x1x1024xi32>
    %swap3A_534 = vector.shape_cast %swap3A_533 : vector<1x1x1024xi32> to vector<1024xi32>
    %swap3A_535 = vector.shape_cast %reduce_min3A_529 : vector<1024xi32> to vector<1x1x1024xi32>
    tpu.vector_store %arg3[%swap3A_530, %swap3A_531, %swap3A_532], %swap3A_535 {strides = array<i32>} : memref<1x20x1024xi32, #tpu.memory_space<vmem>>, vector<1x1x1024xi32>,
    %broadcast_in_dim3A_536 = vector.shape_cast %reduce_min3A_529 : vector<1024xi32> to vector<1024x1xi32>
    %eq3A_537 = vector.broadcast %broadcast_in_dim3A_536 : vector<1024x1xi32> to vector<1024x1024xi32>
    %eq3A_538 = arith.cmpi eq, %iota3A, %eq3A_537 : vector<1024x1024xi32>
    %jit3A_539 = arith.constant 0xFF800000 : f32
    %broadcast_in_dim3A_540 = vector.broadcast %jit3A_539 : f32 to vector<1024x1024xf32>
    %select_n3A_541 = arith.select %eq3A_538, %broadcast_in_dim3A_540, %get3A_519 : vector<1024x1024xi1>, vector<1024x1024xf32>
    %swap3A_542 = arith.constant 0 : index
    %swap3A_543 = arith.constant 0 : index
    %swap3A_544 = vector.load %arg4[%swap3A_542, %swap3A_543] : memref<1024x1024xf32, #tpu.memory_space<vmem>>, vector<1024x1024xf32>
    tpu.vector_store %arg4[%swap3A_542, %swap3A_543], %select_n3A_541 {strides = array<i32>} : memref<1024x1024xf32, #tpu.memory_space<vmem>>, vector<1024x1024xf32>,
    %get3A_545 = arith.constant 0 : index
    %get3A_546 = arith.constant 0 : index
    %get3A_547 = vector.load %arg4[%get3A_545, %get3A_546] : memref<1024x1024xf32, #tpu.memory_space<vmem>>, vector<1024x1024xf32>
    %reduce_max3A_548 = arith.constant dense<0xFF800000> : vector<1024xf32>
    %reduce_max3A_549 = vector.multi_reduction <maximumf>, %get3A_547, %reduce_max3A_548 [1] : vector<1024x1024xf32> to vector<1024xf32>
    %broadcast_in_dim3A_550 = vector.shape_cast %reduce_max3A_549 : vector<1024xf32> to vector<1024x1xf32>
    %eq3A_551 = vector.broadcast %broadcast_in_dim3A_550 : vector<1024x1xf32> to vector<1024x1024xf32>
    %eq3A_552 = arith.cmpf oeq, %get3A_547, %eq3A_551 : vector<1024x1024xf32>
    %jit3A_553 = arith.constant 1024 : i32
    %broadcast_in_dim3A_554 = vector.broadcast %jit3A_553 : i32 to vector<1024x1024xi32>
    %select_n3A_555 = arith.select %eq3A_552, %iota3A, %broadcast_in_dim3A_554 : vector<1024x1024xi1>, vector<1024x1024xi32>
    %reduce_min3A_556 = arith.constant dense<2147483647> : vector<1024xi32>
    %reduce_min3A_557 = vector.multi_reduction <minsi>, %select_n3A_555, %reduce_min3A_556 [1] : vector<1024x1024xi32> to vector<1024xi32>
    %swap3A_558 = arith.constant 0 : index
    %swap3A_559 = arith.constant 19 : index
    %swap3A_560 = arith.constant 0 : index
    %swap3A_561 = vector.load %arg3[%swap3A_558, %swap3A_559, %swap3A_560] : memref<1x20x1024xi32, #tpu.memory_space<vmem>>, vector<1x1x1024xi32>
    %swap3A_562 = vector.shape_cast %swap3A_561 : vector<1x1x1024xi32> to vector<1024xi32>
    %swap3A_563 = vector.shape_cast %reduce_min3A_557 : vector<1024xi32> to vector<1x1x1024xi32>
    tpu.vector_store %arg3[%swap3A_558, %swap3A_559, %swap3A_560], %swap3A_563 {strides = array<i32>} : memref<1x20x1024xi32, #tpu.memory_space<vmem>>, vector<1x1x1024xi32>,
    %broadcast_in_dim3A_564 = vector.shape_cast %reduce_min3A_557 : vector<1024xi32> to vector<1024x1xi32>
    %eq3A_565 = vector.broadcast %broadcast_in_dim3A_564 : vector<1024x1xi32> to vector<1024x1024xi32>
    %eq3A_566 = arith.cmpi eq, %iota3A, %eq3A_565 : vector<1024x1024xi32>
    %jit3A_567 = arith.constant 0xFF800000 : f32
    %broadcast_in_dim3A_568 = vector.broadcast %jit3A_567 : f32 to vector<1024x1024xf32>
    %select_n3A_569 = arith.select %eq3A_566, %broadcast_in_dim3A_568, %get3A_547 : vector<1024x1024xi1>, vector<1024x1024xf32>
    %swap3A_570 = arith.constant 0 : index
    %swap3A_571 = arith.constant 0 : index
    %swap3A_572 = vector.load %arg4[%swap3A_570, %swap3A_571] : memref<1024x1024xf32, #tpu.memory_space<vmem>>, vector<1024x1024xf32>
    tpu.vector_store %arg4[%swap3A_570, %swap3A_571], %select_n3A_569 {strides = array<i32>} : memref<1024x1024xf32, #tpu.memory_space<vmem>>, vector<1024x1024xf32>,
    return
  }
  func.func @transform_0(%arg0: i32) -> (i32, i32, i32) {
    %c0_i32 = arith.constant 0 : i32
    %c0_i32_0 = arith.constant 0 : i32
    %c0_i32_1 = arith.constant 0 : i32
    return %arg0, %c0_i32, %c0_i32_0 : i32, i32, i32
  }
  func.func @transform_1(%arg0: i32) -> (i32, i32, i32) {
    %c0_i32 = arith.constant 0 : i32
    %c0_i32_0 = arith.constant 0 : i32
    %c0_i32_1 = arith.constant 0 : i32
    return %arg0, %c0_i32, %c0_i32_0 : i32, i32, i32
  }
  func.func @transform_2(%arg0: i32) -> (i32, i32, i32) {
    %c0_i32 = arith.constant 0 : i32
    %c0_i32_0 = arith.constant 0 : i32
    %c0_i32_1 = arith.constant 0 : i32
    return %arg0, %c0_i32, %c0_i32_0 : i32, i32, i32
  }
}

module attributes {stable_mosaic.version = 14 : i64} {
  func.func @_knn_body(%arg0: i32, %arg1: memref<1x1024x32xf32, #tpu.memory_space<vmem>>, %arg2: memref<1x1x1024xf32, #tpu.memory_space<vmem>>, %arg3: memref<1x20x1024xi32, #tpu.memory_space<vmem>>, %arg4: memref<1024x1024xf32, #tpu.memory_space<vmem>>) attributes {dimension_semantics = [#tpu.dimension_semantics<arbitrary>], iteration_bounds = array<i64: 8>, scalar_prefetch = 0 : i64, scratch_operands = 1 : i64, tpu.core_type = #tpu.core_type<tc>, window_params = [{transform_indices = @transform_0, window_bounds = array<i64: 1, 1024, 32>}, {transform_indices = @transform_1, window_bounds = array<i64: 1, 1, 1024>}, {transform_indices = @transform_2, window_bounds = array<i64: 1, 20, 1024>}]} {
    %get3A = arith.constant 0 : index
    %get3A_0 = arith.constant 0 : index
    %get3A_1 = arith.constant 0 : index
    %get3A_2 = vector.load %arg1[%get3A, %get3A_0, %get3A_1] : memref<1x1024x32xf32, #tpu.memory_space<vmem>>, vector<1x1024x32xf32>
    %get3A_3 = vector.shape_cast %get3A_2 : vector<1x1024x32xf32> to vector<1024x32xf32>
    %dot_general3A = arith.constant dense<0.000000e+00> : vector<1024x1024xf32>
    %dot_general3A_4 = tpu.matmul %get3A_3, %get3A_3, %dot_general3A {dimension_numbers = #tpu.dot_dimension_numbers<[1], [1], [0], [0], [0, 0, 1, 0], [], []>, transpose_lhs_hint = false} : vector<1024x32xf32>, vector<1024x32xf32>, vector<1024x1024xf32> -> vector<1024x1024xf32>
    %get3A_5 = arith.constant 0 : index
    %get3A_6 = arith.constant 0 : index
    %get3A_7 = arith.constant 0 : index
    %get3A_8 = vector.load %arg2[%get3A_5, %get3A_6, %get3A_7] : memref<1x1x1024xf32, #tpu.memory_space<vmem>>, vector<1x1x1024xf32>
    %get3A_9 = vector.shape_cast %get3A_8 : vector<1x1x1024xf32> to vector<1024xf32>
    %mul3A = arith.constant 2.000000e+00 : f32
    %mul3A_10 = vector.broadcast %mul3A : f32 to vector<1024x1024xf32>
    %mul3A_11 = arith.mulf %mul3A_10, %dot_general3A_4 : vector<1024x1024xf32>
    %broadcast_in_dim3A = vector.shape_cast %get3A_9 : vector<1024xf32> to vector<1024x1xf32>
    %sub3A = vector.broadcast %broadcast_in_dim3A : vector<1024x1xf32> to vector<1024x1024xf32>
    %sub3A_12 = arith.subf %mul3A_11, %sub3A : vector<1024x1024xf32>
    %broadcast_in_dim3A_13 = vector.shape_cast %get3A_9 : vector<1024xf32> to vector<1x1024xf32>
    %sub3A_14 = vector.broadcast %broadcast_in_dim3A_13 : vector<1x1024xf32> to vector<1024x1024xf32>
    %sub3A_15 = arith.subf %sub3A_12, %sub3A_14 : vector<1024x1024xf32>
    %swap3A = arith.constant 0 : index
    %swap3A_16 = arith.constant 0 : index
    %swap3A_17 = vector.load %arg4[%swap3A, %swap3A_16] : memref<1024x1024xf32, #tpu.memory_space<vmem>>, vector<1024x1024xf32>
    tpu.vector_store %arg4[%swap3A, %swap3A_16], %sub3A_15 {strides = array<i32>} : memref<1024x1024xf32, #tpu.memory_space<vmem>>, vector<1024x1024xf32>,
    %iota3A = tpu.iota {dimensions = array<i32: 1>} : vector<1024x1024xi32>
    %get3A_18 = arith.constant 0 : index
    %get3A_19 = arith.constant 0 : index
    %get3A_20 = vector.load %arg4[%get3A_18, %get3A_19] : memref<1024x1024xf32, #tpu.memory_space<vmem>>, vector<1024x1024xf32>
    %reduce_max3A = arith.constant dense<0xFF800000> : vector<1024xf32>
    %reduce_max3A_21 = vector.multi_reduction <maximumf>, %get3A_20, %reduce_max3A [1] : vector<1024x1024xf32> to vector<1024xf32>
    %broadcast_in_dim3A_22 = vector.shape_cast %reduce_max3A_21 : vector<1024xf32> to vector<1024x1xf32>
    %eq3A = vector.broadcast %broadcast_in_dim3A_22 : vector<1024x1xf32> to vector<1024x1024xf32>
    %eq3A_23 = arith.cmpf oeq, %get3A_20, %eq3A : vector<1024x1024xf32>
    %jit3A = arith.constant 1024 : i32
    %broadcast_in_dim3A_24 = vector.broadcast %jit3A : i32 to vector<1024x1024xi32>
    %select_n3A = arith.select %eq3A_23, %iota3A, %broadcast_in_dim3A_24 : vector<1024x1024xi1>, vector<1024x1024xi32>
    %reduce_min3A = arith.constant dense<2147483647> : vector<1024xi32>
    %reduce_min3A_25 = vector.multi_reduction <minsi>, %select_n3A, %reduce_min3A [1] : vector<1024x1024xi32> to vector<1024xi32>
    %swap3A_26 = arith.constant 0 : index
    %swap3A_27 = arith.constant 0 : index
    %swap3A_28 = arith.constant 0 : index
    %swap3A_29 = vector.load %arg3[%swap3A_26, %swap3A_27, %swap3A_28] : memref<1x20x1024xi32, #tpu.memory_space<vmem>>, vector<1x1x1024xi32>
    %swap3A_30 = vector.shape_cast %swap3A_29 : vector<1x1x1024xi32> to vector<1024xi32>
    %swap3A_31 = vector.shape_cast %reduce_min3A_25 : vector<1024xi32> to vector<1x1x1024xi32>
    tpu.vector_store %arg3[%swap3A_26, %swap3A_27, %swap3A_28], %swap3A_31 {strides = array<i32>} : memref<1x20x1024xi32, #tpu.memory_space<vmem>>, vector<1x1x1024xi32>,
    %broadcast_in_dim3A_32 = vector.shape_cast %reduce_min3A_25 : vector<1024xi32> to vector<1024x1xi32>
    %eq3A_33 = vector.broadcast %broadcast_in_dim3A_32 : vector<1024x1xi32> to vector<1024x1024xi32>
    %eq3A_34 = arith.cmpi eq, %iota3A, %eq3A_33 : vector<1024x1024xi32>
    %jit3A_35 = arith.constant 0xFF800000 : f32
    %broadcast_in_dim3A_36 = vector.broadcast %jit3A_35 : f32 to vector<1024x1024xf32>
    %select_n3A_37 = arith.select %eq3A_34, %broadcast_in_dim3A_36, %get3A_20 : vector<1024x1024xi1>, vector<1024x1024xf32>
    %swap3A_38 = arith.constant 0 : index
    %swap3A_39 = arith.constant 0 : index
    %swap3A_40 = vector.load %arg4[%swap3A_38, %swap3A_39] : memref<1024x1024xf32, #tpu.memory_space<vmem>>, vector<1024x1024xf32>
    tpu.vector_store %arg4[%swap3A_38, %swap3A_39], %select_n3A_37 {strides = array<i32>} : memref<1024x1024xf32, #tpu.memory_space<vmem>>, vector<1024x1024xf32>,
    %get3A_41 = arith.constant 0 : index
    %get3A_42 = arith.constant 0 : index
    %get3A_43 = vector.load %arg4[%get3A_41, %get3A_42] : memref<1024x1024xf32, #tpu.memory_space<vmem>>, vector<1024x1024xf32>
    %reduce_max3A_44 = arith.constant dense<0xFF800000> : vector<1024xf32>
    %reduce_max3A_45 = vector.multi_reduction <maximumf>, %get3A_43, %reduce_max3A_44 [1] : vector<1024x1024xf32> to vector<1024xf32>
    %broadcast_in_dim3A_46 = vector.shape_cast %reduce_max3A_45 : vector<1024xf32> to vector<1024x1xf32>
    %eq3A_47 = vector.broadcast %broadcast_in_dim3A_46 : vector<1024x1xf32> to vector<1024x1024xf32>
    %eq3A_48 = arith.cmpf oeq, %get3A_43, %eq3A_47 : vector<1024x1024xf32>
    %jit3A_49 = arith.constant 1024 : i32
    %broadcast_in_dim3A_50 = vector.broadcast %jit3A_49 : i32 to vector<1024x1024xi32>
    %select_n3A_51 = arith.select %eq3A_48, %iota3A, %broadcast_in_dim3A_50 : vector<1024x1024xi1>, vector<1024x1024xi32>
    %reduce_min3A_52 = arith.constant dense<2147483647> : vector<1024xi32>
    %reduce_min3A_53 = vector.multi_reduction <minsi>, %select_n3A_51, %reduce_min3A_52 [1] : vector<1024x1024xi32> to vector<1024xi32>
    %swap3A_54 = arith.constant 0 : index
    %swap3A_55 = arith.constant 1 : index
    %swap3A_56 = arith.constant 0 : index
    %swap3A_57 = vector.load %arg3[%swap3A_54, %swap3A_55, %swap3A_56] : memref<1x20x1024xi32, #tpu.memory_space<vmem>>, vector<1x1x1024xi32>
    %swap3A_58 = vector.shape_cast %swap3A_57 : vector<1x1x1024xi32> to vector<1024xi32>
    %swap3A_59 = vector.shape_cast %reduce_min3A_53 : vector<1024xi32> to vector<1x1x1024xi32>
    tpu.vector_store %arg3[%swap3A_54, %swap3A_55, %swap3A_56], %swap3A_59 {strides = array<i32>} : memref<1x20x1024xi32, #tpu.memory_space<vmem>>, vector<1x1x1024xi32>,
    %broadcast_in_dim3A_60 = vector.shape_cast %reduce_min3A_53 : vector<1024xi32> to vector<1024x1xi32>
    %eq3A_61 = vector.broadcast %broadcast_in_dim3A_60 : vector<1024x1xi32> to vector<1024x1024xi32>
    %eq3A_62 = arith.cmpi eq, %iota3A, %eq3A_61 : vector<1024x1024xi32>
    %jit3A_63 = arith.constant 0xFF800000 : f32
    %broadcast_in_dim3A_64 = vector.broadcast %jit3A_63 : f32 to vector<1024x1024xf32>
    %select_n3A_65 = arith.select %eq3A_62, %broadcast_in_dim3A_64, %get3A_43 : vector<1024x1024xi1>, vector<1024x1024xf32>
    %swap3A_66 = arith.constant 0 : index
    %swap3A_67 = arith.constant 0 : index
    %swap3A_68 = vector.load %arg4[%swap3A_66, %swap3A_67] : memref<1024x1024xf32, #tpu.memory_space<vmem>>, vector<1024x1024xf32>
    tpu.vector_store %arg4[%swap3A_66, %swap3A_67], %select_n3A_65 {strides = array<i32>} : memref<1024x1024xf32, #tpu.memory_space<vmem>>, vector<1024x1024xf32>,
    %get3A_69 = arith.constant 0 : index
    %get3A_70 = arith.constant 0 : index
    %get3A_71 = vector.load %arg4[%get3A_69, %get3A_70] : memref<1024x1024xf32, #tpu.memory_space<vmem>>, vector<1024x1024xf32>
    %reduce_max3A_72 = arith.constant dense<0xFF800000> : vector<1024xf32>
    %reduce_max3A_73 = vector.multi_reduction <maximumf>, %get3A_71, %reduce_max3A_72 [1] : vector<1024x1024xf32> to vector<1024xf32>
    %broadcast_in_dim3A_74 = vector.shape_cast %reduce_max3A_73 : vector<1024xf32> to vector<1024x1xf32>
    %eq3A_75 = vector.broadcast %broadcast_in_dim3A_74 : vector<1024x1xf32> to vector<1024x1024xf32>
    %eq3A_76 = arith.cmpf oeq, %get3A_71, %eq3A_75 : vector<1024x1024xf32>
    %jit3A_77 = arith.constant 1024 : i32
    %broadcast_in_dim3A_78 = vector.broadcast %jit3A_77 : i32 to vector<1024x1024xi32>
    %select_n3A_79 = arith.select %eq3A_76, %iota3A, %broadcast_in_dim3A_78 : vector<1024x1024xi1>, vector<1024x1024xi32>
    %reduce_min3A_80 = arith.constant dense<2147483647> : vector<1024xi32>
    %reduce_min3A_81 = vector.multi_reduction <minsi>, %select_n3A_79, %reduce_min3A_80 [1] : vector<1024x1024xi32> to vector<1024xi32>
    %swap3A_82 = arith.constant 0 : index
    %swap3A_83 = arith.constant 2 : index
    %swap3A_84 = arith.constant 0 : index
    %swap3A_85 = vector.load %arg3[%swap3A_82, %swap3A_83, %swap3A_84] : memref<1x20x1024xi32, #tpu.memory_space<vmem>>, vector<1x1x1024xi32>
    %swap3A_86 = vector.shape_cast %swap3A_85 : vector<1x1x1024xi32> to vector<1024xi32>
    %swap3A_87 = vector.shape_cast %reduce_min3A_81 : vector<1024xi32> to vector<1x1x1024xi32>
    tpu.vector_store %arg3[%swap3A_82, %swap3A_83, %swap3A_84], %swap3A_87 {strides = array<i32>} : memref<1x20x1024xi32, #tpu.memory_space<vmem>>, vector<1x1x1024xi32>,
    %broadcast_in_dim3A_88 = vector.shape_cast %reduce_min3A_81 : vector<1024xi32> to vector<1024x1xi32>
    %eq3A_89 = vector.broadcast %broadcast_in_dim3A_88 : vector<1024x1xi32> to vector<1024x1024xi32>
    %eq3A_90 = arith.cmpi eq, %iota3A, %eq3A_89 : vector<1024x1024xi32>
    %jit3A_91 = arith.constant 0xFF800000 : f32
    %broadcast_in_dim3A_92 = vector.broadcast %jit3A_91 : f32 to vector<1024x1024xf32>
    %select_n3A_93 = arith.select %eq3A_90, %broadcast_in_dim3A_92, %get3A_71 : vector<1024x1024xi1>, vector<1024x1024xf32>
    %swap3A_94 = arith.constant 0 : index
    %swap3A_95 = arith.constant 0 : index
    %swap3A_96 = vector.load %arg4[%swap3A_94, %swap3A_95] : memref<1024x1024xf32, #tpu.memory_space<vmem>>, vector<1024x1024xf32>
    tpu.vector_store %arg4[%swap3A_94, %swap3A_95], %select_n3A_93 {strides = array<i32>} : memref<1024x1024xf32, #tpu.memory_space<vmem>>, vector<1024x1024xf32>,
    %get3A_97 = arith.constant 0 : index
    %get3A_98 = arith.constant 0 : index
    %get3A_99 = vector.load %arg4[%get3A_97, %get3A_98] : memref<1024x1024xf32, #tpu.memory_space<vmem>>, vector<1024x1024xf32>
    %reduce_max3A_100 = arith.constant dense<0xFF800000> : vector<1024xf32>
    %reduce_max3A_101 = vector.multi_reduction <maximumf>, %get3A_99, %reduce_max3A_100 [1] : vector<1024x1024xf32> to vector<1024xf32>
    %broadcast_in_dim3A_102 = vector.shape_cast %reduce_max3A_101 : vector<1024xf32> to vector<1024x1xf32>
    %eq3A_103 = vector.broadcast %broadcast_in_dim3A_102 : vector<1024x1xf32> to vector<1024x1024xf32>
    %eq3A_104 = arith.cmpf oeq, %get3A_99, %eq3A_103 : vector<1024x1024xf32>
    %jit3A_105 = arith.constant 1024 : i32
    %broadcast_in_dim3A_106 = vector.broadcast %jit3A_105 : i32 to vector<1024x1024xi32>
    %select_n3A_107 = arith.select %eq3A_104, %iota3A, %broadcast_in_dim3A_106 : vector<1024x1024xi1>, vector<1024x1024xi32>
    %reduce_min3A_108 = arith.constant dense<2147483647> : vector<1024xi32>
    %reduce_min3A_109 = vector.multi_reduction <minsi>, %select_n3A_107, %reduce_min3A_108 [1] : vector<1024x1024xi32> to vector<1024xi32>
    %swap3A_110 = arith.constant 0 : index
    %swap3A_111 = arith.constant 3 : index
    %swap3A_112 = arith.constant 0 : index
    %swap3A_113 = vector.load %arg3[%swap3A_110, %swap3A_111, %swap3A_112] : memref<1x20x1024xi32, #tpu.memory_space<vmem>>, vector<1x1x1024xi32>
    %swap3A_114 = vector.shape_cast %swap3A_113 : vector<1x1x1024xi32> to vector<1024xi32>
    %swap3A_115 = vector.shape_cast %reduce_min3A_109 : vector<1024xi32> to vector<1x1x1024xi32>
    tpu.vector_store %arg3[%swap3A_110, %swap3A_111, %swap3A_112], %swap3A_115 {strides = array<i32>} : memref<1x20x1024xi32, #tpu.memory_space<vmem>>, vector<1x1x1024xi32>,
    %broadcast_in_dim3A_116 = vector.shape_cast %reduce_min3A_109 : vector<1024xi32> to vector<1024x1xi32>
    %eq3A_117 = vector.broadcast %broadcast_in_dim3A_116 : vector<1024x1xi32> to vector<1024x1024xi32>
    %eq3A_118 = arith.cmpi eq, %iota3A, %eq3A_117 : vector<1024x1024xi32>
    %jit3A_119 = arith.constant 0xFF800000 : f32
    %broadcast_in_dim3A_120 = vector.broadcast %jit3A_119 : f32 to vector<1024x1024xf32>
    %select_n3A_121 = arith.select %eq3A_118, %broadcast_in_dim3A_120, %get3A_99 : vector<1024x1024xi1>, vector<1024x1024xf32>
    %swap3A_122 = arith.constant 0 : index
    %swap3A_123 = arith.constant 0 : index
    %swap3A_124 = vector.load %arg4[%swap3A_122, %swap3A_123] : memref<1024x1024xf32, #tpu.memory_space<vmem>>, vector<1024x1024xf32>
    tpu.vector_store %arg4[%swap3A_122, %swap3A_123], %select_n3A_121 {strides = array<i32>} : memref<1024x1024xf32, #tpu.memory_space<vmem>>, vector<1024x1024xf32>,
    %get3A_125 = arith.constant 0 : index
    %get3A_126 = arith.constant 0 : index
    %get3A_127 = vector.load %arg4[%get3A_125, %get3A_126] : memref<1024x1024xf32, #tpu.memory_space<vmem>>, vector<1024x1024xf32>
    %reduce_max3A_128 = arith.constant dense<0xFF800000> : vector<1024xf32>
    %reduce_max3A_129 = vector.multi_reduction <maximumf>, %get3A_127, %reduce_max3A_128 [1] : vector<1024x1024xf32> to vector<1024xf32>
    %broadcast_in_dim3A_130 = vector.shape_cast %reduce_max3A_129 : vector<1024xf32> to vector<1024x1xf32>
    %eq3A_131 = vector.broadcast %broadcast_in_dim3A_130 : vector<1024x1xf32> to vector<1024x1024xf32>
    %eq3A_132 = arith.cmpf oeq, %get3A_127, %eq3A_131 : vector<1024x1024xf32>
    %jit3A_133 = arith.constant 1024 : i32
    %broadcast_in_dim3A_134 = vector.broadcast %jit3A_133 : i32 to vector<1024x1024xi32>
    %select_n3A_135 = arith.select %eq3A_132, %iota3A, %broadcast_in_dim3A_134 : vector<1024x1024xi1>, vector<1024x1024xi32>
    %reduce_min3A_136 = arith.constant dense<2147483647> : vector<1024xi32>
    %reduce_min3A_137 = vector.multi_reduction <minsi>, %select_n3A_135, %reduce_min3A_136 [1] : vector<1024x1024xi32> to vector<1024xi32>
    %swap3A_138 = arith.constant 0 : index
    %swap3A_139 = arith.constant 4 : index
    %swap3A_140 = arith.constant 0 : index
    %swap3A_141 = vector.load %arg3[%swap3A_138, %swap3A_139, %swap3A_140] : memref<1x20x1024xi32, #tpu.memory_space<vmem>>, vector<1x1x1024xi32>
    %swap3A_142 = vector.shape_cast %swap3A_141 : vector<1x1x1024xi32> to vector<1024xi32>
    %swap3A_143 = vector.shape_cast %reduce_min3A_137 : vector<1024xi32> to vector<1x1x1024xi32>
    tpu.vector_store %arg3[%swap3A_138, %swap3A_139, %swap3A_140], %swap3A_143 {strides = array<i32>} : memref<1x20x1024xi32, #tpu.memory_space<vmem>>, vector<1x1x1024xi32>,
    %broadcast_in_dim3A_144 = vector.shape_cast %reduce_min3A_137 : vector<1024xi32> to vector<1024x1xi32>
    %eq3A_145 = vector.broadcast %broadcast_in_dim3A_144 : vector<1024x1xi32> to vector<1024x1024xi32>
    %eq3A_146 = arith.cmpi eq, %iota3A, %eq3A_145 : vector<1024x1024xi32>
    %jit3A_147 = arith.constant 0xFF800000 : f32
    %broadcast_in_dim3A_148 = vector.broadcast %jit3A_147 : f32 to vector<1024x1024xf32>
    %select_n3A_149 = arith.select %eq3A_146, %broadcast_in_dim3A_148, %get3A_127 : vector<1024x1024xi1>, vector<1024x1024xf32>
    %swap3A_150 = arith.constant 0 : index
    %swap3A_151 = arith.constant 0 : index
    %swap3A_152 = vector.load %arg4[%swap3A_150, %swap3A_151] : memref<1024x1024xf32, #tpu.memory_space<vmem>>, vector<1024x1024xf32>
    tpu.vector_store %arg4[%swap3A_150, %swap3A_151], %select_n3A_149 {strides = array<i32>} : memref<1024x1024xf32, #tpu.memory_space<vmem>>, vector<1024x1024xf32>,
    %get3A_153 = arith.constant 0 : index
    %get3A_154 = arith.constant 0 : index
    %get3A_155 = vector.load %arg4[%get3A_153, %get3A_154] : memref<1024x1024xf32, #tpu.memory_space<vmem>>, vector<1024x1024xf32>
    %reduce_max3A_156 = arith.constant dense<0xFF800000> : vector<1024xf32>
    %reduce_max3A_157 = vector.multi_reduction <maximumf>, %get3A_155, %reduce_max3A_156 [1] : vector<1024x1024xf32> to vector<1024xf32>
    %broadcast_in_dim3A_158 = vector.shape_cast %reduce_max3A_157 : vector<1024xf32> to vector<1024x1xf32>
    %eq3A_159 = vector.broadcast %broadcast_in_dim3A_158 : vector<1024x1xf32> to vector<1024x1024xf32>
    %eq3A_160 = arith.cmpf oeq, %get3A_155, %eq3A_159 : vector<1024x1024xf32>
    %jit3A_161 = arith.constant 1024 : i32
    %broadcast_in_dim3A_162 = vector.broadcast %jit3A_161 : i32 to vector<1024x1024xi32>
    %select_n3A_163 = arith.select %eq3A_160, %iota3A, %broadcast_in_dim3A_162 : vector<1024x1024xi1>, vector<1024x1024xi32>
    %reduce_min3A_164 = arith.constant dense<2147483647> : vector<1024xi32>
    %reduce_min3A_165 = vector.multi_reduction <minsi>, %select_n3A_163, %reduce_min3A_164 [1] : vector<1024x1024xi32> to vector<1024xi32>
    %swap3A_166 = arith.constant 0 : index
    %swap3A_167 = arith.constant 5 : index
    %swap3A_168 = arith.constant 0 : index
    %swap3A_169 = vector.load %arg3[%swap3A_166, %swap3A_167, %swap3A_168] : memref<1x20x1024xi32, #tpu.memory_space<vmem>>, vector<1x1x1024xi32>
    %swap3A_170 = vector.shape_cast %swap3A_169 : vector<1x1x1024xi32> to vector<1024xi32>
    %swap3A_171 = vector.shape_cast %reduce_min3A_165 : vector<1024xi32> to vector<1x1x1024xi32>
    tpu.vector_store %arg3[%swap3A_166, %swap3A_167, %swap3A_168], %swap3A_171 {strides = array<i32>} : memref<1x20x1024xi32, #tpu.memory_space<vmem>>, vector<1x1x1024xi32>,
    %broadcast_in_dim3A_172 = vector.shape_cast %reduce_min3A_165 : vector<1024xi32> to vector<1024x1xi32>
    %eq3A_173 = vector.broadcast %broadcast_in_dim3A_172 : vector<1024x1xi32> to vector<1024x1024xi32>
    %eq3A_174 = arith.cmpi eq, %iota3A, %eq3A_173 : vector<1024x1024xi32>
    %jit3A_175 = arith.constant 0xFF800000 : f32
    %broadcast_in_dim3A_176 = vector.broadcast %jit3A_175 : f32 to vector<1024x1024xf32>
    %select_n3A_177 = arith.select %eq3A_174, %broadcast_in_dim3A_176, %get3A_155 : vector<1024x1024xi1>, vector<1024x1024xf32>
    %swap3A_178 = arith.constant 0 : index
    %swap3A_179 = arith.constant 0 : index
    %swap3A_180 = vector.load %arg4[%swap3A_178, %swap3A_179] : memref<1024x1024xf32, #tpu.memory_space<vmem>>, vector<1024x1024xf32>
    tpu.vector_store %arg4[%swap3A_178, %swap3A_179], %select_n3A_177 {strides = array<i32>} : memref<1024x1024xf32, #tpu.memory_space<vmem>>, vector<1024x1024xf32>,
    %get3A_181 = arith.constant 0 : index
    %get3A_182 = arith.constant 0 : index
    %get3A_183 = vector.load %arg4[%get3A_181, %get3A_182] : memref<1024x1024xf32, #tpu.memory_space<vmem>>, vector<1024x1024xf32>
    %reduce_max3A_184 = arith.constant dense<0xFF800000> : vector<1024xf32>
    %reduce_max3A_185 = vector.multi_reduction <maximumf>, %get3A_183, %reduce_max3A_184 [1] : vector<1024x1024xf32> to vector<1024xf32>
    %broadcast_in_dim3A_186 = vector.shape_cast %reduce_max3A_185 : vector<1024xf32> to vector<1024x1xf32>
    %eq3A_187 = vector.broadcast %broadcast_in_dim3A_186 : vector<1024x1xf32> to vector<1024x1024xf32>
    %eq3A_188 = arith.cmpf oeq, %get3A_183, %eq3A_187 : vector<1024x1024xf32>
    %jit3A_189 = arith.constant 1024 : i32
    %broadcast_in_dim3A_190 = vector.broadcast %jit3A_189 : i32 to vector<1024x1024xi32>
    %select_n3A_191 = arith.select %eq3A_188, %iota3A, %broadcast_in_dim3A_190 : vector<1024x1024xi1>, vector<1024x1024xi32>
    %reduce_min3A_192 = arith.constant dense<2147483647> : vector<1024xi32>
    %reduce_min3A_193 = vector.multi_reduction <minsi>, %select_n3A_191, %reduce_min3A_192 [1] : vector<1024x1024xi32> to vector<1024xi32>
    %swap3A_194 = arith.constant 0 : index
    %swap3A_195 = arith.constant 6 : index
    %swap3A_196 = arith.constant 0 : index
    %swap3A_197 = vector.load %arg3[%swap3A_194, %swap3A_195, %swap3A_196] : memref<1x20x1024xi32, #tpu.memory_space<vmem>>, vector<1x1x1024xi32>
    %swap3A_198 = vector.shape_cast %swap3A_197 : vector<1x1x1024xi32> to vector<1024xi32>
    %swap3A_199 = vector.shape_cast %reduce_min3A_193 : vector<1024xi32> to vector<1x1x1024xi32>
    tpu.vector_store %arg3[%swap3A_194, %swap3A_195, %swap3A_196], %swap3A_199 {strides = array<i32>} : memref<1x20x1024xi32, #tpu.memory_space<vmem>>, vector<1x1x1024xi32>,
    %broadcast_in_dim3A_200 = vector.shape_cast %reduce_min3A_193 : vector<1024xi32> to vector<1024x1xi32>
    %eq3A_201 = vector.broadcast %broadcast_in_dim3A_200 : vector<1024x1xi32> to vector<1024x1024xi32>
    %eq3A_202 = arith.cmpi eq, %iota3A, %eq3A_201 : vector<1024x1024xi32>
    %jit3A_203 = arith.constant 0xFF800000 : f32
    %broadcast_in_dim3A_204 = vector.broadcast %jit3A_203 : f32 to vector<1024x1024xf32>
    %select_n3A_205 = arith.select %eq3A_202, %broadcast_in_dim3A_204, %get3A_183 : vector<1024x1024xi1>, vector<1024x1024xf32>
    %swap3A_206 = arith.constant 0 : index
    %swap3A_207 = arith.constant 0 : index
    %swap3A_208 = vector.load %arg4[%swap3A_206, %swap3A_207] : memref<1024x1024xf32, #tpu.memory_space<vmem>>, vector<1024x1024xf32>
    tpu.vector_store %arg4[%swap3A_206, %swap3A_207], %select_n3A_205 {strides = array<i32>} : memref<1024x1024xf32, #tpu.memory_space<vmem>>, vector<1024x1024xf32>,
    %get3A_209 = arith.constant 0 : index
    %get3A_210 = arith.constant 0 : index
    %get3A_211 = vector.load %arg4[%get3A_209, %get3A_210] : memref<1024x1024xf32, #tpu.memory_space<vmem>>, vector<1024x1024xf32>
    %reduce_max3A_212 = arith.constant dense<0xFF800000> : vector<1024xf32>
    %reduce_max3A_213 = vector.multi_reduction <maximumf>, %get3A_211, %reduce_max3A_212 [1] : vector<1024x1024xf32> to vector<1024xf32>
    %broadcast_in_dim3A_214 = vector.shape_cast %reduce_max3A_213 : vector<1024xf32> to vector<1024x1xf32>
    %eq3A_215 = vector.broadcast %broadcast_in_dim3A_214 : vector<1024x1xf32> to vector<1024x1024xf32>
    %eq3A_216 = arith.cmpf oeq, %get3A_211, %eq3A_215 : vector<1024x1024xf32>
    %jit3A_217 = arith.constant 1024 : i32
    %broadcast_in_dim3A_218 = vector.broadcast %jit3A_217 : i32 to vector<1024x1024xi32>
    %select_n3A_219 = arith.select %eq3A_216, %iota3A, %broadcast_in_dim3A_218 : vector<1024x1024xi1>, vector<1024x1024xi32>
    %reduce_min3A_220 = arith.constant dense<2147483647> : vector<1024xi32>
    %reduce_min3A_221 = vector.multi_reduction <minsi>, %select_n3A_219, %reduce_min3A_220 [1] : vector<1024x1024xi32> to vector<1024xi32>
    %swap3A_222 = arith.constant 0 : index
    %swap3A_223 = arith.constant 7 : index
    %swap3A_224 = arith.constant 0 : index
    %swap3A_225 = vector.load %arg3[%swap3A_222, %swap3A_223, %swap3A_224] : memref<1x20x1024xi32, #tpu.memory_space<vmem>>, vector<1x1x1024xi32>
    %swap3A_226 = vector.shape_cast %swap3A_225 : vector<1x1x1024xi32> to vector<1024xi32>
    %swap3A_227 = vector.shape_cast %reduce_min3A_221 : vector<1024xi32> to vector<1x1x1024xi32>
    tpu.vector_store %arg3[%swap3A_222, %swap3A_223, %swap3A_224], %swap3A_227 {strides = array<i32>} : memref<1x20x1024xi32, #tpu.memory_space<vmem>>, vector<1x1x1024xi32>,
    %broadcast_in_dim3A_228 = vector.shape_cast %reduce_min3A_221 : vector<1024xi32> to vector<1024x1xi32>
    %eq3A_229 = vector.broadcast %broadcast_in_dim3A_228 : vector<1024x1xi32> to vector<1024x1024xi32>
    %eq3A_230 = arith.cmpi eq, %iota3A, %eq3A_229 : vector<1024x1024xi32>
    %jit3A_231 = arith.constant 0xFF800000 : f32
    %broadcast_in_dim3A_232 = vector.broadcast %jit3A_231 : f32 to vector<1024x1024xf32>
    %select_n3A_233 = arith.select %eq3A_230, %broadcast_in_dim3A_232, %get3A_211 : vector<1024x1024xi1>, vector<1024x1024xf32>
    %swap3A_234 = arith.constant 0 : index
    %swap3A_235 = arith.constant 0 : index
    %swap3A_236 = vector.load %arg4[%swap3A_234, %swap3A_235] : memref<1024x1024xf32, #tpu.memory_space<vmem>>, vector<1024x1024xf32>
    tpu.vector_store %arg4[%swap3A_234, %swap3A_235], %select_n3A_233 {strides = array<i32>} : memref<1024x1024xf32, #tpu.memory_space<vmem>>, vector<1024x1024xf32>,
    %get3A_237 = arith.constant 0 : index
    %get3A_238 = arith.constant 0 : index
    %get3A_239 = vector.load %arg4[%get3A_237, %get3A_238] : memref<1024x1024xf32, #tpu.memory_space<vmem>>, vector<1024x1024xf32>
    %reduce_max3A_240 = arith.constant dense<0xFF800000> : vector<1024xf32>
    %reduce_max3A_241 = vector.multi_reduction <maximumf>, %get3A_239, %reduce_max3A_240 [1] : vector<1024x1024xf32> to vector<1024xf32>
    %broadcast_in_dim3A_242 = vector.shape_cast %reduce_max3A_241 : vector<1024xf32> to vector<1024x1xf32>
    %eq3A_243 = vector.broadcast %broadcast_in_dim3A_242 : vector<1024x1xf32> to vector<1024x1024xf32>
    %eq3A_244 = arith.cmpf oeq, %get3A_239, %eq3A_243 : vector<1024x1024xf32>
    %jit3A_245 = arith.constant 1024 : i32
    %broadcast_in_dim3A_246 = vector.broadcast %jit3A_245 : i32 to vector<1024x1024xi32>
    %select_n3A_247 = arith.select %eq3A_244, %iota3A, %broadcast_in_dim3A_246 : vector<1024x1024xi1>, vector<1024x1024xi32>
    %reduce_min3A_248 = arith.constant dense<2147483647> : vector<1024xi32>
    %reduce_min3A_249 = vector.multi_reduction <minsi>, %select_n3A_247, %reduce_min3A_248 [1] : vector<1024x1024xi32> to vector<1024xi32>
    %swap3A_250 = arith.constant 0 : index
    %swap3A_251 = arith.constant 8 : index
    %swap3A_252 = arith.constant 0 : index
    %swap3A_253 = vector.load %arg3[%swap3A_250, %swap3A_251, %swap3A_252] : memref<1x20x1024xi32, #tpu.memory_space<vmem>>, vector<1x1x1024xi32>
    %swap3A_254 = vector.shape_cast %swap3A_253 : vector<1x1x1024xi32> to vector<1024xi32>
    %swap3A_255 = vector.shape_cast %reduce_min3A_249 : vector<1024xi32> to vector<1x1x1024xi32>
    tpu.vector_store %arg3[%swap3A_250, %swap3A_251, %swap3A_252], %swap3A_255 {strides = array<i32>} : memref<1x20x1024xi32, #tpu.memory_space<vmem>>, vector<1x1x1024xi32>,
    %broadcast_in_dim3A_256 = vector.shape_cast %reduce_min3A_249 : vector<1024xi32> to vector<1024x1xi32>
    %eq3A_257 = vector.broadcast %broadcast_in_dim3A_256 : vector<1024x1xi32> to vector<1024x1024xi32>
    %eq3A_258 = arith.cmpi eq, %iota3A, %eq3A_257 : vector<1024x1024xi32>
    %jit3A_259 = arith.constant 0xFF800000 : f32
    %broadcast_in_dim3A_260 = vector.broadcast %jit3A_259 : f32 to vector<1024x1024xf32>
    %select_n3A_261 = arith.select %eq3A_258, %broadcast_in_dim3A_260, %get3A_239 : vector<1024x1024xi1>, vector<1024x1024xf32>
    %swap3A_262 = arith.constant 0 : index
    %swap3A_263 = arith.constant 0 : index
    %swap3A_264 = vector.load %arg4[%swap3A_262, %swap3A_263] : memref<1024x1024xf32, #tpu.memory_space<vmem>>, vector<1024x1024xf32>
    tpu.vector_store %arg4[%swap3A_262, %swap3A_263], %select_n3A_261 {strides = array<i32>} : memref<1024x1024xf32, #tpu.memory_space<vmem>>, vector<1024x1024xf32>,
    %get3A_265 = arith.constant 0 : index
    %get3A_266 = arith.constant 0 : index
    %get3A_267 = vector.load %arg4[%get3A_265, %get3A_266] : memref<1024x1024xf32, #tpu.memory_space<vmem>>, vector<1024x1024xf32>
    %reduce_max3A_268 = arith.constant dense<0xFF800000> : vector<1024xf32>
    %reduce_max3A_269 = vector.multi_reduction <maximumf>, %get3A_267, %reduce_max3A_268 [1] : vector<1024x1024xf32> to vector<1024xf32>
    %broadcast_in_dim3A_270 = vector.shape_cast %reduce_max3A_269 : vector<1024xf32> to vector<1024x1xf32>
    %eq3A_271 = vector.broadcast %broadcast_in_dim3A_270 : vector<1024x1xf32> to vector<1024x1024xf32>
    %eq3A_272 = arith.cmpf oeq, %get3A_267, %eq3A_271 : vector<1024x1024xf32>
    %jit3A_273 = arith.constant 1024 : i32
    %broadcast_in_dim3A_274 = vector.broadcast %jit3A_273 : i32 to vector<1024x1024xi32>
    %select_n3A_275 = arith.select %eq3A_272, %iota3A, %broadcast_in_dim3A_274 : vector<1024x1024xi1>, vector<1024x1024xi32>
    %reduce_min3A_276 = arith.constant dense<2147483647> : vector<1024xi32>
    %reduce_min3A_277 = vector.multi_reduction <minsi>, %select_n3A_275, %reduce_min3A_276 [1] : vector<1024x1024xi32> to vector<1024xi32>
    %swap3A_278 = arith.constant 0 : index
    %swap3A_279 = arith.constant 9 : index
    %swap3A_280 = arith.constant 0 : index
    %swap3A_281 = vector.load %arg3[%swap3A_278, %swap3A_279, %swap3A_280] : memref<1x20x1024xi32, #tpu.memory_space<vmem>>, vector<1x1x1024xi32>
    %swap3A_282 = vector.shape_cast %swap3A_281 : vector<1x1x1024xi32> to vector<1024xi32>
    %swap3A_283 = vector.shape_cast %reduce_min3A_277 : vector<1024xi32> to vector<1x1x1024xi32>
    tpu.vector_store %arg3[%swap3A_278, %swap3A_279, %swap3A_280], %swap3A_283 {strides = array<i32>} : memref<1x20x1024xi32, #tpu.memory_space<vmem>>, vector<1x1x1024xi32>,
    %broadcast_in_dim3A_284 = vector.shape_cast %reduce_min3A_277 : vector<1024xi32> to vector<1024x1xi32>
    %eq3A_285 = vector.broadcast %broadcast_in_dim3A_284 : vector<1024x1xi32> to vector<1024x1024xi32>
    %eq3A_286 = arith.cmpi eq, %iota3A, %eq3A_285 : vector<1024x1024xi32>
    %jit3A_287 = arith.constant 0xFF800000 : f32
    %broadcast_in_dim3A_288 = vector.broadcast %jit3A_287 : f32 to vector<1024x1024xf32>
    %select_n3A_289 = arith.select %eq3A_286, %broadcast_in_dim3A_288, %get3A_267 : vector<1024x1024xi1>, vector<1024x1024xf32>
    %swap3A_290 = arith.constant 0 : index
    %swap3A_291 = arith.constant 0 : index
    %swap3A_292 = vector.load %arg4[%swap3A_290, %swap3A_291] : memref<1024x1024xf32, #tpu.memory_space<vmem>>, vector<1024x1024xf32>
    tpu.vector_store %arg4[%swap3A_290, %swap3A_291], %select_n3A_289 {strides = array<i32>} : memref<1024x1024xf32, #tpu.memory_space<vmem>>, vector<1024x1024xf32>,
    %get3A_293 = arith.constant 0 : index
    %get3A_294 = arith.constant 0 : index
    %get3A_295 = vector.load %arg4[%get3A_293, %get3A_294] : memref<1024x1024xf32, #tpu.memory_space<vmem>>, vector<1024x1024xf32>
    %reduce_max3A_296 = arith.constant dense<0xFF800000> : vector<1024xf32>
    %reduce_max3A_297 = vector.multi_reduction <maximumf>, %get3A_295, %reduce_max3A_296 [1] : vector<1024x1024xf32> to vector<1024xf32>
    %broadcast_in_dim3A_298 = vector.shape_cast %reduce_max3A_297 : vector<1024xf32> to vector<1024x1xf32>
    %eq3A_299 = vector.broadcast %broadcast_in_dim3A_298 : vector<1024x1xf32> to vector<1024x1024xf32>
    %eq3A_300 = arith.cmpf oeq, %get3A_295, %eq3A_299 : vector<1024x1024xf32>
    %jit3A_301 = arith.constant 1024 : i32
    %broadcast_in_dim3A_302 = vector.broadcast %jit3A_301 : i32 to vector<1024x1024xi32>
    %select_n3A_303 = arith.select %eq3A_300, %iota3A, %broadcast_in_dim3A_302 : vector<1024x1024xi1>, vector<1024x1024xi32>
    %reduce_min3A_304 = arith.constant dense<2147483647> : vector<1024xi32>
    %reduce_min3A_305 = vector.multi_reduction <minsi>, %select_n3A_303, %reduce_min3A_304 [1] : vector<1024x1024xi32> to vector<1024xi32>
    %swap3A_306 = arith.constant 0 : index
    %swap3A_307 = arith.constant 10 : index
    %swap3A_308 = arith.constant 0 : index
    %swap3A_309 = vector.load %arg3[%swap3A_306, %swap3A_307, %swap3A_308] : memref<1x20x1024xi32, #tpu.memory_space<vmem>>, vector<1x1x1024xi32>
    %swap3A_310 = vector.shape_cast %swap3A_309 : vector<1x1x1024xi32> to vector<1024xi32>
    %swap3A_311 = vector.shape_cast %reduce_min3A_305 : vector<1024xi32> to vector<1x1x1024xi32>
    tpu.vector_store %arg3[%swap3A_306, %swap3A_307, %swap3A_308], %swap3A_311 {strides = array<i32>} : memref<1x20x1024xi32, #tpu.memory_space<vmem>>, vector<1x1x1024xi32>,
    %broadcast_in_dim3A_312 = vector.shape_cast %reduce_min3A_305 : vector<1024xi32> to vector<1024x1xi32>
    %eq3A_313 = vector.broadcast %broadcast_in_dim3A_312 : vector<1024x1xi32> to vector<1024x1024xi32>
    %eq3A_314 = arith.cmpi eq, %iota3A, %eq3A_313 : vector<1024x1024xi32>
    %jit3A_315 = arith.constant 0xFF800000 : f32
    %broadcast_in_dim3A_316 = vector.broadcast %jit3A_315 : f32 to vector<1024x1024xf32>
    %select_n3A_317 = arith.select %eq3A_314, %broadcast_in_dim3A_316, %get3A_295 : vector<1024x1024xi1>, vector<1024x1024xf32>
    %swap3A_318 = arith.constant 0 : index
    %swap3A_319 = arith.constant 0 : index
    %swap3A_320 = vector.load %arg4[%swap3A_318, %swap3A_319] : memref<1024x1024xf32, #tpu.memory_space<vmem>>, vector<1024x1024xf32>
    tpu.vector_store %arg4[%swap3A_318, %swap3A_319], %select_n3A_317 {strides = array<i32>} : memref<1024x1024xf32, #tpu.memory_space<vmem>>, vector<1024x1024xf32>,
    %get3A_321 = arith.constant 0 : index
    %get3A_322 = arith.constant 0 : index
    %get3A_323 = vector.load %arg4[%get3A_321, %get3A_322] : memref<1024x1024xf32, #tpu.memory_space<vmem>>, vector<1024x1024xf32>
    %reduce_max3A_324 = arith.constant dense<0xFF800000> : vector<1024xf32>
    %reduce_max3A_325 = vector.multi_reduction <maximumf>, %get3A_323, %reduce_max3A_324 [1] : vector<1024x1024xf32> to vector<1024xf32>
    %broadcast_in_dim3A_326 = vector.shape_cast %reduce_max3A_325 : vector<1024xf32> to vector<1024x1xf32>
    %eq3A_327 = vector.broadcast %broadcast_in_dim3A_326 : vector<1024x1xf32> to vector<1024x1024xf32>
    %eq3A_328 = arith.cmpf oeq, %get3A_323, %eq3A_327 : vector<1024x1024xf32>
    %jit3A_329 = arith.constant 1024 : i32
    %broadcast_in_dim3A_330 = vector.broadcast %jit3A_329 : i32 to vector<1024x1024xi32>
    %select_n3A_331 = arith.select %eq3A_328, %iota3A, %broadcast_in_dim3A_330 : vector<1024x1024xi1>, vector<1024x1024xi32>
    %reduce_min3A_332 = arith.constant dense<2147483647> : vector<1024xi32>
    %reduce_min3A_333 = vector.multi_reduction <minsi>, %select_n3A_331, %reduce_min3A_332 [1] : vector<1024x1024xi32> to vector<1024xi32>
    %swap3A_334 = arith.constant 0 : index
    %swap3A_335 = arith.constant 11 : index
    %swap3A_336 = arith.constant 0 : index
    %swap3A_337 = vector.load %arg3[%swap3A_334, %swap3A_335, %swap3A_336] : memref<1x20x1024xi32, #tpu.memory_space<vmem>>, vector<1x1x1024xi32>
    %swap3A_338 = vector.shape_cast %swap3A_337 : vector<1x1x1024xi32> to vector<1024xi32>
    %swap3A_339 = vector.shape_cast %reduce_min3A_333 : vector<1024xi32> to vector<1x1x1024xi32>
    tpu.vector_store %arg3[%swap3A_334, %swap3A_335, %swap3A_336], %swap3A_339 {strides = array<i32>} : memref<1x20x1024xi32, #tpu.memory_space<vmem>>, vector<1x1x1024xi32>,
    %broadcast_in_dim3A_340 = vector.shape_cast %reduce_min3A_333 : vector<1024xi32> to vector<1024x1xi32>
    %eq3A_341 = vector.broadcast %broadcast_in_dim3A_340 : vector<1024x1xi32> to vector<1024x1024xi32>
    %eq3A_342 = arith.cmpi eq, %iota3A, %eq3A_341 : vector<1024x1024xi32>
    %jit3A_343 = arith.constant 0xFF800000 : f32
    %broadcast_in_dim3A_344 = vector.broadcast %jit3A_343 : f32 to vector<1024x1024xf32>
    %select_n3A_345 = arith.select %eq3A_342, %broadcast_in_dim3A_344, %get3A_323 : vector<1024x1024xi1>, vector<1024x1024xf32>
    %swap3A_346 = arith.constant 0 : index
    %swap3A_347 = arith.constant 0 : index
    %swap3A_348 = vector.load %arg4[%swap3A_346, %swap3A_347] : memref<1024x1024xf32, #tpu.memory_space<vmem>>, vector<1024x1024xf32>
    tpu.vector_store %arg4[%swap3A_346, %swap3A_347], %select_n3A_345 {strides = array<i32>} : memref<1024x1024xf32, #tpu.memory_space<vmem>>, vector<1024x1024xf32>,
    %get3A_349 = arith.constant 0 : index
    %get3A_350 = arith.constant 0 : index
    %get3A_351 = vector.load %arg4[%get3A_349, %get3A_350] : memref<1024x1024xf32, #tpu.memory_space<vmem>>, vector<1024x1024xf32>
    %reduce_max3A_352 = arith.constant dense<0xFF800000> : vector<1024xf32>
    %reduce_max3A_353 = vector.multi_reduction <maximumf>, %get3A_351, %reduce_max3A_352 [1] : vector<1024x1024xf32> to vector<1024xf32>
    %broadcast_in_dim3A_354 = vector.shape_cast %reduce_max3A_353 : vector<1024xf32> to vector<1024x1xf32>
    %eq3A_355 = vector.broadcast %broadcast_in_dim3A_354 : vector<1024x1xf32> to vector<1024x1024xf32>
    %eq3A_356 = arith.cmpf oeq, %get3A_351, %eq3A_355 : vector<1024x1024xf32>
    %jit3A_357 = arith.constant 1024 : i32
    %broadcast_in_dim3A_358 = vector.broadcast %jit3A_357 : i32 to vector<1024x1024xi32>
    %select_n3A_359 = arith.select %eq3A_356, %iota3A, %broadcast_in_dim3A_358 : vector<1024x1024xi1>, vector<1024x1024xi32>
    %reduce_min3A_360 = arith.constant dense<2147483647> : vector<1024xi32>
    %reduce_min3A_361 = vector.multi_reduction <minsi>, %select_n3A_359, %reduce_min3A_360 [1] : vector<1024x1024xi32> to vector<1024xi32>
    %swap3A_362 = arith.constant 0 : index
    %swap3A_363 = arith.constant 12 : index
    %swap3A_364 = arith.constant 0 : index
    %swap3A_365 = vector.load %arg3[%swap3A_362, %swap3A_363, %swap3A_364] : memref<1x20x1024xi32, #tpu.memory_space<vmem>>, vector<1x1x1024xi32>
    %swap3A_366 = vector.shape_cast %swap3A_365 : vector<1x1x1024xi32> to vector<1024xi32>
    %swap3A_367 = vector.shape_cast %reduce_min3A_361 : vector<1024xi32> to vector<1x1x1024xi32>
    tpu.vector_store %arg3[%swap3A_362, %swap3A_363, %swap3A_364], %swap3A_367 {strides = array<i32>} : memref<1x20x1024xi32, #tpu.memory_space<vmem>>, vector<1x1x1024xi32>,
    %broadcast_in_dim3A_368 = vector.shape_cast %reduce_min3A_361 : vector<1024xi32> to vector<1024x1xi32>
    %eq3A_369 = vector.broadcast %broadcast_in_dim3A_368 : vector<1024x1xi32> to vector<1024x1024xi32>
    %eq3A_370 = arith.cmpi eq, %iota3A, %eq3A_369 : vector<1024x1024xi32>
    %jit3A_371 = arith.constant 0xFF800000 : f32
    %broadcast_in_dim3A_372 = vector.broadcast %jit3A_371 : f32 to vector<1024x1024xf32>
    %select_n3A_373 = arith.select %eq3A_370, %broadcast_in_dim3A_372, %get3A_351 : vector<1024x1024xi1>, vector<1024x1024xf32>
    %swap3A_374 = arith.constant 0 : index
    %swap3A_375 = arith.constant 0 : index
    %swap3A_376 = vector.load %arg4[%swap3A_374, %swap3A_375] : memref<1024x1024xf32, #tpu.memory_space<vmem>>, vector<1024x1024xf32>
    tpu.vector_store %arg4[%swap3A_374, %swap3A_375], %select_n3A_373 {strides = array<i32>} : memref<1024x1024xf32, #tpu.memory_space<vmem>>, vector<1024x1024xf32>,
    %get3A_377 = arith.constant 0 : index
    %get3A_378 = arith.constant 0 : index
    %get3A_379 = vector.load %arg4[%get3A_377, %get3A_378] : memref<1024x1024xf32, #tpu.memory_space<vmem>>, vector<1024x1024xf32>
    %reduce_max3A_380 = arith.constant dense<0xFF800000> : vector<1024xf32>
    %reduce_max3A_381 = vector.multi_reduction <maximumf>, %get3A_379, %reduce_max3A_380 [1] : vector<1024x1024xf32> to vector<1024xf32>
    %broadcast_in_dim3A_382 = vector.shape_cast %reduce_max3A_381 : vector<1024xf32> to vector<1024x1xf32>
    %eq3A_383 = vector.broadcast %broadcast_in_dim3A_382 : vector<1024x1xf32> to vector<1024x1024xf32>
    %eq3A_384 = arith.cmpf oeq, %get3A_379, %eq3A_383 : vector<1024x1024xf32>
    %jit3A_385 = arith.constant 1024 : i32
    %broadcast_in_dim3A_386 = vector.broadcast %jit3A_385 : i32 to vector<1024x1024xi32>
    %select_n3A_387 = arith.select %eq3A_384, %iota3A, %broadcast_in_dim3A_386 : vector<1024x1024xi1>, vector<1024x1024xi32>
    %reduce_min3A_388 = arith.constant dense<2147483647> : vector<1024xi32>
    %reduce_min3A_389 = vector.multi_reduction <minsi>, %select_n3A_387, %reduce_min3A_388 [1] : vector<1024x1024xi32> to vector<1024xi32>
    %swap3A_390 = arith.constant 0 : index
    %swap3A_391 = arith.constant 13 : index
    %swap3A_392 = arith.constant 0 : index
    %swap3A_393 = vector.load %arg3[%swap3A_390, %swap3A_391, %swap3A_392] : memref<1x20x1024xi32, #tpu.memory_space<vmem>>, vector<1x1x1024xi32>
    %swap3A_394 = vector.shape_cast %swap3A_393 : vector<1x1x1024xi32> to vector<1024xi32>
    %swap3A_395 = vector.shape_cast %reduce_min3A_389 : vector<1024xi32> to vector<1x1x1024xi32>
    tpu.vector_store %arg3[%swap3A_390, %swap3A_391, %swap3A_392], %swap3A_395 {strides = array<i32>} : memref<1x20x1024xi32, #tpu.memory_space<vmem>>, vector<1x1x1024xi32>,
    %broadcast_in_dim3A_396 = vector.shape_cast %reduce_min3A_389 : vector<1024xi32> to vector<1024x1xi32>
    %eq3A_397 = vector.broadcast %broadcast_in_dim3A_396 : vector<1024x1xi32> to vector<1024x1024xi32>
    %eq3A_398 = arith.cmpi eq, %iota3A, %eq3A_397 : vector<1024x1024xi32>
    %jit3A_399 = arith.constant 0xFF800000 : f32
    %broadcast_in_dim3A_400 = vector.broadcast %jit3A_399 : f32 to vector<1024x1024xf32>
    %select_n3A_401 = arith.select %eq3A_398, %broadcast_in_dim3A_400, %get3A_379 : vector<1024x1024xi1>, vector<1024x1024xf32>
    %swap3A_402 = arith.constant 0 : index
    %swap3A_403 = arith.constant 0 : index
    %swap3A_404 = vector.load %arg4[%swap3A_402, %swap3A_403] : memref<1024x1024xf32, #tpu.memory_space<vmem>>, vector<1024x1024xf32>
    tpu.vector_store %arg4[%swap3A_402, %swap3A_403], %select_n3A_401 {strides = array<i32>} : memref<1024x1024xf32, #tpu.memory_space<vmem>>, vector<1024x1024xf32>,
    %get3A_405 = arith.constant 0 : index
    %get3A_406 = arith.constant 0 : index
    %get3A_407 = vector.load %arg4[%get3A_405, %get3A_406] : memref<1024x1024xf32, #tpu.memory_space<vmem>>, vector<1024x1024xf32>
    %reduce_max3A_408 = arith.constant dense<0xFF800000> : vector<1024xf32>
    %reduce_max3A_409 = vector.multi_reduction <maximumf>, %get3A_407, %reduce_max3A_408 [1] : vector<1024x1024xf32> to vector<1024xf32>
    %broadcast_in_dim3A_410 = vector.shape_cast %reduce_max3A_409 : vector<1024xf32> to vector<1024x1xf32>
    %eq3A_411 = vector.broadcast %broadcast_in_dim3A_410 : vector<1024x1xf32> to vector<1024x1024xf32>
    %eq3A_412 = arith.cmpf oeq, %get3A_407, %eq3A_411 : vector<1024x1024xf32>
    %jit3A_413 = arith.constant 1024 : i32
    %broadcast_in_dim3A_414 = vector.broadcast %jit3A_413 : i32 to vector<1024x1024xi32>
    %select_n3A_415 = arith.select %eq3A_412, %iota3A, %broadcast_in_dim3A_414 : vector<1024x1024xi1>, vector<1024x1024xi32>
    %reduce_min3A_416 = arith.constant dense<2147483647> : vector<1024xi32>
    %reduce_min3A_417 = vector.multi_reduction <minsi>, %select_n3A_415, %reduce_min3A_416 [1] : vector<1024x1024xi32> to vector<1024xi32>
    %swap3A_418 = arith.constant 0 : index
    %swap3A_419 = arith.constant 14 : index
    %swap3A_420 = arith.constant 0 : index
    %swap3A_421 = vector.load %arg3[%swap3A_418, %swap3A_419, %swap3A_420] : memref<1x20x1024xi32, #tpu.memory_space<vmem>>, vector<1x1x1024xi32>
    %swap3A_422 = vector.shape_cast %swap3A_421 : vector<1x1x1024xi32> to vector<1024xi32>
    %swap3A_423 = vector.shape_cast %reduce_min3A_417 : vector<1024xi32> to vector<1x1x1024xi32>
    tpu.vector_store %arg3[%swap3A_418, %swap3A_419, %swap3A_420], %swap3A_423 {strides = array<i32>} : memref<1x20x1024xi32, #tpu.memory_space<vmem>>, vector<1x1x1024xi32>,
    %broadcast_in_dim3A_424 = vector.shape_cast %reduce_min3A_417 : vector<1024xi32> to vector<1024x1xi32>
    %eq3A_425 = vector.broadcast %broadcast_in_dim3A_424 : vector<1024x1xi32> to vector<1024x1024xi32>
    %eq3A_426 = arith.cmpi eq, %iota3A, %eq3A_425 : vector<1024x1024xi32>
    %jit3A_427 = arith.constant 0xFF800000 : f32
    %broadcast_in_dim3A_428 = vector.broadcast %jit3A_427 : f32 to vector<1024x1024xf32>
    %select_n3A_429 = arith.select %eq3A_426, %broadcast_in_dim3A_428, %get3A_407 : vector<1024x1024xi1>, vector<1024x1024xf32>
    %swap3A_430 = arith.constant 0 : index
    %swap3A_431 = arith.constant 0 : index
    %swap3A_432 = vector.load %arg4[%swap3A_430, %swap3A_431] : memref<1024x1024xf32, #tpu.memory_space<vmem>>, vector<1024x1024xf32>
    tpu.vector_store %arg4[%swap3A_430, %swap3A_431], %select_n3A_429 {strides = array<i32>} : memref<1024x1024xf32, #tpu.memory_space<vmem>>, vector<1024x1024xf32>,
    %get3A_433 = arith.constant 0 : index
    %get3A_434 = arith.constant 0 : index
    %get3A_435 = vector.load %arg4[%get3A_433, %get3A_434] : memref<1024x1024xf32, #tpu.memory_space<vmem>>, vector<1024x1024xf32>
    %reduce_max3A_436 = arith.constant dense<0xFF800000> : vector<1024xf32>
    %reduce_max3A_437 = vector.multi_reduction <maximumf>, %get3A_435, %reduce_max3A_436 [1] : vector<1024x1024xf32> to vector<1024xf32>
    %broadcast_in_dim3A_438 = vector.shape_cast %reduce_max3A_437 : vector<1024xf32> to vector<1024x1xf32>
    %eq3A_439 = vector.broadcast %broadcast_in_dim3A_438 : vector<1024x1xf32> to vector<1024x1024xf32>
    %eq3A_440 = arith.cmpf oeq, %get3A_435, %eq3A_439 : vector<1024x1024xf32>
    %jit3A_441 = arith.constant 1024 : i32
    %broadcast_in_dim3A_442 = vector.broadcast %jit3A_441 : i32 to vector<1024x1024xi32>
    %select_n3A_443 = arith.select %eq3A_440, %iota3A, %broadcast_in_dim3A_442 : vector<1024x1024xi1>, vector<1024x1024xi32>
    %reduce_min3A_444 = arith.constant dense<2147483647> : vector<1024xi32>
    %reduce_min3A_445 = vector.multi_reduction <minsi>, %select_n3A_443, %reduce_min3A_444 [1] : vector<1024x1024xi32> to vector<1024xi32>
    %swap3A_446 = arith.constant 0 : index
    %swap3A_447 = arith.constant 15 : index
    %swap3A_448 = arith.constant 0 : index
    %swap3A_449 = vector.load %arg3[%swap3A_446, %swap3A_447, %swap3A_448] : memref<1x20x1024xi32, #tpu.memory_space<vmem>>, vector<1x1x1024xi32>
    %swap3A_450 = vector.shape_cast %swap3A_449 : vector<1x1x1024xi32> to vector<1024xi32>
    %swap3A_451 = vector.shape_cast %reduce_min3A_445 : vector<1024xi32> to vector<1x1x1024xi32>
    tpu.vector_store %arg3[%swap3A_446, %swap3A_447, %swap3A_448], %swap3A_451 {strides = array<i32>} : memref<1x20x1024xi32, #tpu.memory_space<vmem>>, vector<1x1x1024xi32>,
    %broadcast_in_dim3A_452 = vector.shape_cast %reduce_min3A_445 : vector<1024xi32> to vector<1024x1xi32>
    %eq3A_453 = vector.broadcast %broadcast_in_dim3A_452 : vector<1024x1xi32> to vector<1024x1024xi32>
    %eq3A_454 = arith.cmpi eq, %iota3A, %eq3A_453 : vector<1024x1024xi32>
    %jit3A_455 = arith.constant 0xFF800000 : f32
    %broadcast_in_dim3A_456 = vector.broadcast %jit3A_455 : f32 to vector<1024x1024xf32>
    %select_n3A_457 = arith.select %eq3A_454, %broadcast_in_dim3A_456, %get3A_435 : vector<1024x1024xi1>, vector<1024x1024xf32>
    %swap3A_458 = arith.constant 0 : index
    %swap3A_459 = arith.constant 0 : index
    %swap3A_460 = vector.load %arg4[%swap3A_458, %swap3A_459] : memref<1024x1024xf32, #tpu.memory_space<vmem>>, vector<1024x1024xf32>
    tpu.vector_store %arg4[%swap3A_458, %swap3A_459], %select_n3A_457 {strides = array<i32>} : memref<1024x1024xf32, #tpu.memory_space<vmem>>, vector<1024x1024xf32>,
    %get3A_461 = arith.constant 0 : index
    %get3A_462 = arith.constant 0 : index
    %get3A_463 = vector.load %arg4[%get3A_461, %get3A_462] : memref<1024x1024xf32, #tpu.memory_space<vmem>>, vector<1024x1024xf32>
    %reduce_max3A_464 = arith.constant dense<0xFF800000> : vector<1024xf32>
    %reduce_max3A_465 = vector.multi_reduction <maximumf>, %get3A_463, %reduce_max3A_464 [1] : vector<1024x1024xf32> to vector<1024xf32>
    %broadcast_in_dim3A_466 = vector.shape_cast %reduce_max3A_465 : vector<1024xf32> to vector<1024x1xf32>
    %eq3A_467 = vector.broadcast %broadcast_in_dim3A_466 : vector<1024x1xf32> to vector<1024x1024xf32>
    %eq3A_468 = arith.cmpf oeq, %get3A_463, %eq3A_467 : vector<1024x1024xf32>
    %jit3A_469 = arith.constant 1024 : i32
    %broadcast_in_dim3A_470 = vector.broadcast %jit3A_469 : i32 to vector<1024x1024xi32>
    %select_n3A_471 = arith.select %eq3A_468, %iota3A, %broadcast_in_dim3A_470 : vector<1024x1024xi1>, vector<1024x1024xi32>
    %reduce_min3A_472 = arith.constant dense<2147483647> : vector<1024xi32>
    %reduce_min3A_473 = vector.multi_reduction <minsi>, %select_n3A_471, %reduce_min3A_472 [1] : vector<1024x1024xi32> to vector<1024xi32>
    %swap3A_474 = arith.constant 0 : index
    %swap3A_475 = arith.constant 16 : index
    %swap3A_476 = arith.constant 0 : index
    %swap3A_477 = vector.load %arg3[%swap3A_474, %swap3A_475, %swap3A_476] : memref<1x20x1024xi32, #tpu.memory_space<vmem>>, vector<1x1x1024xi32>
    %swap3A_478 = vector.shape_cast %swap3A_477 : vector<1x1x1024xi32> to vector<1024xi32>
    %swap3A_479 = vector.shape_cast %reduce_min3A_473 : vector<1024xi32> to vector<1x1x1024xi32>
    tpu.vector_store %arg3[%swap3A_474, %swap3A_475, %swap3A_476], %swap3A_479 {strides = array<i32>} : memref<1x20x1024xi32, #tpu.memory_space<vmem>>, vector<1x1x1024xi32>,
    %broadcast_in_dim3A_480 = vector.shape_cast %reduce_min3A_473 : vector<1024xi32> to vector<1024x1xi32>
    %eq3A_481 = vector.broadcast %broadcast_in_dim3A_480 : vector<1024x1xi32> to vector<1024x1024xi32>
    %eq3A_482 = arith.cmpi eq, %iota3A, %eq3A_481 : vector<1024x1024xi32>
    %jit3A_483 = arith.constant 0xFF800000 : f32
    %broadcast_in_dim3A_484 = vector.broadcast %jit3A_483 : f32 to vector<1024x1024xf32>
    %select_n3A_485 = arith.select %eq3A_482, %broadcast_in_dim3A_484, %get3A_463 : vector<1024x1024xi1>, vector<1024x1024xf32>
    %swap3A_486 = arith.constant 0 : index
    %swap3A_487 = arith.constant 0 : index
    %swap3A_488 = vector.load %arg4[%swap3A_486, %swap3A_487] : memref<1024x1024xf32, #tpu.memory_space<vmem>>, vector<1024x1024xf32>
    tpu.vector_store %arg4[%swap3A_486, %swap3A_487], %select_n3A_485 {strides = array<i32>} : memref<1024x1024xf32, #tpu.memory_space<vmem>>, vector<1024x1024xf32>,
    %get3A_489 = arith.constant 0 : index
    %get3A_490 = arith.constant 0 : index
    %get3A_491 = vector.load %arg4[%get3A_489, %get3A_490] : memref<1024x1024xf32, #tpu.memory_space<vmem>>, vector<1024x1024xf32>
    %reduce_max3A_492 = arith.constant dense<0xFF800000> : vector<1024xf32>
    %reduce_max3A_493 = vector.multi_reduction <maximumf>, %get3A_491, %reduce_max3A_492 [1] : vector<1024x1024xf32> to vector<1024xf32>
    %broadcast_in_dim3A_494 = vector.shape_cast %reduce_max3A_493 : vector<1024xf32> to vector<1024x1xf32>
    %eq3A_495 = vector.broadcast %broadcast_in_dim3A_494 : vector<1024x1xf32> to vector<1024x1024xf32>
    %eq3A_496 = arith.cmpf oeq, %get3A_491, %eq3A_495 : vector<1024x1024xf32>
    %jit3A_497 = arith.constant 1024 : i32
    %broadcast_in_dim3A_498 = vector.broadcast %jit3A_497 : i32 to vector<1024x1024xi32>
    %select_n3A_499 = arith.select %eq3A_496, %iota3A, %broadcast_in_dim3A_498 : vector<1024x1024xi1>, vector<1024x1024xi32>
    %reduce_min3A_500 = arith.constant dense<2147483647> : vector<1024xi32>
    %reduce_min3A_501 = vector.multi_reduction <minsi>, %select_n3A_499, %reduce_min3A_500 [1] : vector<1024x1024xi32> to vector<1024xi32>
    %swap3A_502 = arith.constant 0 : index
    %swap3A_503 = arith.constant 17 : index
    %swap3A_504 = arith.constant 0 : index
    %swap3A_505 = vector.load %arg3[%swap3A_502, %swap3A_503, %swap3A_504] : memref<1x20x1024xi32, #tpu.memory_space<vmem>>, vector<1x1x1024xi32>
    %swap3A_506 = vector.shape_cast %swap3A_505 : vector<1x1x1024xi32> to vector<1024xi32>
    %swap3A_507 = vector.shape_cast %reduce_min3A_501 : vector<1024xi32> to vector<1x1x1024xi32>
    tpu.vector_store %arg3[%swap3A_502, %swap3A_503, %swap3A_504], %swap3A_507 {strides = array<i32>} : memref<1x20x1024xi32, #tpu.memory_space<vmem>>, vector<1x1x1024xi32>,
    %broadcast_in_dim3A_508 = vector.shape_cast %reduce_min3A_501 : vector<1024xi32> to vector<1024x1xi32>
    %eq3A_509 = vector.broadcast %broadcast_in_dim3A_508 : vector<1024x1xi32> to vector<1024x1024xi32>
    %eq3A_510 = arith.cmpi eq, %iota3A, %eq3A_509 : vector<1024x1024xi32>
    %jit3A_511 = arith.constant 0xFF800000 : f32
    %broadcast_in_dim3A_512 = vector.broadcast %jit3A_511 : f32 to vector<1024x1024xf32>
    %select_n3A_513 = arith.select %eq3A_510, %broadcast_in_dim3A_512, %get3A_491 : vector<1024x1024xi1>, vector<1024x1024xf32>
    %swap3A_514 = arith.constant 0 : index
    %swap3A_515 = arith.constant 0 : index
    %swap3A_516 = vector.load %arg4[%swap3A_514, %swap3A_515] : memref<1024x1024xf32, #tpu.memory_space<vmem>>, vector<1024x1024xf32>
    tpu.vector_store %arg4[%swap3A_514, %swap3A_515], %select_n3A_513 {strides = array<i32>} : memref<1024x1024xf32, #tpu.memory_space<vmem>>, vector<1024x1024xf32>,
    %get3A_517 = arith.constant 0 : index
    %get3A_518 = arith.constant 0 : index
    %get3A_519 = vector.load %arg4[%get3A_517, %get3A_518] : memref<1024x1024xf32, #tpu.memory_space<vmem>>, vector<1024x1024xf32>
    %reduce_max3A_520 = arith.constant dense<0xFF800000> : vector<1024xf32>
    %reduce_max3A_521 = vector.multi_reduction <maximumf>, %get3A_519, %reduce_max3A_520 [1] : vector<1024x1024xf32> to vector<1024xf32>
    %broadcast_in_dim3A_522 = vector.shape_cast %reduce_max3A_521 : vector<1024xf32> to vector<1024x1xf32>
    %eq3A_523 = vector.broadcast %broadcast_in_dim3A_522 : vector<1024x1xf32> to vector<1024x1024xf32>
    %eq3A_524 = arith.cmpf oeq, %get3A_519, %eq3A_523 : vector<1024x1024xf32>
    %jit3A_525 = arith.constant 1024 : i32
    %broadcast_in_dim3A_526 = vector.broadcast %jit3A_525 : i32 to vector<1024x1024xi32>
    %select_n3A_527 = arith.select %eq3A_524, %iota3A, %broadcast_in_dim3A_526 : vector<1024x1024xi1>, vector<1024x1024xi32>
    %reduce_min3A_528 = arith.constant dense<2147483647> : vector<1024xi32>
    %reduce_min3A_529 = vector.multi_reduction <minsi>, %select_n3A_527, %reduce_min3A_528 [1] : vector<1024x1024xi32> to vector<1024xi32>
    %swap3A_530 = arith.constant 0 : index
    %swap3A_531 = arith.constant 18 : index
    %swap3A_532 = arith.constant 0 : index
    %swap3A_533 = vector.load %arg3[%swap3A_530, %swap3A_531, %swap3A_532] : memref<1x20x1024xi32, #tpu.memory_space<vmem>>, vector<1x1x1024xi32>
    %swap3A_534 = vector.shape_cast %swap3A_533 : vector<1x1x1024xi32> to vector<1024xi32>
    %swap3A_535 = vector.shape_cast %reduce_min3A_529 : vector<1024xi32> to vector<1x1x1024xi32>
    tpu.vector_store %arg3[%swap3A_530, %swap3A_531, %swap3A_532], %swap3A_535 {strides = array<i32>} : memref<1x20x1024xi32, #tpu.memory_space<vmem>>, vector<1x1x1024xi32>,
    %broadcast_in_dim3A_536 = vector.shape_cast %reduce_min3A_529 : vector<1024xi32> to vector<1024x1xi32>
    %eq3A_537 = vector.broadcast %broadcast_in_dim3A_536 : vector<1024x1xi32> to vector<1024x1024xi32>
    %eq3A_538 = arith.cmpi eq, %iota3A, %eq3A_537 : vector<1024x1024xi32>
    %jit3A_539 = arith.constant 0xFF800000 : f32
    %broadcast_in_dim3A_540 = vector.broadcast %jit3A_539 : f32 to vector<1024x1024xf32>
    %select_n3A_541 = arith.select %eq3A_538, %broadcast_in_dim3A_540, %get3A_519 : vector<1024x1024xi1>, vector<1024x1024xf32>
    %swap3A_542 = arith.constant 0 : index
    %swap3A_543 = arith.constant 0 : index
    %swap3A_544 = vector.load %arg4[%swap3A_542, %swap3A_543] : memref<1024x1024xf32, #tpu.memory_space<vmem>>, vector<1024x1024xf32>
    tpu.vector_store %arg4[%swap3A_542, %swap3A_543], %select_n3A_541 {strides = array<i32>} : memref<1024x1024xf32, #tpu.memory_space<vmem>>, vector<1024x1024xf32>,
    %get3A_545 = arith.constant 0 : index
    %get3A_546 = arith.constant 0 : index
    %get3A_547 = vector.load %arg4[%get3A_545, %get3A_546] : memref<1024x1024xf32, #tpu.memory_space<vmem>>, vector<1024x1024xf32>
    %reduce_max3A_548 = arith.constant dense<0xFF800000> : vector<1024xf32>
    %reduce_max3A_549 = vector.multi_reduction <maximumf>, %get3A_547, %reduce_max3A_548 [1] : vector<1024x1024xf32> to vector<1024xf32>
    %broadcast_in_dim3A_550 = vector.shape_cast %reduce_max3A_549 : vector<1024xf32> to vector<1024x1xf32>
    %eq3A_551 = vector.broadcast %broadcast_in_dim3A_550 : vector<1024x1xf32> to vector<1024x1024xf32>
    %eq3A_552 = arith.cmpf oeq, %get3A_547, %eq3A_551 : vector<1024x1024xf32>
    %jit3A_553 = arith.constant 1024 : i32
    %broadcast_in_dim3A_554 = vector.broadcast %jit3A_553 : i32 to vector<1024x1024xi32>
    %select_n3A_555 = arith.select %eq3A_552, %iota3A, %broadcast_in_dim3A_554 : vector<1024x1024xi1>, vector<1024x1024xi32>
    %reduce_min3A_556 = arith.constant dense<2147483647> : vector<1024xi32>
    %reduce_min3A_557 = vector.multi_reduction <minsi>, %select_n3A_555, %reduce_min3A_556 [1] : vector<1024x1024xi32> to vector<1024xi32>
    %swap3A_558 = arith.constant 0 : index
    %swap3A_559 = arith.constant 19 : index
    %swap3A_560 = arith.constant 0 : index
    %swap3A_561 = vector.load %arg3[%swap3A_558, %swap3A_559, %swap3A_560] : memref<1x20x1024xi32, #tpu.memory_space<vmem>>, vector<1x1x1024xi32>
    %swap3A_562 = vector.shape_cast %swap3A_561 : vector<1x1x1024xi32> to vector<1024xi32>
    %swap3A_563 = vector.shape_cast %reduce_min3A_557 : vector<1024xi32> to vector<1x1x1024xi32>
    tpu.vector_store %arg3[%swap3A_558, %swap3A_559, %swap3A_560], %swap3A_563 {strides = array<i32>} : memref<1x20x1024xi32, #tpu.memory_space<vmem>>, vector<1x1x1024xi32>,
    %broadcast_in_dim3A_564 = vector.shape_cast %reduce_min3A_557 : vector<1024xi32> to vector<1024x1xi32>
    %eq3A_565 = vector.broadcast %broadcast_in_dim3A_564 : vector<1024x1xi32> to vector<1024x1024xi32>
    %eq3A_566 = arith.cmpi eq, %iota3A, %eq3A_565 : vector<1024x1024xi32>
    %jit3A_567 = arith.constant 0xFF800000 : f32
    %broadcast_in_dim3A_568 = vector.broadcast %jit3A_567 : f32 to vector<1024x1024xf32>
    %select_n3A_569 = arith.select %eq3A_566, %broadcast_in_dim3A_568, %get3A_547 : vector<1024x1024xi1>, vector<1024x1024xf32>
    %swap3A_570 = arith.constant 0 : index
    %swap3A_571 = arith.constant 0 : index
    %swap3A_572 = vector.load %arg4[%swap3A_570, %swap3A_571] : memref<1024x1024xf32, #tpu.memory_space<vmem>>, vector<1024x1024xf32>
    tpu.vector_store %arg4[%swap3A_570, %swap3A_571], %select_n3A_569 {strides = array<i32>} : memref<1024x1024xf32, #tpu.memory_space<vmem>>, vector<1024x1024xf32>,
    return
  }
  func.func @transform_0(%arg0: i32) -> (i32, i32, i32) {
    %c0_i32 = arith.constant 0 : i32
    %c0_i32_0 = arith.constant 0 : i32
    %c0_i32_1 = arith.constant 0 : i32
    return %arg0, %c0_i32, %c0_i32_0 : i32, i32, i32
  }
  func.func @transform_1(%arg0: i32) -> (i32, i32, i32) {
    %c0_i32 = arith.constant 0 : i32
    %c0_i32_0 = arith.constant 0 : i32
    %c0_i32_1 = arith.constant 0 : i32
    return %arg0, %c0_i32, %c0_i32_0 : i32, i32, i32
  }
  func.func @transform_2(%arg0: i32) -> (i32, i32, i32) {
    %c0_i32 = arith.constant 0 : i32
    %c0_i32_0 = arith.constant 0 : i32
    %c0_i32_1 = arith.constant 0 : i32
    return %arg0, %c0_i32, %c0_i32_0 : i32, i32, i32
  }
}

module attributes {stable_mosaic.version = 14 : i64} {
  func.func @_knn_body(%arg0: i32, %arg1: memref<1x1024x48xf32, #tpu.memory_space<vmem>>, %arg2: memref<1x1x1024xf32, #tpu.memory_space<vmem>>, %arg3: memref<1x20x1024xi32, #tpu.memory_space<vmem>>, %arg4: memref<1024x1024xf32, #tpu.memory_space<vmem>>) attributes {dimension_semantics = [#tpu.dimension_semantics<arbitrary>], iteration_bounds = array<i64: 8>, scalar_prefetch = 0 : i64, scratch_operands = 1 : i64, tpu.core_type = #tpu.core_type<tc>, window_params = [{transform_indices = @transform_0, window_bounds = array<i64: 1, 1024, 48>}, {transform_indices = @transform_1, window_bounds = array<i64: 1, 1, 1024>}, {transform_indices = @transform_2, window_bounds = array<i64: 1, 20, 1024>}]} {
    %get3A = arith.constant 0 : index
    %get3A_0 = arith.constant 0 : index
    %get3A_1 = arith.constant 0 : index
    %get3A_2 = vector.load %arg1[%get3A, %get3A_0, %get3A_1] : memref<1x1024x48xf32, #tpu.memory_space<vmem>>, vector<1x1024x48xf32>
    %get3A_3 = vector.shape_cast %get3A_2 : vector<1x1024x48xf32> to vector<1024x48xf32>
    %dot_general3A = arith.constant dense<0.000000e+00> : vector<1024x1024xf32>
    %dot_general3A_4 = tpu.matmul %get3A_3, %get3A_3, %dot_general3A {dimension_numbers = #tpu.dot_dimension_numbers<[1], [1], [0], [0], [0, 0, 1, 0], [], []>, transpose_lhs_hint = false} : vector<1024x48xf32>, vector<1024x48xf32>, vector<1024x1024xf32> -> vector<1024x1024xf32>
    %get3A_5 = arith.constant 0 : index
    %get3A_6 = arith.constant 0 : index
    %get3A_7 = arith.constant 0 : index
    %get3A_8 = vector.load %arg2[%get3A_5, %get3A_6, %get3A_7] : memref<1x1x1024xf32, #tpu.memory_space<vmem>>, vector<1x1x1024xf32>
    %get3A_9 = vector.shape_cast %get3A_8 : vector<1x1x1024xf32> to vector<1024xf32>
    %mul3A = arith.constant 2.000000e+00 : f32
    %mul3A_10 = vector.broadcast %mul3A : f32 to vector<1024x1024xf32>
    %mul3A_11 = arith.mulf %mul3A_10, %dot_general3A_4 : vector<1024x1024xf32>
    %broadcast_in_dim3A = vector.shape_cast %get3A_9 : vector<1024xf32> to vector<1024x1xf32>
    %sub3A = vector.broadcast %broadcast_in_dim3A : vector<1024x1xf32> to vector<1024x1024xf32>
    %sub3A_12 = arith.subf %mul3A_11, %sub3A : vector<1024x1024xf32>
    %broadcast_in_dim3A_13 = vector.shape_cast %get3A_9 : vector<1024xf32> to vector<1x1024xf32>
    %sub3A_14 = vector.broadcast %broadcast_in_dim3A_13 : vector<1x1024xf32> to vector<1024x1024xf32>
    %sub3A_15 = arith.subf %sub3A_12, %sub3A_14 : vector<1024x1024xf32>
    %swap3A = arith.constant 0 : index
    %swap3A_16 = arith.constant 0 : index
    %swap3A_17 = vector.load %arg4[%swap3A, %swap3A_16] : memref<1024x1024xf32, #tpu.memory_space<vmem>>, vector<1024x1024xf32>
    tpu.vector_store %arg4[%swap3A, %swap3A_16], %sub3A_15 {strides = array<i32>} : memref<1024x1024xf32, #tpu.memory_space<vmem>>, vector<1024x1024xf32>,
    %iota3A = tpu.iota {dimensions = array<i32: 1>} : vector<1024x1024xi32>
    %get3A_18 = arith.constant 0 : index
    %get3A_19 = arith.constant 0 : index
    %get3A_20 = vector.load %arg4[%get3A_18, %get3A_19] : memref<1024x1024xf32, #tpu.memory_space<vmem>>, vector<1024x1024xf32>
    %reduce_max3A = arith.constant dense<0xFF800000> : vector<1024xf32>
    %reduce_max3A_21 = vector.multi_reduction <maximumf>, %get3A_20, %reduce_max3A [1] : vector<1024x1024xf32> to vector<1024xf32>
    %broadcast_in_dim3A_22 = vector.shape_cast %reduce_max3A_21 : vector<1024xf32> to vector<1024x1xf32>
    %eq3A = vector.broadcast %broadcast_in_dim3A_22 : vector<1024x1xf32> to vector<1024x1024xf32>
    %eq3A_23 = arith.cmpf oeq, %get3A_20, %eq3A : vector<1024x1024xf32>
    %jit3A = arith.constant 1024 : i32
    %broadcast_in_dim3A_24 = vector.broadcast %jit3A : i32 to vector<1024x1024xi32>
    %select_n3A = arith.select %eq3A_23, %iota3A, %broadcast_in_dim3A_24 : vector<1024x1024xi1>, vector<1024x1024xi32>
    %reduce_min3A = arith.constant dense<2147483647> : vector<1024xi32>
    %reduce_min3A_25 = vector.multi_reduction <minsi>, %select_n3A, %reduce_min3A [1] : vector<1024x1024xi32> to vector<1024xi32>
    %swap3A_26 = arith.constant 0 : index
    %swap3A_27 = arith.constant 0 : index
    %swap3A_28 = arith.constant 0 : index
    %swap3A_29 = vector.load %arg3[%swap3A_26, %swap3A_27, %swap3A_28] : memref<1x20x1024xi32, #tpu.memory_space<vmem>>, vector<1x1x1024xi32>
    %swap3A_30 = vector.shape_cast %swap3A_29 : vector<1x1x1024xi32> to vector<1024xi32>
    %swap3A_31 = vector.shape_cast %reduce_min3A_25 : vector<1024xi32> to vector<1x1x1024xi32>
    tpu.vector_store %arg3[%swap3A_26, %swap3A_27, %swap3A_28], %swap3A_31 {strides = array<i32>} : memref<1x20x1024xi32, #tpu.memory_space<vmem>>, vector<1x1x1024xi32>,
    %broadcast_in_dim3A_32 = vector.shape_cast %reduce_min3A_25 : vector<1024xi32> to vector<1024x1xi32>
    %eq3A_33 = vector.broadcast %broadcast_in_dim3A_32 : vector<1024x1xi32> to vector<1024x1024xi32>
    %eq3A_34 = arith.cmpi eq, %iota3A, %eq3A_33 : vector<1024x1024xi32>
    %jit3A_35 = arith.constant 0xFF800000 : f32
    %broadcast_in_dim3A_36 = vector.broadcast %jit3A_35 : f32 to vector<1024x1024xf32>
    %select_n3A_37 = arith.select %eq3A_34, %broadcast_in_dim3A_36, %get3A_20 : vector<1024x1024xi1>, vector<1024x1024xf32>
    %swap3A_38 = arith.constant 0 : index
    %swap3A_39 = arith.constant 0 : index
    %swap3A_40 = vector.load %arg4[%swap3A_38, %swap3A_39] : memref<1024x1024xf32, #tpu.memory_space<vmem>>, vector<1024x1024xf32>
    tpu.vector_store %arg4[%swap3A_38, %swap3A_39], %select_n3A_37 {strides = array<i32>} : memref<1024x1024xf32, #tpu.memory_space<vmem>>, vector<1024x1024xf32>,
    %get3A_41 = arith.constant 0 : index
    %get3A_42 = arith.constant 0 : index
    %get3A_43 = vector.load %arg4[%get3A_41, %get3A_42] : memref<1024x1024xf32, #tpu.memory_space<vmem>>, vector<1024x1024xf32>
    %reduce_max3A_44 = arith.constant dense<0xFF800000> : vector<1024xf32>
    %reduce_max3A_45 = vector.multi_reduction <maximumf>, %get3A_43, %reduce_max3A_44 [1] : vector<1024x1024xf32> to vector<1024xf32>
    %broadcast_in_dim3A_46 = vector.shape_cast %reduce_max3A_45 : vector<1024xf32> to vector<1024x1xf32>
    %eq3A_47 = vector.broadcast %broadcast_in_dim3A_46 : vector<1024x1xf32> to vector<1024x1024xf32>
    %eq3A_48 = arith.cmpf oeq, %get3A_43, %eq3A_47 : vector<1024x1024xf32>
    %jit3A_49 = arith.constant 1024 : i32
    %broadcast_in_dim3A_50 = vector.broadcast %jit3A_49 : i32 to vector<1024x1024xi32>
    %select_n3A_51 = arith.select %eq3A_48, %iota3A, %broadcast_in_dim3A_50 : vector<1024x1024xi1>, vector<1024x1024xi32>
    %reduce_min3A_52 = arith.constant dense<2147483647> : vector<1024xi32>
    %reduce_min3A_53 = vector.multi_reduction <minsi>, %select_n3A_51, %reduce_min3A_52 [1] : vector<1024x1024xi32> to vector<1024xi32>
    %swap3A_54 = arith.constant 0 : index
    %swap3A_55 = arith.constant 1 : index
    %swap3A_56 = arith.constant 0 : index
    %swap3A_57 = vector.load %arg3[%swap3A_54, %swap3A_55, %swap3A_56] : memref<1x20x1024xi32, #tpu.memory_space<vmem>>, vector<1x1x1024xi32>
    %swap3A_58 = vector.shape_cast %swap3A_57 : vector<1x1x1024xi32> to vector<1024xi32>
    %swap3A_59 = vector.shape_cast %reduce_min3A_53 : vector<1024xi32> to vector<1x1x1024xi32>
    tpu.vector_store %arg3[%swap3A_54, %swap3A_55, %swap3A_56], %swap3A_59 {strides = array<i32>} : memref<1x20x1024xi32, #tpu.memory_space<vmem>>, vector<1x1x1024xi32>,
    %broadcast_in_dim3A_60 = vector.shape_cast %reduce_min3A_53 : vector<1024xi32> to vector<1024x1xi32>
    %eq3A_61 = vector.broadcast %broadcast_in_dim3A_60 : vector<1024x1xi32> to vector<1024x1024xi32>
    %eq3A_62 = arith.cmpi eq, %iota3A, %eq3A_61 : vector<1024x1024xi32>
    %jit3A_63 = arith.constant 0xFF800000 : f32
    %broadcast_in_dim3A_64 = vector.broadcast %jit3A_63 : f32 to vector<1024x1024xf32>
    %select_n3A_65 = arith.select %eq3A_62, %broadcast_in_dim3A_64, %get3A_43 : vector<1024x1024xi1>, vector<1024x1024xf32>
    %swap3A_66 = arith.constant 0 : index
    %swap3A_67 = arith.constant 0 : index
    %swap3A_68 = vector.load %arg4[%swap3A_66, %swap3A_67] : memref<1024x1024xf32, #tpu.memory_space<vmem>>, vector<1024x1024xf32>
    tpu.vector_store %arg4[%swap3A_66, %swap3A_67], %select_n3A_65 {strides = array<i32>} : memref<1024x1024xf32, #tpu.memory_space<vmem>>, vector<1024x1024xf32>,
    %get3A_69 = arith.constant 0 : index
    %get3A_70 = arith.constant 0 : index
    %get3A_71 = vector.load %arg4[%get3A_69, %get3A_70] : memref<1024x1024xf32, #tpu.memory_space<vmem>>, vector<1024x1024xf32>
    %reduce_max3A_72 = arith.constant dense<0xFF800000> : vector<1024xf32>
    %reduce_max3A_73 = vector.multi_reduction <maximumf>, %get3A_71, %reduce_max3A_72 [1] : vector<1024x1024xf32> to vector<1024xf32>
    %broadcast_in_dim3A_74 = vector.shape_cast %reduce_max3A_73 : vector<1024xf32> to vector<1024x1xf32>
    %eq3A_75 = vector.broadcast %broadcast_in_dim3A_74 : vector<1024x1xf32> to vector<1024x1024xf32>
    %eq3A_76 = arith.cmpf oeq, %get3A_71, %eq3A_75 : vector<1024x1024xf32>
    %jit3A_77 = arith.constant 1024 : i32
    %broadcast_in_dim3A_78 = vector.broadcast %jit3A_77 : i32 to vector<1024x1024xi32>
    %select_n3A_79 = arith.select %eq3A_76, %iota3A, %broadcast_in_dim3A_78 : vector<1024x1024xi1>, vector<1024x1024xi32>
    %reduce_min3A_80 = arith.constant dense<2147483647> : vector<1024xi32>
    %reduce_min3A_81 = vector.multi_reduction <minsi>, %select_n3A_79, %reduce_min3A_80 [1] : vector<1024x1024xi32> to vector<1024xi32>
    %swap3A_82 = arith.constant 0 : index
    %swap3A_83 = arith.constant 2 : index
    %swap3A_84 = arith.constant 0 : index
    %swap3A_85 = vector.load %arg3[%swap3A_82, %swap3A_83, %swap3A_84] : memref<1x20x1024xi32, #tpu.memory_space<vmem>>, vector<1x1x1024xi32>
    %swap3A_86 = vector.shape_cast %swap3A_85 : vector<1x1x1024xi32> to vector<1024xi32>
    %swap3A_87 = vector.shape_cast %reduce_min3A_81 : vector<1024xi32> to vector<1x1x1024xi32>
    tpu.vector_store %arg3[%swap3A_82, %swap3A_83, %swap3A_84], %swap3A_87 {strides = array<i32>} : memref<1x20x1024xi32, #tpu.memory_space<vmem>>, vector<1x1x1024xi32>,
    %broadcast_in_dim3A_88 = vector.shape_cast %reduce_min3A_81 : vector<1024xi32> to vector<1024x1xi32>
    %eq3A_89 = vector.broadcast %broadcast_in_dim3A_88 : vector<1024x1xi32> to vector<1024x1024xi32>
    %eq3A_90 = arith.cmpi eq, %iota3A, %eq3A_89 : vector<1024x1024xi32>
    %jit3A_91 = arith.constant 0xFF800000 : f32
    %broadcast_in_dim3A_92 = vector.broadcast %jit3A_91 : f32 to vector<1024x1024xf32>
    %select_n3A_93 = arith.select %eq3A_90, %broadcast_in_dim3A_92, %get3A_71 : vector<1024x1024xi1>, vector<1024x1024xf32>
    %swap3A_94 = arith.constant 0 : index
    %swap3A_95 = arith.constant 0 : index
    %swap3A_96 = vector.load %arg4[%swap3A_94, %swap3A_95] : memref<1024x1024xf32, #tpu.memory_space<vmem>>, vector<1024x1024xf32>
    tpu.vector_store %arg4[%swap3A_94, %swap3A_95], %select_n3A_93 {strides = array<i32>} : memref<1024x1024xf32, #tpu.memory_space<vmem>>, vector<1024x1024xf32>,
    %get3A_97 = arith.constant 0 : index
    %get3A_98 = arith.constant 0 : index
    %get3A_99 = vector.load %arg4[%get3A_97, %get3A_98] : memref<1024x1024xf32, #tpu.memory_space<vmem>>, vector<1024x1024xf32>
    %reduce_max3A_100 = arith.constant dense<0xFF800000> : vector<1024xf32>
    %reduce_max3A_101 = vector.multi_reduction <maximumf>, %get3A_99, %reduce_max3A_100 [1] : vector<1024x1024xf32> to vector<1024xf32>
    %broadcast_in_dim3A_102 = vector.shape_cast %reduce_max3A_101 : vector<1024xf32> to vector<1024x1xf32>
    %eq3A_103 = vector.broadcast %broadcast_in_dim3A_102 : vector<1024x1xf32> to vector<1024x1024xf32>
    %eq3A_104 = arith.cmpf oeq, %get3A_99, %eq3A_103 : vector<1024x1024xf32>
    %jit3A_105 = arith.constant 1024 : i32
    %broadcast_in_dim3A_106 = vector.broadcast %jit3A_105 : i32 to vector<1024x1024xi32>
    %select_n3A_107 = arith.select %eq3A_104, %iota3A, %broadcast_in_dim3A_106 : vector<1024x1024xi1>, vector<1024x1024xi32>
    %reduce_min3A_108 = arith.constant dense<2147483647> : vector<1024xi32>
    %reduce_min3A_109 = vector.multi_reduction <minsi>, %select_n3A_107, %reduce_min3A_108 [1] : vector<1024x1024xi32> to vector<1024xi32>
    %swap3A_110 = arith.constant 0 : index
    %swap3A_111 = arith.constant 3 : index
    %swap3A_112 = arith.constant 0 : index
    %swap3A_113 = vector.load %arg3[%swap3A_110, %swap3A_111, %swap3A_112] : memref<1x20x1024xi32, #tpu.memory_space<vmem>>, vector<1x1x1024xi32>
    %swap3A_114 = vector.shape_cast %swap3A_113 : vector<1x1x1024xi32> to vector<1024xi32>
    %swap3A_115 = vector.shape_cast %reduce_min3A_109 : vector<1024xi32> to vector<1x1x1024xi32>
    tpu.vector_store %arg3[%swap3A_110, %swap3A_111, %swap3A_112], %swap3A_115 {strides = array<i32>} : memref<1x20x1024xi32, #tpu.memory_space<vmem>>, vector<1x1x1024xi32>,
    %broadcast_in_dim3A_116 = vector.shape_cast %reduce_min3A_109 : vector<1024xi32> to vector<1024x1xi32>
    %eq3A_117 = vector.broadcast %broadcast_in_dim3A_116 : vector<1024x1xi32> to vector<1024x1024xi32>
    %eq3A_118 = arith.cmpi eq, %iota3A, %eq3A_117 : vector<1024x1024xi32>
    %jit3A_119 = arith.constant 0xFF800000 : f32
    %broadcast_in_dim3A_120 = vector.broadcast %jit3A_119 : f32 to vector<1024x1024xf32>
    %select_n3A_121 = arith.select %eq3A_118, %broadcast_in_dim3A_120, %get3A_99 : vector<1024x1024xi1>, vector<1024x1024xf32>
    %swap3A_122 = arith.constant 0 : index
    %swap3A_123 = arith.constant 0 : index
    %swap3A_124 = vector.load %arg4[%swap3A_122, %swap3A_123] : memref<1024x1024xf32, #tpu.memory_space<vmem>>, vector<1024x1024xf32>
    tpu.vector_store %arg4[%swap3A_122, %swap3A_123], %select_n3A_121 {strides = array<i32>} : memref<1024x1024xf32, #tpu.memory_space<vmem>>, vector<1024x1024xf32>,
    %get3A_125 = arith.constant 0 : index
    %get3A_126 = arith.constant 0 : index
    %get3A_127 = vector.load %arg4[%get3A_125, %get3A_126] : memref<1024x1024xf32, #tpu.memory_space<vmem>>, vector<1024x1024xf32>
    %reduce_max3A_128 = arith.constant dense<0xFF800000> : vector<1024xf32>
    %reduce_max3A_129 = vector.multi_reduction <maximumf>, %get3A_127, %reduce_max3A_128 [1] : vector<1024x1024xf32> to vector<1024xf32>
    %broadcast_in_dim3A_130 = vector.shape_cast %reduce_max3A_129 : vector<1024xf32> to vector<1024x1xf32>
    %eq3A_131 = vector.broadcast %broadcast_in_dim3A_130 : vector<1024x1xf32> to vector<1024x1024xf32>
    %eq3A_132 = arith.cmpf oeq, %get3A_127, %eq3A_131 : vector<1024x1024xf32>
    %jit3A_133 = arith.constant 1024 : i32
    %broadcast_in_dim3A_134 = vector.broadcast %jit3A_133 : i32 to vector<1024x1024xi32>
    %select_n3A_135 = arith.select %eq3A_132, %iota3A, %broadcast_in_dim3A_134 : vector<1024x1024xi1>, vector<1024x1024xi32>
    %reduce_min3A_136 = arith.constant dense<2147483647> : vector<1024xi32>
    %reduce_min3A_137 = vector.multi_reduction <minsi>, %select_n3A_135, %reduce_min3A_136 [1] : vector<1024x1024xi32> to vector<1024xi32>
    %swap3A_138 = arith.constant 0 : index
    %swap3A_139 = arith.constant 4 : index
    %swap3A_140 = arith.constant 0 : index
    %swap3A_141 = vector.load %arg3[%swap3A_138, %swap3A_139, %swap3A_140] : memref<1x20x1024xi32, #tpu.memory_space<vmem>>, vector<1x1x1024xi32>
    %swap3A_142 = vector.shape_cast %swap3A_141 : vector<1x1x1024xi32> to vector<1024xi32>
    %swap3A_143 = vector.shape_cast %reduce_min3A_137 : vector<1024xi32> to vector<1x1x1024xi32>
    tpu.vector_store %arg3[%swap3A_138, %swap3A_139, %swap3A_140], %swap3A_143 {strides = array<i32>} : memref<1x20x1024xi32, #tpu.memory_space<vmem>>, vector<1x1x1024xi32>,
    %broadcast_in_dim3A_144 = vector.shape_cast %reduce_min3A_137 : vector<1024xi32> to vector<1024x1xi32>
    %eq3A_145 = vector.broadcast %broadcast_in_dim3A_144 : vector<1024x1xi32> to vector<1024x1024xi32>
    %eq3A_146 = arith.cmpi eq, %iota3A, %eq3A_145 : vector<1024x1024xi32>
    %jit3A_147 = arith.constant 0xFF800000 : f32
    %broadcast_in_dim3A_148 = vector.broadcast %jit3A_147 : f32 to vector<1024x1024xf32>
    %select_n3A_149 = arith.select %eq3A_146, %broadcast_in_dim3A_148, %get3A_127 : vector<1024x1024xi1>, vector<1024x1024xf32>
    %swap3A_150 = arith.constant 0 : index
    %swap3A_151 = arith.constant 0 : index
    %swap3A_152 = vector.load %arg4[%swap3A_150, %swap3A_151] : memref<1024x1024xf32, #tpu.memory_space<vmem>>, vector<1024x1024xf32>
    tpu.vector_store %arg4[%swap3A_150, %swap3A_151], %select_n3A_149 {strides = array<i32>} : memref<1024x1024xf32, #tpu.memory_space<vmem>>, vector<1024x1024xf32>,
    %get3A_153 = arith.constant 0 : index
    %get3A_154 = arith.constant 0 : index
    %get3A_155 = vector.load %arg4[%get3A_153, %get3A_154] : memref<1024x1024xf32, #tpu.memory_space<vmem>>, vector<1024x1024xf32>
    %reduce_max3A_156 = arith.constant dense<0xFF800000> : vector<1024xf32>
    %reduce_max3A_157 = vector.multi_reduction <maximumf>, %get3A_155, %reduce_max3A_156 [1] : vector<1024x1024xf32> to vector<1024xf32>
    %broadcast_in_dim3A_158 = vector.shape_cast %reduce_max3A_157 : vector<1024xf32> to vector<1024x1xf32>
    %eq3A_159 = vector.broadcast %broadcast_in_dim3A_158 : vector<1024x1xf32> to vector<1024x1024xf32>
    %eq3A_160 = arith.cmpf oeq, %get3A_155, %eq3A_159 : vector<1024x1024xf32>
    %jit3A_161 = arith.constant 1024 : i32
    %broadcast_in_dim3A_162 = vector.broadcast %jit3A_161 : i32 to vector<1024x1024xi32>
    %select_n3A_163 = arith.select %eq3A_160, %iota3A, %broadcast_in_dim3A_162 : vector<1024x1024xi1>, vector<1024x1024xi32>
    %reduce_min3A_164 = arith.constant dense<2147483647> : vector<1024xi32>
    %reduce_min3A_165 = vector.multi_reduction <minsi>, %select_n3A_163, %reduce_min3A_164 [1] : vector<1024x1024xi32> to vector<1024xi32>
    %swap3A_166 = arith.constant 0 : index
    %swap3A_167 = arith.constant 5 : index
    %swap3A_168 = arith.constant 0 : index
    %swap3A_169 = vector.load %arg3[%swap3A_166, %swap3A_167, %swap3A_168] : memref<1x20x1024xi32, #tpu.memory_space<vmem>>, vector<1x1x1024xi32>
    %swap3A_170 = vector.shape_cast %swap3A_169 : vector<1x1x1024xi32> to vector<1024xi32>
    %swap3A_171 = vector.shape_cast %reduce_min3A_165 : vector<1024xi32> to vector<1x1x1024xi32>
    tpu.vector_store %arg3[%swap3A_166, %swap3A_167, %swap3A_168], %swap3A_171 {strides = array<i32>} : memref<1x20x1024xi32, #tpu.memory_space<vmem>>, vector<1x1x1024xi32>,
    %broadcast_in_dim3A_172 = vector.shape_cast %reduce_min3A_165 : vector<1024xi32> to vector<1024x1xi32>
    %eq3A_173 = vector.broadcast %broadcast_in_dim3A_172 : vector<1024x1xi32> to vector<1024x1024xi32>
    %eq3A_174 = arith.cmpi eq, %iota3A, %eq3A_173 : vector<1024x1024xi32>
    %jit3A_175 = arith.constant 0xFF800000 : f32
    %broadcast_in_dim3A_176 = vector.broadcast %jit3A_175 : f32 to vector<1024x1024xf32>
    %select_n3A_177 = arith.select %eq3A_174, %broadcast_in_dim3A_176, %get3A_155 : vector<1024x1024xi1>, vector<1024x1024xf32>
    %swap3A_178 = arith.constant 0 : index
    %swap3A_179 = arith.constant 0 : index
    %swap3A_180 = vector.load %arg4[%swap3A_178, %swap3A_179] : memref<1024x1024xf32, #tpu.memory_space<vmem>>, vector<1024x1024xf32>
    tpu.vector_store %arg4[%swap3A_178, %swap3A_179], %select_n3A_177 {strides = array<i32>} : memref<1024x1024xf32, #tpu.memory_space<vmem>>, vector<1024x1024xf32>,
    %get3A_181 = arith.constant 0 : index
    %get3A_182 = arith.constant 0 : index
    %get3A_183 = vector.load %arg4[%get3A_181, %get3A_182] : memref<1024x1024xf32, #tpu.memory_space<vmem>>, vector<1024x1024xf32>
    %reduce_max3A_184 = arith.constant dense<0xFF800000> : vector<1024xf32>
    %reduce_max3A_185 = vector.multi_reduction <maximumf>, %get3A_183, %reduce_max3A_184 [1] : vector<1024x1024xf32> to vector<1024xf32>
    %broadcast_in_dim3A_186 = vector.shape_cast %reduce_max3A_185 : vector<1024xf32> to vector<1024x1xf32>
    %eq3A_187 = vector.broadcast %broadcast_in_dim3A_186 : vector<1024x1xf32> to vector<1024x1024xf32>
    %eq3A_188 = arith.cmpf oeq, %get3A_183, %eq3A_187 : vector<1024x1024xf32>
    %jit3A_189 = arith.constant 1024 : i32
    %broadcast_in_dim3A_190 = vector.broadcast %jit3A_189 : i32 to vector<1024x1024xi32>
    %select_n3A_191 = arith.select %eq3A_188, %iota3A, %broadcast_in_dim3A_190 : vector<1024x1024xi1>, vector<1024x1024xi32>
    %reduce_min3A_192 = arith.constant dense<2147483647> : vector<1024xi32>
    %reduce_min3A_193 = vector.multi_reduction <minsi>, %select_n3A_191, %reduce_min3A_192 [1] : vector<1024x1024xi32> to vector<1024xi32>
    %swap3A_194 = arith.constant 0 : index
    %swap3A_195 = arith.constant 6 : index
    %swap3A_196 = arith.constant 0 : index
    %swap3A_197 = vector.load %arg3[%swap3A_194, %swap3A_195, %swap3A_196] : memref<1x20x1024xi32, #tpu.memory_space<vmem>>, vector<1x1x1024xi32>
    %swap3A_198 = vector.shape_cast %swap3A_197 : vector<1x1x1024xi32> to vector<1024xi32>
    %swap3A_199 = vector.shape_cast %reduce_min3A_193 : vector<1024xi32> to vector<1x1x1024xi32>
    tpu.vector_store %arg3[%swap3A_194, %swap3A_195, %swap3A_196], %swap3A_199 {strides = array<i32>} : memref<1x20x1024xi32, #tpu.memory_space<vmem>>, vector<1x1x1024xi32>,
    %broadcast_in_dim3A_200 = vector.shape_cast %reduce_min3A_193 : vector<1024xi32> to vector<1024x1xi32>
    %eq3A_201 = vector.broadcast %broadcast_in_dim3A_200 : vector<1024x1xi32> to vector<1024x1024xi32>
    %eq3A_202 = arith.cmpi eq, %iota3A, %eq3A_201 : vector<1024x1024xi32>
    %jit3A_203 = arith.constant 0xFF800000 : f32
    %broadcast_in_dim3A_204 = vector.broadcast %jit3A_203 : f32 to vector<1024x1024xf32>
    %select_n3A_205 = arith.select %eq3A_202, %broadcast_in_dim3A_204, %get3A_183 : vector<1024x1024xi1>, vector<1024x1024xf32>
    %swap3A_206 = arith.constant 0 : index
    %swap3A_207 = arith.constant 0 : index
    %swap3A_208 = vector.load %arg4[%swap3A_206, %swap3A_207] : memref<1024x1024xf32, #tpu.memory_space<vmem>>, vector<1024x1024xf32>
    tpu.vector_store %arg4[%swap3A_206, %swap3A_207], %select_n3A_205 {strides = array<i32>} : memref<1024x1024xf32, #tpu.memory_space<vmem>>, vector<1024x1024xf32>,
    %get3A_209 = arith.constant 0 : index
    %get3A_210 = arith.constant 0 : index
    %get3A_211 = vector.load %arg4[%get3A_209, %get3A_210] : memref<1024x1024xf32, #tpu.memory_space<vmem>>, vector<1024x1024xf32>
    %reduce_max3A_212 = arith.constant dense<0xFF800000> : vector<1024xf32>
    %reduce_max3A_213 = vector.multi_reduction <maximumf>, %get3A_211, %reduce_max3A_212 [1] : vector<1024x1024xf32> to vector<1024xf32>
    %broadcast_in_dim3A_214 = vector.shape_cast %reduce_max3A_213 : vector<1024xf32> to vector<1024x1xf32>
    %eq3A_215 = vector.broadcast %broadcast_in_dim3A_214 : vector<1024x1xf32> to vector<1024x1024xf32>
    %eq3A_216 = arith.cmpf oeq, %get3A_211, %eq3A_215 : vector<1024x1024xf32>
    %jit3A_217 = arith.constant 1024 : i32
    %broadcast_in_dim3A_218 = vector.broadcast %jit3A_217 : i32 to vector<1024x1024xi32>
    %select_n3A_219 = arith.select %eq3A_216, %iota3A, %broadcast_in_dim3A_218 : vector<1024x1024xi1>, vector<1024x1024xi32>
    %reduce_min3A_220 = arith.constant dense<2147483647> : vector<1024xi32>
    %reduce_min3A_221 = vector.multi_reduction <minsi>, %select_n3A_219, %reduce_min3A_220 [1] : vector<1024x1024xi32> to vector<1024xi32>
    %swap3A_222 = arith.constant 0 : index
    %swap3A_223 = arith.constant 7 : index
    %swap3A_224 = arith.constant 0 : index
    %swap3A_225 = vector.load %arg3[%swap3A_222, %swap3A_223, %swap3A_224] : memref<1x20x1024xi32, #tpu.memory_space<vmem>>, vector<1x1x1024xi32>
    %swap3A_226 = vector.shape_cast %swap3A_225 : vector<1x1x1024xi32> to vector<1024xi32>
    %swap3A_227 = vector.shape_cast %reduce_min3A_221 : vector<1024xi32> to vector<1x1x1024xi32>
    tpu.vector_store %arg3[%swap3A_222, %swap3A_223, %swap3A_224], %swap3A_227 {strides = array<i32>} : memref<1x20x1024xi32, #tpu.memory_space<vmem>>, vector<1x1x1024xi32>,
    %broadcast_in_dim3A_228 = vector.shape_cast %reduce_min3A_221 : vector<1024xi32> to vector<1024x1xi32>
    %eq3A_229 = vector.broadcast %broadcast_in_dim3A_228 : vector<1024x1xi32> to vector<1024x1024xi32>
    %eq3A_230 = arith.cmpi eq, %iota3A, %eq3A_229 : vector<1024x1024xi32>
    %jit3A_231 = arith.constant 0xFF800000 : f32
    %broadcast_in_dim3A_232 = vector.broadcast %jit3A_231 : f32 to vector<1024x1024xf32>
    %select_n3A_233 = arith.select %eq3A_230, %broadcast_in_dim3A_232, %get3A_211 : vector<1024x1024xi1>, vector<1024x1024xf32>
    %swap3A_234 = arith.constant 0 : index
    %swap3A_235 = arith.constant 0 : index
    %swap3A_236 = vector.load %arg4[%swap3A_234, %swap3A_235] : memref<1024x1024xf32, #tpu.memory_space<vmem>>, vector<1024x1024xf32>
    tpu.vector_store %arg4[%swap3A_234, %swap3A_235], %select_n3A_233 {strides = array<i32>} : memref<1024x1024xf32, #tpu.memory_space<vmem>>, vector<1024x1024xf32>,
    %get3A_237 = arith.constant 0 : index
    %get3A_238 = arith.constant 0 : index
    %get3A_239 = vector.load %arg4[%get3A_237, %get3A_238] : memref<1024x1024xf32, #tpu.memory_space<vmem>>, vector<1024x1024xf32>
    %reduce_max3A_240 = arith.constant dense<0xFF800000> : vector<1024xf32>
    %reduce_max3A_241 = vector.multi_reduction <maximumf>, %get3A_239, %reduce_max3A_240 [1] : vector<1024x1024xf32> to vector<1024xf32>
    %broadcast_in_dim3A_242 = vector.shape_cast %reduce_max3A_241 : vector<1024xf32> to vector<1024x1xf32>
    %eq3A_243 = vector.broadcast %broadcast_in_dim3A_242 : vector<1024x1xf32> to vector<1024x1024xf32>
    %eq3A_244 = arith.cmpf oeq, %get3A_239, %eq3A_243 : vector<1024x1024xf32>
    %jit3A_245 = arith.constant 1024 : i32
    %broadcast_in_dim3A_246 = vector.broadcast %jit3A_245 : i32 to vector<1024x1024xi32>
    %select_n3A_247 = arith.select %eq3A_244, %iota3A, %broadcast_in_dim3A_246 : vector<1024x1024xi1>, vector<1024x1024xi32>
    %reduce_min3A_248 = arith.constant dense<2147483647> : vector<1024xi32>
    %reduce_min3A_249 = vector.multi_reduction <minsi>, %select_n3A_247, %reduce_min3A_248 [1] : vector<1024x1024xi32> to vector<1024xi32>
    %swap3A_250 = arith.constant 0 : index
    %swap3A_251 = arith.constant 8 : index
    %swap3A_252 = arith.constant 0 : index
    %swap3A_253 = vector.load %arg3[%swap3A_250, %swap3A_251, %swap3A_252] : memref<1x20x1024xi32, #tpu.memory_space<vmem>>, vector<1x1x1024xi32>
    %swap3A_254 = vector.shape_cast %swap3A_253 : vector<1x1x1024xi32> to vector<1024xi32>
    %swap3A_255 = vector.shape_cast %reduce_min3A_249 : vector<1024xi32> to vector<1x1x1024xi32>
    tpu.vector_store %arg3[%swap3A_250, %swap3A_251, %swap3A_252], %swap3A_255 {strides = array<i32>} : memref<1x20x1024xi32, #tpu.memory_space<vmem>>, vector<1x1x1024xi32>,
    %broadcast_in_dim3A_256 = vector.shape_cast %reduce_min3A_249 : vector<1024xi32> to vector<1024x1xi32>
    %eq3A_257 = vector.broadcast %broadcast_in_dim3A_256 : vector<1024x1xi32> to vector<1024x1024xi32>
    %eq3A_258 = arith.cmpi eq, %iota3A, %eq3A_257 : vector<1024x1024xi32>
    %jit3A_259 = arith.constant 0xFF800000 : f32
    %broadcast_in_dim3A_260 = vector.broadcast %jit3A_259 : f32 to vector<1024x1024xf32>
    %select_n3A_261 = arith.select %eq3A_258, %broadcast_in_dim3A_260, %get3A_239 : vector<1024x1024xi1>, vector<1024x1024xf32>
    %swap3A_262 = arith.constant 0 : index
    %swap3A_263 = arith.constant 0 : index
    %swap3A_264 = vector.load %arg4[%swap3A_262, %swap3A_263] : memref<1024x1024xf32, #tpu.memory_space<vmem>>, vector<1024x1024xf32>
    tpu.vector_store %arg4[%swap3A_262, %swap3A_263], %select_n3A_261 {strides = array<i32>} : memref<1024x1024xf32, #tpu.memory_space<vmem>>, vector<1024x1024xf32>,
    %get3A_265 = arith.constant 0 : index
    %get3A_266 = arith.constant 0 : index
    %get3A_267 = vector.load %arg4[%get3A_265, %get3A_266] : memref<1024x1024xf32, #tpu.memory_space<vmem>>, vector<1024x1024xf32>
    %reduce_max3A_268 = arith.constant dense<0xFF800000> : vector<1024xf32>
    %reduce_max3A_269 = vector.multi_reduction <maximumf>, %get3A_267, %reduce_max3A_268 [1] : vector<1024x1024xf32> to vector<1024xf32>
    %broadcast_in_dim3A_270 = vector.shape_cast %reduce_max3A_269 : vector<1024xf32> to vector<1024x1xf32>
    %eq3A_271 = vector.broadcast %broadcast_in_dim3A_270 : vector<1024x1xf32> to vector<1024x1024xf32>
    %eq3A_272 = arith.cmpf oeq, %get3A_267, %eq3A_271 : vector<1024x1024xf32>
    %jit3A_273 = arith.constant 1024 : i32
    %broadcast_in_dim3A_274 = vector.broadcast %jit3A_273 : i32 to vector<1024x1024xi32>
    %select_n3A_275 = arith.select %eq3A_272, %iota3A, %broadcast_in_dim3A_274 : vector<1024x1024xi1>, vector<1024x1024xi32>
    %reduce_min3A_276 = arith.constant dense<2147483647> : vector<1024xi32>
    %reduce_min3A_277 = vector.multi_reduction <minsi>, %select_n3A_275, %reduce_min3A_276 [1] : vector<1024x1024xi32> to vector<1024xi32>
    %swap3A_278 = arith.constant 0 : index
    %swap3A_279 = arith.constant 9 : index
    %swap3A_280 = arith.constant 0 : index
    %swap3A_281 = vector.load %arg3[%swap3A_278, %swap3A_279, %swap3A_280] : memref<1x20x1024xi32, #tpu.memory_space<vmem>>, vector<1x1x1024xi32>
    %swap3A_282 = vector.shape_cast %swap3A_281 : vector<1x1x1024xi32> to vector<1024xi32>
    %swap3A_283 = vector.shape_cast %reduce_min3A_277 : vector<1024xi32> to vector<1x1x1024xi32>
    tpu.vector_store %arg3[%swap3A_278, %swap3A_279, %swap3A_280], %swap3A_283 {strides = array<i32>} : memref<1x20x1024xi32, #tpu.memory_space<vmem>>, vector<1x1x1024xi32>,
    %broadcast_in_dim3A_284 = vector.shape_cast %reduce_min3A_277 : vector<1024xi32> to vector<1024x1xi32>
    %eq3A_285 = vector.broadcast %broadcast_in_dim3A_284 : vector<1024x1xi32> to vector<1024x1024xi32>
    %eq3A_286 = arith.cmpi eq, %iota3A, %eq3A_285 : vector<1024x1024xi32>
    %jit3A_287 = arith.constant 0xFF800000 : f32
    %broadcast_in_dim3A_288 = vector.broadcast %jit3A_287 : f32 to vector<1024x1024xf32>
    %select_n3A_289 = arith.select %eq3A_286, %broadcast_in_dim3A_288, %get3A_267 : vector<1024x1024xi1>, vector<1024x1024xf32>
    %swap3A_290 = arith.constant 0 : index
    %swap3A_291 = arith.constant 0 : index
    %swap3A_292 = vector.load %arg4[%swap3A_290, %swap3A_291] : memref<1024x1024xf32, #tpu.memory_space<vmem>>, vector<1024x1024xf32>
    tpu.vector_store %arg4[%swap3A_290, %swap3A_291], %select_n3A_289 {strides = array<i32>} : memref<1024x1024xf32, #tpu.memory_space<vmem>>, vector<1024x1024xf32>,
    %get3A_293 = arith.constant 0 : index
    %get3A_294 = arith.constant 0 : index
    %get3A_295 = vector.load %arg4[%get3A_293, %get3A_294] : memref<1024x1024xf32, #tpu.memory_space<vmem>>, vector<1024x1024xf32>
    %reduce_max3A_296 = arith.constant dense<0xFF800000> : vector<1024xf32>
    %reduce_max3A_297 = vector.multi_reduction <maximumf>, %get3A_295, %reduce_max3A_296 [1] : vector<1024x1024xf32> to vector<1024xf32>
    %broadcast_in_dim3A_298 = vector.shape_cast %reduce_max3A_297 : vector<1024xf32> to vector<1024x1xf32>
    %eq3A_299 = vector.broadcast %broadcast_in_dim3A_298 : vector<1024x1xf32> to vector<1024x1024xf32>
    %eq3A_300 = arith.cmpf oeq, %get3A_295, %eq3A_299 : vector<1024x1024xf32>
    %jit3A_301 = arith.constant 1024 : i32
    %broadcast_in_dim3A_302 = vector.broadcast %jit3A_301 : i32 to vector<1024x1024xi32>
    %select_n3A_303 = arith.select %eq3A_300, %iota3A, %broadcast_in_dim3A_302 : vector<1024x1024xi1>, vector<1024x1024xi32>
    %reduce_min3A_304 = arith.constant dense<2147483647> : vector<1024xi32>
    %reduce_min3A_305 = vector.multi_reduction <minsi>, %select_n3A_303, %reduce_min3A_304 [1] : vector<1024x1024xi32> to vector<1024xi32>
    %swap3A_306 = arith.constant 0 : index
    %swap3A_307 = arith.constant 10 : index
    %swap3A_308 = arith.constant 0 : index
    %swap3A_309 = vector.load %arg3[%swap3A_306, %swap3A_307, %swap3A_308] : memref<1x20x1024xi32, #tpu.memory_space<vmem>>, vector<1x1x1024xi32>
    %swap3A_310 = vector.shape_cast %swap3A_309 : vector<1x1x1024xi32> to vector<1024xi32>
    %swap3A_311 = vector.shape_cast %reduce_min3A_305 : vector<1024xi32> to vector<1x1x1024xi32>
    tpu.vector_store %arg3[%swap3A_306, %swap3A_307, %swap3A_308], %swap3A_311 {strides = array<i32>} : memref<1x20x1024xi32, #tpu.memory_space<vmem>>, vector<1x1x1024xi32>,
    %broadcast_in_dim3A_312 = vector.shape_cast %reduce_min3A_305 : vector<1024xi32> to vector<1024x1xi32>
    %eq3A_313 = vector.broadcast %broadcast_in_dim3A_312 : vector<1024x1xi32> to vector<1024x1024xi32>
    %eq3A_314 = arith.cmpi eq, %iota3A, %eq3A_313 : vector<1024x1024xi32>
    %jit3A_315 = arith.constant 0xFF800000 : f32
    %broadcast_in_dim3A_316 = vector.broadcast %jit3A_315 : f32 to vector<1024x1024xf32>
    %select_n3A_317 = arith.select %eq3A_314, %broadcast_in_dim3A_316, %get3A_295 : vector<1024x1024xi1>, vector<1024x1024xf32>
    %swap3A_318 = arith.constant 0 : index
    %swap3A_319 = arith.constant 0 : index
    %swap3A_320 = vector.load %arg4[%swap3A_318, %swap3A_319] : memref<1024x1024xf32, #tpu.memory_space<vmem>>, vector<1024x1024xf32>
    tpu.vector_store %arg4[%swap3A_318, %swap3A_319], %select_n3A_317 {strides = array<i32>} : memref<1024x1024xf32, #tpu.memory_space<vmem>>, vector<1024x1024xf32>,
    %get3A_321 = arith.constant 0 : index
    %get3A_322 = arith.constant 0 : index
    %get3A_323 = vector.load %arg4[%get3A_321, %get3A_322] : memref<1024x1024xf32, #tpu.memory_space<vmem>>, vector<1024x1024xf32>
    %reduce_max3A_324 = arith.constant dense<0xFF800000> : vector<1024xf32>
    %reduce_max3A_325 = vector.multi_reduction <maximumf>, %get3A_323, %reduce_max3A_324 [1] : vector<1024x1024xf32> to vector<1024xf32>
    %broadcast_in_dim3A_326 = vector.shape_cast %reduce_max3A_325 : vector<1024xf32> to vector<1024x1xf32>
    %eq3A_327 = vector.broadcast %broadcast_in_dim3A_326 : vector<1024x1xf32> to vector<1024x1024xf32>
    %eq3A_328 = arith.cmpf oeq, %get3A_323, %eq3A_327 : vector<1024x1024xf32>
    %jit3A_329 = arith.constant 1024 : i32
    %broadcast_in_dim3A_330 = vector.broadcast %jit3A_329 : i32 to vector<1024x1024xi32>
    %select_n3A_331 = arith.select %eq3A_328, %iota3A, %broadcast_in_dim3A_330 : vector<1024x1024xi1>, vector<1024x1024xi32>
    %reduce_min3A_332 = arith.constant dense<2147483647> : vector<1024xi32>
    %reduce_min3A_333 = vector.multi_reduction <minsi>, %select_n3A_331, %reduce_min3A_332 [1] : vector<1024x1024xi32> to vector<1024xi32>
    %swap3A_334 = arith.constant 0 : index
    %swap3A_335 = arith.constant 11 : index
    %swap3A_336 = arith.constant 0 : index
    %swap3A_337 = vector.load %arg3[%swap3A_334, %swap3A_335, %swap3A_336] : memref<1x20x1024xi32, #tpu.memory_space<vmem>>, vector<1x1x1024xi32>
    %swap3A_338 = vector.shape_cast %swap3A_337 : vector<1x1x1024xi32> to vector<1024xi32>
    %swap3A_339 = vector.shape_cast %reduce_min3A_333 : vector<1024xi32> to vector<1x1x1024xi32>
    tpu.vector_store %arg3[%swap3A_334, %swap3A_335, %swap3A_336], %swap3A_339 {strides = array<i32>} : memref<1x20x1024xi32, #tpu.memory_space<vmem>>, vector<1x1x1024xi32>,
    %broadcast_in_dim3A_340 = vector.shape_cast %reduce_min3A_333 : vector<1024xi32> to vector<1024x1xi32>
    %eq3A_341 = vector.broadcast %broadcast_in_dim3A_340 : vector<1024x1xi32> to vector<1024x1024xi32>
    %eq3A_342 = arith.cmpi eq, %iota3A, %eq3A_341 : vector<1024x1024xi32>
    %jit3A_343 = arith.constant 0xFF800000 : f32
    %broadcast_in_dim3A_344 = vector.broadcast %jit3A_343 : f32 to vector<1024x1024xf32>
    %select_n3A_345 = arith.select %eq3A_342, %broadcast_in_dim3A_344, %get3A_323 : vector<1024x1024xi1>, vector<1024x1024xf32>
    %swap3A_346 = arith.constant 0 : index
    %swap3A_347 = arith.constant 0 : index
    %swap3A_348 = vector.load %arg4[%swap3A_346, %swap3A_347] : memref<1024x1024xf32, #tpu.memory_space<vmem>>, vector<1024x1024xf32>
    tpu.vector_store %arg4[%swap3A_346, %swap3A_347], %select_n3A_345 {strides = array<i32>} : memref<1024x1024xf32, #tpu.memory_space<vmem>>, vector<1024x1024xf32>,
    %get3A_349 = arith.constant 0 : index
    %get3A_350 = arith.constant 0 : index
    %get3A_351 = vector.load %arg4[%get3A_349, %get3A_350] : memref<1024x1024xf32, #tpu.memory_space<vmem>>, vector<1024x1024xf32>
    %reduce_max3A_352 = arith.constant dense<0xFF800000> : vector<1024xf32>
    %reduce_max3A_353 = vector.multi_reduction <maximumf>, %get3A_351, %reduce_max3A_352 [1] : vector<1024x1024xf32> to vector<1024xf32>
    %broadcast_in_dim3A_354 = vector.shape_cast %reduce_max3A_353 : vector<1024xf32> to vector<1024x1xf32>
    %eq3A_355 = vector.broadcast %broadcast_in_dim3A_354 : vector<1024x1xf32> to vector<1024x1024xf32>
    %eq3A_356 = arith.cmpf oeq, %get3A_351, %eq3A_355 : vector<1024x1024xf32>
    %jit3A_357 = arith.constant 1024 : i32
    %broadcast_in_dim3A_358 = vector.broadcast %jit3A_357 : i32 to vector<1024x1024xi32>
    %select_n3A_359 = arith.select %eq3A_356, %iota3A, %broadcast_in_dim3A_358 : vector<1024x1024xi1>, vector<1024x1024xi32>
    %reduce_min3A_360 = arith.constant dense<2147483647> : vector<1024xi32>
    %reduce_min3A_361 = vector.multi_reduction <minsi>, %select_n3A_359, %reduce_min3A_360 [1] : vector<1024x1024xi32> to vector<1024xi32>
    %swap3A_362 = arith.constant 0 : index
    %swap3A_363 = arith.constant 12 : index
    %swap3A_364 = arith.constant 0 : index
    %swap3A_365 = vector.load %arg3[%swap3A_362, %swap3A_363, %swap3A_364] : memref<1x20x1024xi32, #tpu.memory_space<vmem>>, vector<1x1x1024xi32>
    %swap3A_366 = vector.shape_cast %swap3A_365 : vector<1x1x1024xi32> to vector<1024xi32>
    %swap3A_367 = vector.shape_cast %reduce_min3A_361 : vector<1024xi32> to vector<1x1x1024xi32>
    tpu.vector_store %arg3[%swap3A_362, %swap3A_363, %swap3A_364], %swap3A_367 {strides = array<i32>} : memref<1x20x1024xi32, #tpu.memory_space<vmem>>, vector<1x1x1024xi32>,
    %broadcast_in_dim3A_368 = vector.shape_cast %reduce_min3A_361 : vector<1024xi32> to vector<1024x1xi32>
    %eq3A_369 = vector.broadcast %broadcast_in_dim3A_368 : vector<1024x1xi32> to vector<1024x1024xi32>
    %eq3A_370 = arith.cmpi eq, %iota3A, %eq3A_369 : vector<1024x1024xi32>
    %jit3A_371 = arith.constant 0xFF800000 : f32
    %broadcast_in_dim3A_372 = vector.broadcast %jit3A_371 : f32 to vector<1024x1024xf32>
    %select_n3A_373 = arith.select %eq3A_370, %broadcast_in_dim3A_372, %get3A_351 : vector<1024x1024xi1>, vector<1024x1024xf32>
    %swap3A_374 = arith.constant 0 : index
    %swap3A_375 = arith.constant 0 : index
    %swap3A_376 = vector.load %arg4[%swap3A_374, %swap3A_375] : memref<1024x1024xf32, #tpu.memory_space<vmem>>, vector<1024x1024xf32>
    tpu.vector_store %arg4[%swap3A_374, %swap3A_375], %select_n3A_373 {strides = array<i32>} : memref<1024x1024xf32, #tpu.memory_space<vmem>>, vector<1024x1024xf32>,
    %get3A_377 = arith.constant 0 : index
    %get3A_378 = arith.constant 0 : index
    %get3A_379 = vector.load %arg4[%get3A_377, %get3A_378] : memref<1024x1024xf32, #tpu.memory_space<vmem>>, vector<1024x1024xf32>
    %reduce_max3A_380 = arith.constant dense<0xFF800000> : vector<1024xf32>
    %reduce_max3A_381 = vector.multi_reduction <maximumf>, %get3A_379, %reduce_max3A_380 [1] : vector<1024x1024xf32> to vector<1024xf32>
    %broadcast_in_dim3A_382 = vector.shape_cast %reduce_max3A_381 : vector<1024xf32> to vector<1024x1xf32>
    %eq3A_383 = vector.broadcast %broadcast_in_dim3A_382 : vector<1024x1xf32> to vector<1024x1024xf32>
    %eq3A_384 = arith.cmpf oeq, %get3A_379, %eq3A_383 : vector<1024x1024xf32>
    %jit3A_385 = arith.constant 1024 : i32
    %broadcast_in_dim3A_386 = vector.broadcast %jit3A_385 : i32 to vector<1024x1024xi32>
    %select_n3A_387 = arith.select %eq3A_384, %iota3A, %broadcast_in_dim3A_386 : vector<1024x1024xi1>, vector<1024x1024xi32>
    %reduce_min3A_388 = arith.constant dense<2147483647> : vector<1024xi32>
    %reduce_min3A_389 = vector.multi_reduction <minsi>, %select_n3A_387, %reduce_min3A_388 [1] : vector<1024x1024xi32> to vector<1024xi32>
    %swap3A_390 = arith.constant 0 : index
    %swap3A_391 = arith.constant 13 : index
    %swap3A_392 = arith.constant 0 : index
    %swap3A_393 = vector.load %arg3[%swap3A_390, %swap3A_391, %swap3A_392] : memref<1x20x1024xi32, #tpu.memory_space<vmem>>, vector<1x1x1024xi32>
    %swap3A_394 = vector.shape_cast %swap3A_393 : vector<1x1x1024xi32> to vector<1024xi32>
    %swap3A_395 = vector.shape_cast %reduce_min3A_389 : vector<1024xi32> to vector<1x1x1024xi32>
    tpu.vector_store %arg3[%swap3A_390, %swap3A_391, %swap3A_392], %swap3A_395 {strides = array<i32>} : memref<1x20x1024xi32, #tpu.memory_space<vmem>>, vector<1x1x1024xi32>,
    %broadcast_in_dim3A_396 = vector.shape_cast %reduce_min3A_389 : vector<1024xi32> to vector<1024x1xi32>
    %eq3A_397 = vector.broadcast %broadcast_in_dim3A_396 : vector<1024x1xi32> to vector<1024x1024xi32>
    %eq3A_398 = arith.cmpi eq, %iota3A, %eq3A_397 : vector<1024x1024xi32>
    %jit3A_399 = arith.constant 0xFF800000 : f32
    %broadcast_in_dim3A_400 = vector.broadcast %jit3A_399 : f32 to vector<1024x1024xf32>
    %select_n3A_401 = arith.select %eq3A_398, %broadcast_in_dim3A_400, %get3A_379 : vector<1024x1024xi1>, vector<1024x1024xf32>
    %swap3A_402 = arith.constant 0 : index
    %swap3A_403 = arith.constant 0 : index
    %swap3A_404 = vector.load %arg4[%swap3A_402, %swap3A_403] : memref<1024x1024xf32, #tpu.memory_space<vmem>>, vector<1024x1024xf32>
    tpu.vector_store %arg4[%swap3A_402, %swap3A_403], %select_n3A_401 {strides = array<i32>} : memref<1024x1024xf32, #tpu.memory_space<vmem>>, vector<1024x1024xf32>,
    %get3A_405 = arith.constant 0 : index
    %get3A_406 = arith.constant 0 : index
    %get3A_407 = vector.load %arg4[%get3A_405, %get3A_406] : memref<1024x1024xf32, #tpu.memory_space<vmem>>, vector<1024x1024xf32>
    %reduce_max3A_408 = arith.constant dense<0xFF800000> : vector<1024xf32>
    %reduce_max3A_409 = vector.multi_reduction <maximumf>, %get3A_407, %reduce_max3A_408 [1] : vector<1024x1024xf32> to vector<1024xf32>
    %broadcast_in_dim3A_410 = vector.shape_cast %reduce_max3A_409 : vector<1024xf32> to vector<1024x1xf32>
    %eq3A_411 = vector.broadcast %broadcast_in_dim3A_410 : vector<1024x1xf32> to vector<1024x1024xf32>
    %eq3A_412 = arith.cmpf oeq, %get3A_407, %eq3A_411 : vector<1024x1024xf32>
    %jit3A_413 = arith.constant 1024 : i32
    %broadcast_in_dim3A_414 = vector.broadcast %jit3A_413 : i32 to vector<1024x1024xi32>
    %select_n3A_415 = arith.select %eq3A_412, %iota3A, %broadcast_in_dim3A_414 : vector<1024x1024xi1>, vector<1024x1024xi32>
    %reduce_min3A_416 = arith.constant dense<2147483647> : vector<1024xi32>
    %reduce_min3A_417 = vector.multi_reduction <minsi>, %select_n3A_415, %reduce_min3A_416 [1] : vector<1024x1024xi32> to vector<1024xi32>
    %swap3A_418 = arith.constant 0 : index
    %swap3A_419 = arith.constant 14 : index
    %swap3A_420 = arith.constant 0 : index
    %swap3A_421 = vector.load %arg3[%swap3A_418, %swap3A_419, %swap3A_420] : memref<1x20x1024xi32, #tpu.memory_space<vmem>>, vector<1x1x1024xi32>
    %swap3A_422 = vector.shape_cast %swap3A_421 : vector<1x1x1024xi32> to vector<1024xi32>
    %swap3A_423 = vector.shape_cast %reduce_min3A_417 : vector<1024xi32> to vector<1x1x1024xi32>
    tpu.vector_store %arg3[%swap3A_418, %swap3A_419, %swap3A_420], %swap3A_423 {strides = array<i32>} : memref<1x20x1024xi32, #tpu.memory_space<vmem>>, vector<1x1x1024xi32>,
    %broadcast_in_dim3A_424 = vector.shape_cast %reduce_min3A_417 : vector<1024xi32> to vector<1024x1xi32>
    %eq3A_425 = vector.broadcast %broadcast_in_dim3A_424 : vector<1024x1xi32> to vector<1024x1024xi32>
    %eq3A_426 = arith.cmpi eq, %iota3A, %eq3A_425 : vector<1024x1024xi32>
    %jit3A_427 = arith.constant 0xFF800000 : f32
    %broadcast_in_dim3A_428 = vector.broadcast %jit3A_427 : f32 to vector<1024x1024xf32>
    %select_n3A_429 = arith.select %eq3A_426, %broadcast_in_dim3A_428, %get3A_407 : vector<1024x1024xi1>, vector<1024x1024xf32>
    %swap3A_430 = arith.constant 0 : index
    %swap3A_431 = arith.constant 0 : index
    %swap3A_432 = vector.load %arg4[%swap3A_430, %swap3A_431] : memref<1024x1024xf32, #tpu.memory_space<vmem>>, vector<1024x1024xf32>
    tpu.vector_store %arg4[%swap3A_430, %swap3A_431], %select_n3A_429 {strides = array<i32>} : memref<1024x1024xf32, #tpu.memory_space<vmem>>, vector<1024x1024xf32>,
    %get3A_433 = arith.constant 0 : index
    %get3A_434 = arith.constant 0 : index
    %get3A_435 = vector.load %arg4[%get3A_433, %get3A_434] : memref<1024x1024xf32, #tpu.memory_space<vmem>>, vector<1024x1024xf32>
    %reduce_max3A_436 = arith.constant dense<0xFF800000> : vector<1024xf32>
    %reduce_max3A_437 = vector.multi_reduction <maximumf>, %get3A_435, %reduce_max3A_436 [1] : vector<1024x1024xf32> to vector<1024xf32>
    %broadcast_in_dim3A_438 = vector.shape_cast %reduce_max3A_437 : vector<1024xf32> to vector<1024x1xf32>
    %eq3A_439 = vector.broadcast %broadcast_in_dim3A_438 : vector<1024x1xf32> to vector<1024x1024xf32>
    %eq3A_440 = arith.cmpf oeq, %get3A_435, %eq3A_439 : vector<1024x1024xf32>
    %jit3A_441 = arith.constant 1024 : i32
    %broadcast_in_dim3A_442 = vector.broadcast %jit3A_441 : i32 to vector<1024x1024xi32>
    %select_n3A_443 = arith.select %eq3A_440, %iota3A, %broadcast_in_dim3A_442 : vector<1024x1024xi1>, vector<1024x1024xi32>
    %reduce_min3A_444 = arith.constant dense<2147483647> : vector<1024xi32>
    %reduce_min3A_445 = vector.multi_reduction <minsi>, %select_n3A_443, %reduce_min3A_444 [1] : vector<1024x1024xi32> to vector<1024xi32>
    %swap3A_446 = arith.constant 0 : index
    %swap3A_447 = arith.constant 15 : index
    %swap3A_448 = arith.constant 0 : index
    %swap3A_449 = vector.load %arg3[%swap3A_446, %swap3A_447, %swap3A_448] : memref<1x20x1024xi32, #tpu.memory_space<vmem>>, vector<1x1x1024xi32>
    %swap3A_450 = vector.shape_cast %swap3A_449 : vector<1x1x1024xi32> to vector<1024xi32>
    %swap3A_451 = vector.shape_cast %reduce_min3A_445 : vector<1024xi32> to vector<1x1x1024xi32>
    tpu.vector_store %arg3[%swap3A_446, %swap3A_447, %swap3A_448], %swap3A_451 {strides = array<i32>} : memref<1x20x1024xi32, #tpu.memory_space<vmem>>, vector<1x1x1024xi32>,
    %broadcast_in_dim3A_452 = vector.shape_cast %reduce_min3A_445 : vector<1024xi32> to vector<1024x1xi32>
    %eq3A_453 = vector.broadcast %broadcast_in_dim3A_452 : vector<1024x1xi32> to vector<1024x1024xi32>
    %eq3A_454 = arith.cmpi eq, %iota3A, %eq3A_453 : vector<1024x1024xi32>
    %jit3A_455 = arith.constant 0xFF800000 : f32
    %broadcast_in_dim3A_456 = vector.broadcast %jit3A_455 : f32 to vector<1024x1024xf32>
    %select_n3A_457 = arith.select %eq3A_454, %broadcast_in_dim3A_456, %get3A_435 : vector<1024x1024xi1>, vector<1024x1024xf32>
    %swap3A_458 = arith.constant 0 : index
    %swap3A_459 = arith.constant 0 : index
    %swap3A_460 = vector.load %arg4[%swap3A_458, %swap3A_459] : memref<1024x1024xf32, #tpu.memory_space<vmem>>, vector<1024x1024xf32>
    tpu.vector_store %arg4[%swap3A_458, %swap3A_459], %select_n3A_457 {strides = array<i32>} : memref<1024x1024xf32, #tpu.memory_space<vmem>>, vector<1024x1024xf32>,
    %get3A_461 = arith.constant 0 : index
    %get3A_462 = arith.constant 0 : index
    %get3A_463 = vector.load %arg4[%get3A_461, %get3A_462] : memref<1024x1024xf32, #tpu.memory_space<vmem>>, vector<1024x1024xf32>
    %reduce_max3A_464 = arith.constant dense<0xFF800000> : vector<1024xf32>
    %reduce_max3A_465 = vector.multi_reduction <maximumf>, %get3A_463, %reduce_max3A_464 [1] : vector<1024x1024xf32> to vector<1024xf32>
    %broadcast_in_dim3A_466 = vector.shape_cast %reduce_max3A_465 : vector<1024xf32> to vector<1024x1xf32>
    %eq3A_467 = vector.broadcast %broadcast_in_dim3A_466 : vector<1024x1xf32> to vector<1024x1024xf32>
    %eq3A_468 = arith.cmpf oeq, %get3A_463, %eq3A_467 : vector<1024x1024xf32>
    %jit3A_469 = arith.constant 1024 : i32
    %broadcast_in_dim3A_470 = vector.broadcast %jit3A_469 : i32 to vector<1024x1024xi32>
    %select_n3A_471 = arith.select %eq3A_468, %iota3A, %broadcast_in_dim3A_470 : vector<1024x1024xi1>, vector<1024x1024xi32>
    %reduce_min3A_472 = arith.constant dense<2147483647> : vector<1024xi32>
    %reduce_min3A_473 = vector.multi_reduction <minsi>, %select_n3A_471, %reduce_min3A_472 [1] : vector<1024x1024xi32> to vector<1024xi32>
    %swap3A_474 = arith.constant 0 : index
    %swap3A_475 = arith.constant 16 : index
    %swap3A_476 = arith.constant 0 : index
    %swap3A_477 = vector.load %arg3[%swap3A_474, %swap3A_475, %swap3A_476] : memref<1x20x1024xi32, #tpu.memory_space<vmem>>, vector<1x1x1024xi32>
    %swap3A_478 = vector.shape_cast %swap3A_477 : vector<1x1x1024xi32> to vector<1024xi32>
    %swap3A_479 = vector.shape_cast %reduce_min3A_473 : vector<1024xi32> to vector<1x1x1024xi32>
    tpu.vector_store %arg3[%swap3A_474, %swap3A_475, %swap3A_476], %swap3A_479 {strides = array<i32>} : memref<1x20x1024xi32, #tpu.memory_space<vmem>>, vector<1x1x1024xi32>,
    %broadcast_in_dim3A_480 = vector.shape_cast %reduce_min3A_473 : vector<1024xi32> to vector<1024x1xi32>
    %eq3A_481 = vector.broadcast %broadcast_in_dim3A_480 : vector<1024x1xi32> to vector<1024x1024xi32>
    %eq3A_482 = arith.cmpi eq, %iota3A, %eq3A_481 : vector<1024x1024xi32>
    %jit3A_483 = arith.constant 0xFF800000 : f32
    %broadcast_in_dim3A_484 = vector.broadcast %jit3A_483 : f32 to vector<1024x1024xf32>
    %select_n3A_485 = arith.select %eq3A_482, %broadcast_in_dim3A_484, %get3A_463 : vector<1024x1024xi1>, vector<1024x1024xf32>
    %swap3A_486 = arith.constant 0 : index
    %swap3A_487 = arith.constant 0 : index
    %swap3A_488 = vector.load %arg4[%swap3A_486, %swap3A_487] : memref<1024x1024xf32, #tpu.memory_space<vmem>>, vector<1024x1024xf32>
    tpu.vector_store %arg4[%swap3A_486, %swap3A_487], %select_n3A_485 {strides = array<i32>} : memref<1024x1024xf32, #tpu.memory_space<vmem>>, vector<1024x1024xf32>,
    %get3A_489 = arith.constant 0 : index
    %get3A_490 = arith.constant 0 : index
    %get3A_491 = vector.load %arg4[%get3A_489, %get3A_490] : memref<1024x1024xf32, #tpu.memory_space<vmem>>, vector<1024x1024xf32>
    %reduce_max3A_492 = arith.constant dense<0xFF800000> : vector<1024xf32>
    %reduce_max3A_493 = vector.multi_reduction <maximumf>, %get3A_491, %reduce_max3A_492 [1] : vector<1024x1024xf32> to vector<1024xf32>
    %broadcast_in_dim3A_494 = vector.shape_cast %reduce_max3A_493 : vector<1024xf32> to vector<1024x1xf32>
    %eq3A_495 = vector.broadcast %broadcast_in_dim3A_494 : vector<1024x1xf32> to vector<1024x1024xf32>
    %eq3A_496 = arith.cmpf oeq, %get3A_491, %eq3A_495 : vector<1024x1024xf32>
    %jit3A_497 = arith.constant 1024 : i32
    %broadcast_in_dim3A_498 = vector.broadcast %jit3A_497 : i32 to vector<1024x1024xi32>
    %select_n3A_499 = arith.select %eq3A_496, %iota3A, %broadcast_in_dim3A_498 : vector<1024x1024xi1>, vector<1024x1024xi32>
    %reduce_min3A_500 = arith.constant dense<2147483647> : vector<1024xi32>
    %reduce_min3A_501 = vector.multi_reduction <minsi>, %select_n3A_499, %reduce_min3A_500 [1] : vector<1024x1024xi32> to vector<1024xi32>
    %swap3A_502 = arith.constant 0 : index
    %swap3A_503 = arith.constant 17 : index
    %swap3A_504 = arith.constant 0 : index
    %swap3A_505 = vector.load %arg3[%swap3A_502, %swap3A_503, %swap3A_504] : memref<1x20x1024xi32, #tpu.memory_space<vmem>>, vector<1x1x1024xi32>
    %swap3A_506 = vector.shape_cast %swap3A_505 : vector<1x1x1024xi32> to vector<1024xi32>
    %swap3A_507 = vector.shape_cast %reduce_min3A_501 : vector<1024xi32> to vector<1x1x1024xi32>
    tpu.vector_store %arg3[%swap3A_502, %swap3A_503, %swap3A_504], %swap3A_507 {strides = array<i32>} : memref<1x20x1024xi32, #tpu.memory_space<vmem>>, vector<1x1x1024xi32>,
    %broadcast_in_dim3A_508 = vector.shape_cast %reduce_min3A_501 : vector<1024xi32> to vector<1024x1xi32>
    %eq3A_509 = vector.broadcast %broadcast_in_dim3A_508 : vector<1024x1xi32> to vector<1024x1024xi32>
    %eq3A_510 = arith.cmpi eq, %iota3A, %eq3A_509 : vector<1024x1024xi32>
    %jit3A_511 = arith.constant 0xFF800000 : f32
    %broadcast_in_dim3A_512 = vector.broadcast %jit3A_511 : f32 to vector<1024x1024xf32>
    %select_n3A_513 = arith.select %eq3A_510, %broadcast_in_dim3A_512, %get3A_491 : vector<1024x1024xi1>, vector<1024x1024xf32>
    %swap3A_514 = arith.constant 0 : index
    %swap3A_515 = arith.constant 0 : index
    %swap3A_516 = vector.load %arg4[%swap3A_514, %swap3A_515] : memref<1024x1024xf32, #tpu.memory_space<vmem>>, vector<1024x1024xf32>
    tpu.vector_store %arg4[%swap3A_514, %swap3A_515], %select_n3A_513 {strides = array<i32>} : memref<1024x1024xf32, #tpu.memory_space<vmem>>, vector<1024x1024xf32>,
    %get3A_517 = arith.constant 0 : index
    %get3A_518 = arith.constant 0 : index
    %get3A_519 = vector.load %arg4[%get3A_517, %get3A_518] : memref<1024x1024xf32, #tpu.memory_space<vmem>>, vector<1024x1024xf32>
    %reduce_max3A_520 = arith.constant dense<0xFF800000> : vector<1024xf32>
    %reduce_max3A_521 = vector.multi_reduction <maximumf>, %get3A_519, %reduce_max3A_520 [1] : vector<1024x1024xf32> to vector<1024xf32>
    %broadcast_in_dim3A_522 = vector.shape_cast %reduce_max3A_521 : vector<1024xf32> to vector<1024x1xf32>
    %eq3A_523 = vector.broadcast %broadcast_in_dim3A_522 : vector<1024x1xf32> to vector<1024x1024xf32>
    %eq3A_524 = arith.cmpf oeq, %get3A_519, %eq3A_523 : vector<1024x1024xf32>
    %jit3A_525 = arith.constant 1024 : i32
    %broadcast_in_dim3A_526 = vector.broadcast %jit3A_525 : i32 to vector<1024x1024xi32>
    %select_n3A_527 = arith.select %eq3A_524, %iota3A, %broadcast_in_dim3A_526 : vector<1024x1024xi1>, vector<1024x1024xi32>
    %reduce_min3A_528 = arith.constant dense<2147483647> : vector<1024xi32>
    %reduce_min3A_529 = vector.multi_reduction <minsi>, %select_n3A_527, %reduce_min3A_528 [1] : vector<1024x1024xi32> to vector<1024xi32>
    %swap3A_530 = arith.constant 0 : index
    %swap3A_531 = arith.constant 18 : index
    %swap3A_532 = arith.constant 0 : index
    %swap3A_533 = vector.load %arg3[%swap3A_530, %swap3A_531, %swap3A_532] : memref<1x20x1024xi32, #tpu.memory_space<vmem>>, vector<1x1x1024xi32>
    %swap3A_534 = vector.shape_cast %swap3A_533 : vector<1x1x1024xi32> to vector<1024xi32>
    %swap3A_535 = vector.shape_cast %reduce_min3A_529 : vector<1024xi32> to vector<1x1x1024xi32>
    tpu.vector_store %arg3[%swap3A_530, %swap3A_531, %swap3A_532], %swap3A_535 {strides = array<i32>} : memref<1x20x1024xi32, #tpu.memory_space<vmem>>, vector<1x1x1024xi32>,
    %broadcast_in_dim3A_536 = vector.shape_cast %reduce_min3A_529 : vector<1024xi32> to vector<1024x1xi32>
    %eq3A_537 = vector.broadcast %broadcast_in_dim3A_536 : vector<1024x1xi32> to vector<1024x1024xi32>
    %eq3A_538 = arith.cmpi eq, %iota3A, %eq3A_537 : vector<1024x1024xi32>
    %jit3A_539 = arith.constant 0xFF800000 : f32
    %broadcast_in_dim3A_540 = vector.broadcast %jit3A_539 : f32 to vector<1024x1024xf32>
    %select_n3A_541 = arith.select %eq3A_538, %broadcast_in_dim3A_540, %get3A_519 : vector<1024x1024xi1>, vector<1024x1024xf32>
    %swap3A_542 = arith.constant 0 : index
    %swap3A_543 = arith.constant 0 : index
    %swap3A_544 = vector.load %arg4[%swap3A_542, %swap3A_543] : memref<1024x1024xf32, #tpu.memory_space<vmem>>, vector<1024x1024xf32>
    tpu.vector_store %arg4[%swap3A_542, %swap3A_543], %select_n3A_541 {strides = array<i32>} : memref<1024x1024xf32, #tpu.memory_space<vmem>>, vector<1024x1024xf32>,
    %get3A_545 = arith.constant 0 : index
    %get3A_546 = arith.constant 0 : index
    %get3A_547 = vector.load %arg4[%get3A_545, %get3A_546] : memref<1024x1024xf32, #tpu.memory_space<vmem>>, vector<1024x1024xf32>
    %reduce_max3A_548 = arith.constant dense<0xFF800000> : vector<1024xf32>
    %reduce_max3A_549 = vector.multi_reduction <maximumf>, %get3A_547, %reduce_max3A_548 [1] : vector<1024x1024xf32> to vector<1024xf32>
    %broadcast_in_dim3A_550 = vector.shape_cast %reduce_max3A_549 : vector<1024xf32> to vector<1024x1xf32>
    %eq3A_551 = vector.broadcast %broadcast_in_dim3A_550 : vector<1024x1xf32> to vector<1024x1024xf32>
    %eq3A_552 = arith.cmpf oeq, %get3A_547, %eq3A_551 : vector<1024x1024xf32>
    %jit3A_553 = arith.constant 1024 : i32
    %broadcast_in_dim3A_554 = vector.broadcast %jit3A_553 : i32 to vector<1024x1024xi32>
    %select_n3A_555 = arith.select %eq3A_552, %iota3A, %broadcast_in_dim3A_554 : vector<1024x1024xi1>, vector<1024x1024xi32>
    %reduce_min3A_556 = arith.constant dense<2147483647> : vector<1024xi32>
    %reduce_min3A_557 = vector.multi_reduction <minsi>, %select_n3A_555, %reduce_min3A_556 [1] : vector<1024x1024xi32> to vector<1024xi32>
    %swap3A_558 = arith.constant 0 : index
    %swap3A_559 = arith.constant 19 : index
    %swap3A_560 = arith.constant 0 : index
    %swap3A_561 = vector.load %arg3[%swap3A_558, %swap3A_559, %swap3A_560] : memref<1x20x1024xi32, #tpu.memory_space<vmem>>, vector<1x1x1024xi32>
    %swap3A_562 = vector.shape_cast %swap3A_561 : vector<1x1x1024xi32> to vector<1024xi32>
    %swap3A_563 = vector.shape_cast %reduce_min3A_557 : vector<1024xi32> to vector<1x1x1024xi32>
    tpu.vector_store %arg3[%swap3A_558, %swap3A_559, %swap3A_560], %swap3A_563 {strides = array<i32>} : memref<1x20x1024xi32, #tpu.memory_space<vmem>>, vector<1x1x1024xi32>,
    %broadcast_in_dim3A_564 = vector.shape_cast %reduce_min3A_557 : vector<1024xi32> to vector<1024x1xi32>
    %eq3A_565 = vector.broadcast %broadcast_in_dim3A_564 : vector<1024x1xi32> to vector<1024x1024xi32>
    %eq3A_566 = arith.cmpi eq, %iota3A, %eq3A_565 : vector<1024x1024xi32>
    %jit3A_567 = arith.constant 0xFF800000 : f32
    %broadcast_in_dim3A_568 = vector.broadcast %jit3A_567 : f32 to vector<1024x1024xf32>
    %select_n3A_569 = arith.select %eq3A_566, %broadcast_in_dim3A_568, %get3A_547 : vector<1024x1024xi1>, vector<1024x1024xf32>
    %swap3A_570 = arith.constant 0 : index
    %swap3A_571 = arith.constant 0 : index
    %swap3A_572 = vector.load %arg4[%swap3A_570, %swap3A_571] : memref<1024x1024xf32, #tpu.memory_space<vmem>>, vector<1024x1024xf32>
    tpu.vector_store %arg4[%swap3A_570, %swap3A_571], %select_n3A_569 {strides = array<i32>} : memref<1024x1024xf32, #tpu.memory_space<vmem>>, vector<1024x1024xf32>,
    return
  }
  func.func @transform_0(%arg0: i32) -> (i32, i32, i32) {
    %c0_i32 = arith.constant 0 : i32
    %c0_i32_0 = arith.constant 0 : i32
    %c0_i32_1 = arith.constant 0 : i32
    return %arg0, %c0_i32, %c0_i32_0 : i32, i32, i32
  }
  func.func @transform_1(%arg0: i32) -> (i32, i32, i32) {
    %c0_i32 = arith.constant 0 : i32
    %c0_i32_0 = arith.constant 0 : i32
    %c0_i32_1 = arith.constant 0 : i32
    return %arg0, %c0_i32, %c0_i32_0 : i32, i32, i32
  }
  func.func @transform_2(%arg0: i32) -> (i32, i32, i32) {
    %c0_i32 = arith.constant 0 : i32
    %c0_i32_0 = arith.constant 0 : i32
    %c0_i32_1 = arith.constant 0 : i32
    return %arg0, %c0_i32, %c0_i32_0 : i32, i32, i32
  }
}

module attributes {stable_mosaic.version = 14 : i64} {
  func.func @_knn_body(%arg0: i32, %arg1: memref<1x1024x64xf32, #tpu.memory_space<vmem>>, %arg2: memref<1x1x1024xf32, #tpu.memory_space<vmem>>, %arg3: memref<1x20x1024xi32, #tpu.memory_space<vmem>>, %arg4: memref<1024x1024xf32, #tpu.memory_space<vmem>>) attributes {dimension_semantics = [#tpu.dimension_semantics<arbitrary>], iteration_bounds = array<i64: 8>, scalar_prefetch = 0 : i64, scratch_operands = 1 : i64, tpu.core_type = #tpu.core_type<tc>, window_params = [{transform_indices = @transform_0, window_bounds = array<i64: 1, 1024, 64>}, {transform_indices = @transform_1, window_bounds = array<i64: 1, 1, 1024>}, {transform_indices = @transform_2, window_bounds = array<i64: 1, 20, 1024>}]} {
    %get3A = arith.constant 0 : index
    %get3A_0 = arith.constant 0 : index
    %get3A_1 = arith.constant 0 : index
    %get3A_2 = vector.load %arg1[%get3A, %get3A_0, %get3A_1] : memref<1x1024x64xf32, #tpu.memory_space<vmem>>, vector<1x1024x64xf32>
    %get3A_3 = vector.shape_cast %get3A_2 : vector<1x1024x64xf32> to vector<1024x64xf32>
    %dot_general3A = arith.constant dense<0.000000e+00> : vector<1024x1024xf32>
    %dot_general3A_4 = tpu.matmul %get3A_3, %get3A_3, %dot_general3A {dimension_numbers = #tpu.dot_dimension_numbers<[1], [1], [0], [0], [0, 0, 1, 0], [], []>, transpose_lhs_hint = false} : vector<1024x64xf32>, vector<1024x64xf32>, vector<1024x1024xf32> -> vector<1024x1024xf32>
    %get3A_5 = arith.constant 0 : index
    %get3A_6 = arith.constant 0 : index
    %get3A_7 = arith.constant 0 : index
    %get3A_8 = vector.load %arg2[%get3A_5, %get3A_6, %get3A_7] : memref<1x1x1024xf32, #tpu.memory_space<vmem>>, vector<1x1x1024xf32>
    %get3A_9 = vector.shape_cast %get3A_8 : vector<1x1x1024xf32> to vector<1024xf32>
    %mul3A = arith.constant 2.000000e+00 : f32
    %mul3A_10 = vector.broadcast %mul3A : f32 to vector<1024x1024xf32>
    %mul3A_11 = arith.mulf %mul3A_10, %dot_general3A_4 : vector<1024x1024xf32>
    %broadcast_in_dim3A = vector.shape_cast %get3A_9 : vector<1024xf32> to vector<1024x1xf32>
    %sub3A = vector.broadcast %broadcast_in_dim3A : vector<1024x1xf32> to vector<1024x1024xf32>
    %sub3A_12 = arith.subf %mul3A_11, %sub3A : vector<1024x1024xf32>
    %broadcast_in_dim3A_13 = vector.shape_cast %get3A_9 : vector<1024xf32> to vector<1x1024xf32>
    %sub3A_14 = vector.broadcast %broadcast_in_dim3A_13 : vector<1x1024xf32> to vector<1024x1024xf32>
    %sub3A_15 = arith.subf %sub3A_12, %sub3A_14 : vector<1024x1024xf32>
    %swap3A = arith.constant 0 : index
    %swap3A_16 = arith.constant 0 : index
    %swap3A_17 = vector.load %arg4[%swap3A, %swap3A_16] : memref<1024x1024xf32, #tpu.memory_space<vmem>>, vector<1024x1024xf32>
    tpu.vector_store %arg4[%swap3A, %swap3A_16], %sub3A_15 {strides = array<i32>} : memref<1024x1024xf32, #tpu.memory_space<vmem>>, vector<1024x1024xf32>,
    %iota3A = tpu.iota {dimensions = array<i32: 1>} : vector<1024x1024xi32>
    %get3A_18 = arith.constant 0 : index
    %get3A_19 = arith.constant 0 : index
    %get3A_20 = vector.load %arg4[%get3A_18, %get3A_19] : memref<1024x1024xf32, #tpu.memory_space<vmem>>, vector<1024x1024xf32>
    %reduce_max3A = arith.constant dense<0xFF800000> : vector<1024xf32>
    %reduce_max3A_21 = vector.multi_reduction <maximumf>, %get3A_20, %reduce_max3A [1] : vector<1024x1024xf32> to vector<1024xf32>
    %broadcast_in_dim3A_22 = vector.shape_cast %reduce_max3A_21 : vector<1024xf32> to vector<1024x1xf32>
    %eq3A = vector.broadcast %broadcast_in_dim3A_22 : vector<1024x1xf32> to vector<1024x1024xf32>
    %eq3A_23 = arith.cmpf oeq, %get3A_20, %eq3A : vector<1024x1024xf32>
    %jit3A = arith.constant 1024 : i32
    %broadcast_in_dim3A_24 = vector.broadcast %jit3A : i32 to vector<1024x1024xi32>
    %select_n3A = arith.select %eq3A_23, %iota3A, %broadcast_in_dim3A_24 : vector<1024x1024xi1>, vector<1024x1024xi32>
    %reduce_min3A = arith.constant dense<2147483647> : vector<1024xi32>
    %reduce_min3A_25 = vector.multi_reduction <minsi>, %select_n3A, %reduce_min3A [1] : vector<1024x1024xi32> to vector<1024xi32>
    %swap3A_26 = arith.constant 0 : index
    %swap3A_27 = arith.constant 0 : index
    %swap3A_28 = arith.constant 0 : index
    %swap3A_29 = vector.load %arg3[%swap3A_26, %swap3A_27, %swap3A_28] : memref<1x20x1024xi32, #tpu.memory_space<vmem>>, vector<1x1x1024xi32>
    %swap3A_30 = vector.shape_cast %swap3A_29 : vector<1x1x1024xi32> to vector<1024xi32>
    %swap3A_31 = vector.shape_cast %reduce_min3A_25 : vector<1024xi32> to vector<1x1x1024xi32>
    tpu.vector_store %arg3[%swap3A_26, %swap3A_27, %swap3A_28], %swap3A_31 {strides = array<i32>} : memref<1x20x1024xi32, #tpu.memory_space<vmem>>, vector<1x1x1024xi32>,
    %broadcast_in_dim3A_32 = vector.shape_cast %reduce_min3A_25 : vector<1024xi32> to vector<1024x1xi32>
    %eq3A_33 = vector.broadcast %broadcast_in_dim3A_32 : vector<1024x1xi32> to vector<1024x1024xi32>
    %eq3A_34 = arith.cmpi eq, %iota3A, %eq3A_33 : vector<1024x1024xi32>
    %jit3A_35 = arith.constant 0xFF800000 : f32
    %broadcast_in_dim3A_36 = vector.broadcast %jit3A_35 : f32 to vector<1024x1024xf32>
    %select_n3A_37 = arith.select %eq3A_34, %broadcast_in_dim3A_36, %get3A_20 : vector<1024x1024xi1>, vector<1024x1024xf32>
    %swap3A_38 = arith.constant 0 : index
    %swap3A_39 = arith.constant 0 : index
    %swap3A_40 = vector.load %arg4[%swap3A_38, %swap3A_39] : memref<1024x1024xf32, #tpu.memory_space<vmem>>, vector<1024x1024xf32>
    tpu.vector_store %arg4[%swap3A_38, %swap3A_39], %select_n3A_37 {strides = array<i32>} : memref<1024x1024xf32, #tpu.memory_space<vmem>>, vector<1024x1024xf32>,
    %get3A_41 = arith.constant 0 : index
    %get3A_42 = arith.constant 0 : index
    %get3A_43 = vector.load %arg4[%get3A_41, %get3A_42] : memref<1024x1024xf32, #tpu.memory_space<vmem>>, vector<1024x1024xf32>
    %reduce_max3A_44 = arith.constant dense<0xFF800000> : vector<1024xf32>
    %reduce_max3A_45 = vector.multi_reduction <maximumf>, %get3A_43, %reduce_max3A_44 [1] : vector<1024x1024xf32> to vector<1024xf32>
    %broadcast_in_dim3A_46 = vector.shape_cast %reduce_max3A_45 : vector<1024xf32> to vector<1024x1xf32>
    %eq3A_47 = vector.broadcast %broadcast_in_dim3A_46 : vector<1024x1xf32> to vector<1024x1024xf32>
    %eq3A_48 = arith.cmpf oeq, %get3A_43, %eq3A_47 : vector<1024x1024xf32>
    %jit3A_49 = arith.constant 1024 : i32
    %broadcast_in_dim3A_50 = vector.broadcast %jit3A_49 : i32 to vector<1024x1024xi32>
    %select_n3A_51 = arith.select %eq3A_48, %iota3A, %broadcast_in_dim3A_50 : vector<1024x1024xi1>, vector<1024x1024xi32>
    %reduce_min3A_52 = arith.constant dense<2147483647> : vector<1024xi32>
    %reduce_min3A_53 = vector.multi_reduction <minsi>, %select_n3A_51, %reduce_min3A_52 [1] : vector<1024x1024xi32> to vector<1024xi32>
    %swap3A_54 = arith.constant 0 : index
    %swap3A_55 = arith.constant 1 : index
    %swap3A_56 = arith.constant 0 : index
    %swap3A_57 = vector.load %arg3[%swap3A_54, %swap3A_55, %swap3A_56] : memref<1x20x1024xi32, #tpu.memory_space<vmem>>, vector<1x1x1024xi32>
    %swap3A_58 = vector.shape_cast %swap3A_57 : vector<1x1x1024xi32> to vector<1024xi32>
    %swap3A_59 = vector.shape_cast %reduce_min3A_53 : vector<1024xi32> to vector<1x1x1024xi32>
    tpu.vector_store %arg3[%swap3A_54, %swap3A_55, %swap3A_56], %swap3A_59 {strides = array<i32>} : memref<1x20x1024xi32, #tpu.memory_space<vmem>>, vector<1x1x1024xi32>,
    %broadcast_in_dim3A_60 = vector.shape_cast %reduce_min3A_53 : vector<1024xi32> to vector<1024x1xi32>
    %eq3A_61 = vector.broadcast %broadcast_in_dim3A_60 : vector<1024x1xi32> to vector<1024x1024xi32>
    %eq3A_62 = arith.cmpi eq, %iota3A, %eq3A_61 : vector<1024x1024xi32>
    %jit3A_63 = arith.constant 0xFF800000 : f32
    %broadcast_in_dim3A_64 = vector.broadcast %jit3A_63 : f32 to vector<1024x1024xf32>
    %select_n3A_65 = arith.select %eq3A_62, %broadcast_in_dim3A_64, %get3A_43 : vector<1024x1024xi1>, vector<1024x1024xf32>
    %swap3A_66 = arith.constant 0 : index
    %swap3A_67 = arith.constant 0 : index
    %swap3A_68 = vector.load %arg4[%swap3A_66, %swap3A_67] : memref<1024x1024xf32, #tpu.memory_space<vmem>>, vector<1024x1024xf32>
    tpu.vector_store %arg4[%swap3A_66, %swap3A_67], %select_n3A_65 {strides = array<i32>} : memref<1024x1024xf32, #tpu.memory_space<vmem>>, vector<1024x1024xf32>,
    %get3A_69 = arith.constant 0 : index
    %get3A_70 = arith.constant 0 : index
    %get3A_71 = vector.load %arg4[%get3A_69, %get3A_70] : memref<1024x1024xf32, #tpu.memory_space<vmem>>, vector<1024x1024xf32>
    %reduce_max3A_72 = arith.constant dense<0xFF800000> : vector<1024xf32>
    %reduce_max3A_73 = vector.multi_reduction <maximumf>, %get3A_71, %reduce_max3A_72 [1] : vector<1024x1024xf32> to vector<1024xf32>
    %broadcast_in_dim3A_74 = vector.shape_cast %reduce_max3A_73 : vector<1024xf32> to vector<1024x1xf32>
    %eq3A_75 = vector.broadcast %broadcast_in_dim3A_74 : vector<1024x1xf32> to vector<1024x1024xf32>
    %eq3A_76 = arith.cmpf oeq, %get3A_71, %eq3A_75 : vector<1024x1024xf32>
    %jit3A_77 = arith.constant 1024 : i32
    %broadcast_in_dim3A_78 = vector.broadcast %jit3A_77 : i32 to vector<1024x1024xi32>
    %select_n3A_79 = arith.select %eq3A_76, %iota3A, %broadcast_in_dim3A_78 : vector<1024x1024xi1>, vector<1024x1024xi32>
    %reduce_min3A_80 = arith.constant dense<2147483647> : vector<1024xi32>
    %reduce_min3A_81 = vector.multi_reduction <minsi>, %select_n3A_79, %reduce_min3A_80 [1] : vector<1024x1024xi32> to vector<1024xi32>
    %swap3A_82 = arith.constant 0 : index
    %swap3A_83 = arith.constant 2 : index
    %swap3A_84 = arith.constant 0 : index
    %swap3A_85 = vector.load %arg3[%swap3A_82, %swap3A_83, %swap3A_84] : memref<1x20x1024xi32, #tpu.memory_space<vmem>>, vector<1x1x1024xi32>
    %swap3A_86 = vector.shape_cast %swap3A_85 : vector<1x1x1024xi32> to vector<1024xi32>
    %swap3A_87 = vector.shape_cast %reduce_min3A_81 : vector<1024xi32> to vector<1x1x1024xi32>
    tpu.vector_store %arg3[%swap3A_82, %swap3A_83, %swap3A_84], %swap3A_87 {strides = array<i32>} : memref<1x20x1024xi32, #tpu.memory_space<vmem>>, vector<1x1x1024xi32>,
    %broadcast_in_dim3A_88 = vector.shape_cast %reduce_min3A_81 : vector<1024xi32> to vector<1024x1xi32>
    %eq3A_89 = vector.broadcast %broadcast_in_dim3A_88 : vector<1024x1xi32> to vector<1024x1024xi32>
    %eq3A_90 = arith.cmpi eq, %iota3A, %eq3A_89 : vector<1024x1024xi32>
    %jit3A_91 = arith.constant 0xFF800000 : f32
    %broadcast_in_dim3A_92 = vector.broadcast %jit3A_91 : f32 to vector<1024x1024xf32>
    %select_n3A_93 = arith.select %eq3A_90, %broadcast_in_dim3A_92, %get3A_71 : vector<1024x1024xi1>, vector<1024x1024xf32>
    %swap3A_94 = arith.constant 0 : index
    %swap3A_95 = arith.constant 0 : index
    %swap3A_96 = vector.load %arg4[%swap3A_94, %swap3A_95] : memref<1024x1024xf32, #tpu.memory_space<vmem>>, vector<1024x1024xf32>
    tpu.vector_store %arg4[%swap3A_94, %swap3A_95], %select_n3A_93 {strides = array<i32>} : memref<1024x1024xf32, #tpu.memory_space<vmem>>, vector<1024x1024xf32>,
    %get3A_97 = arith.constant 0 : index
    %get3A_98 = arith.constant 0 : index
    %get3A_99 = vector.load %arg4[%get3A_97, %get3A_98] : memref<1024x1024xf32, #tpu.memory_space<vmem>>, vector<1024x1024xf32>
    %reduce_max3A_100 = arith.constant dense<0xFF800000> : vector<1024xf32>
    %reduce_max3A_101 = vector.multi_reduction <maximumf>, %get3A_99, %reduce_max3A_100 [1] : vector<1024x1024xf32> to vector<1024xf32>
    %broadcast_in_dim3A_102 = vector.shape_cast %reduce_max3A_101 : vector<1024xf32> to vector<1024x1xf32>
    %eq3A_103 = vector.broadcast %broadcast_in_dim3A_102 : vector<1024x1xf32> to vector<1024x1024xf32>
    %eq3A_104 = arith.cmpf oeq, %get3A_99, %eq3A_103 : vector<1024x1024xf32>
    %jit3A_105 = arith.constant 1024 : i32
    %broadcast_in_dim3A_106 = vector.broadcast %jit3A_105 : i32 to vector<1024x1024xi32>
    %select_n3A_107 = arith.select %eq3A_104, %iota3A, %broadcast_in_dim3A_106 : vector<1024x1024xi1>, vector<1024x1024xi32>
    %reduce_min3A_108 = arith.constant dense<2147483647> : vector<1024xi32>
    %reduce_min3A_109 = vector.multi_reduction <minsi>, %select_n3A_107, %reduce_min3A_108 [1] : vector<1024x1024xi32> to vector<1024xi32>
    %swap3A_110 = arith.constant 0 : index
    %swap3A_111 = arith.constant 3 : index
    %swap3A_112 = arith.constant 0 : index
    %swap3A_113 = vector.load %arg3[%swap3A_110, %swap3A_111, %swap3A_112] : memref<1x20x1024xi32, #tpu.memory_space<vmem>>, vector<1x1x1024xi32>
    %swap3A_114 = vector.shape_cast %swap3A_113 : vector<1x1x1024xi32> to vector<1024xi32>
    %swap3A_115 = vector.shape_cast %reduce_min3A_109 : vector<1024xi32> to vector<1x1x1024xi32>
    tpu.vector_store %arg3[%swap3A_110, %swap3A_111, %swap3A_112], %swap3A_115 {strides = array<i32>} : memref<1x20x1024xi32, #tpu.memory_space<vmem>>, vector<1x1x1024xi32>,
    %broadcast_in_dim3A_116 = vector.shape_cast %reduce_min3A_109 : vector<1024xi32> to vector<1024x1xi32>
    %eq3A_117 = vector.broadcast %broadcast_in_dim3A_116 : vector<1024x1xi32> to vector<1024x1024xi32>
    %eq3A_118 = arith.cmpi eq, %iota3A, %eq3A_117 : vector<1024x1024xi32>
    %jit3A_119 = arith.constant 0xFF800000 : f32
    %broadcast_in_dim3A_120 = vector.broadcast %jit3A_119 : f32 to vector<1024x1024xf32>
    %select_n3A_121 = arith.select %eq3A_118, %broadcast_in_dim3A_120, %get3A_99 : vector<1024x1024xi1>, vector<1024x1024xf32>
    %swap3A_122 = arith.constant 0 : index
    %swap3A_123 = arith.constant 0 : index
    %swap3A_124 = vector.load %arg4[%swap3A_122, %swap3A_123] : memref<1024x1024xf32, #tpu.memory_space<vmem>>, vector<1024x1024xf32>
    tpu.vector_store %arg4[%swap3A_122, %swap3A_123], %select_n3A_121 {strides = array<i32>} : memref<1024x1024xf32, #tpu.memory_space<vmem>>, vector<1024x1024xf32>,
    %get3A_125 = arith.constant 0 : index
    %get3A_126 = arith.constant 0 : index
    %get3A_127 = vector.load %arg4[%get3A_125, %get3A_126] : memref<1024x1024xf32, #tpu.memory_space<vmem>>, vector<1024x1024xf32>
    %reduce_max3A_128 = arith.constant dense<0xFF800000> : vector<1024xf32>
    %reduce_max3A_129 = vector.multi_reduction <maximumf>, %get3A_127, %reduce_max3A_128 [1] : vector<1024x1024xf32> to vector<1024xf32>
    %broadcast_in_dim3A_130 = vector.shape_cast %reduce_max3A_129 : vector<1024xf32> to vector<1024x1xf32>
    %eq3A_131 = vector.broadcast %broadcast_in_dim3A_130 : vector<1024x1xf32> to vector<1024x1024xf32>
    %eq3A_132 = arith.cmpf oeq, %get3A_127, %eq3A_131 : vector<1024x1024xf32>
    %jit3A_133 = arith.constant 1024 : i32
    %broadcast_in_dim3A_134 = vector.broadcast %jit3A_133 : i32 to vector<1024x1024xi32>
    %select_n3A_135 = arith.select %eq3A_132, %iota3A, %broadcast_in_dim3A_134 : vector<1024x1024xi1>, vector<1024x1024xi32>
    %reduce_min3A_136 = arith.constant dense<2147483647> : vector<1024xi32>
    %reduce_min3A_137 = vector.multi_reduction <minsi>, %select_n3A_135, %reduce_min3A_136 [1] : vector<1024x1024xi32> to vector<1024xi32>
    %swap3A_138 = arith.constant 0 : index
    %swap3A_139 = arith.constant 4 : index
    %swap3A_140 = arith.constant 0 : index
    %swap3A_141 = vector.load %arg3[%swap3A_138, %swap3A_139, %swap3A_140] : memref<1x20x1024xi32, #tpu.memory_space<vmem>>, vector<1x1x1024xi32>
    %swap3A_142 = vector.shape_cast %swap3A_141 : vector<1x1x1024xi32> to vector<1024xi32>
    %swap3A_143 = vector.shape_cast %reduce_min3A_137 : vector<1024xi32> to vector<1x1x1024xi32>
    tpu.vector_store %arg3[%swap3A_138, %swap3A_139, %swap3A_140], %swap3A_143 {strides = array<i32>} : memref<1x20x1024xi32, #tpu.memory_space<vmem>>, vector<1x1x1024xi32>,
    %broadcast_in_dim3A_144 = vector.shape_cast %reduce_min3A_137 : vector<1024xi32> to vector<1024x1xi32>
    %eq3A_145 = vector.broadcast %broadcast_in_dim3A_144 : vector<1024x1xi32> to vector<1024x1024xi32>
    %eq3A_146 = arith.cmpi eq, %iota3A, %eq3A_145 : vector<1024x1024xi32>
    %jit3A_147 = arith.constant 0xFF800000 : f32
    %broadcast_in_dim3A_148 = vector.broadcast %jit3A_147 : f32 to vector<1024x1024xf32>
    %select_n3A_149 = arith.select %eq3A_146, %broadcast_in_dim3A_148, %get3A_127 : vector<1024x1024xi1>, vector<1024x1024xf32>
    %swap3A_150 = arith.constant 0 : index
    %swap3A_151 = arith.constant 0 : index
    %swap3A_152 = vector.load %arg4[%swap3A_150, %swap3A_151] : memref<1024x1024xf32, #tpu.memory_space<vmem>>, vector<1024x1024xf32>
    tpu.vector_store %arg4[%swap3A_150, %swap3A_151], %select_n3A_149 {strides = array<i32>} : memref<1024x1024xf32, #tpu.memory_space<vmem>>, vector<1024x1024xf32>,
    %get3A_153 = arith.constant 0 : index
    %get3A_154 = arith.constant 0 : index
    %get3A_155 = vector.load %arg4[%get3A_153, %get3A_154] : memref<1024x1024xf32, #tpu.memory_space<vmem>>, vector<1024x1024xf32>
    %reduce_max3A_156 = arith.constant dense<0xFF800000> : vector<1024xf32>
    %reduce_max3A_157 = vector.multi_reduction <maximumf>, %get3A_155, %reduce_max3A_156 [1] : vector<1024x1024xf32> to vector<1024xf32>
    %broadcast_in_dim3A_158 = vector.shape_cast %reduce_max3A_157 : vector<1024xf32> to vector<1024x1xf32>
    %eq3A_159 = vector.broadcast %broadcast_in_dim3A_158 : vector<1024x1xf32> to vector<1024x1024xf32>
    %eq3A_160 = arith.cmpf oeq, %get3A_155, %eq3A_159 : vector<1024x1024xf32>
    %jit3A_161 = arith.constant 1024 : i32
    %broadcast_in_dim3A_162 = vector.broadcast %jit3A_161 : i32 to vector<1024x1024xi32>
    %select_n3A_163 = arith.select %eq3A_160, %iota3A, %broadcast_in_dim3A_162 : vector<1024x1024xi1>, vector<1024x1024xi32>
    %reduce_min3A_164 = arith.constant dense<2147483647> : vector<1024xi32>
    %reduce_min3A_165 = vector.multi_reduction <minsi>, %select_n3A_163, %reduce_min3A_164 [1] : vector<1024x1024xi32> to vector<1024xi32>
    %swap3A_166 = arith.constant 0 : index
    %swap3A_167 = arith.constant 5 : index
    %swap3A_168 = arith.constant 0 : index
    %swap3A_169 = vector.load %arg3[%swap3A_166, %swap3A_167, %swap3A_168] : memref<1x20x1024xi32, #tpu.memory_space<vmem>>, vector<1x1x1024xi32>
    %swap3A_170 = vector.shape_cast %swap3A_169 : vector<1x1x1024xi32> to vector<1024xi32>
    %swap3A_171 = vector.shape_cast %reduce_min3A_165 : vector<1024xi32> to vector<1x1x1024xi32>
    tpu.vector_store %arg3[%swap3A_166, %swap3A_167, %swap3A_168], %swap3A_171 {strides = array<i32>} : memref<1x20x1024xi32, #tpu.memory_space<vmem>>, vector<1x1x1024xi32>,
    %broadcast_in_dim3A_172 = vector.shape_cast %reduce_min3A_165 : vector<1024xi32> to vector<1024x1xi32>
    %eq3A_173 = vector.broadcast %broadcast_in_dim3A_172 : vector<1024x1xi32> to vector<1024x1024xi32>
    %eq3A_174 = arith.cmpi eq, %iota3A, %eq3A_173 : vector<1024x1024xi32>
    %jit3A_175 = arith.constant 0xFF800000 : f32
    %broadcast_in_dim3A_176 = vector.broadcast %jit3A_175 : f32 to vector<1024x1024xf32>
    %select_n3A_177 = arith.select %eq3A_174, %broadcast_in_dim3A_176, %get3A_155 : vector<1024x1024xi1>, vector<1024x1024xf32>
    %swap3A_178 = arith.constant 0 : index
    %swap3A_179 = arith.constant 0 : index
    %swap3A_180 = vector.load %arg4[%swap3A_178, %swap3A_179] : memref<1024x1024xf32, #tpu.memory_space<vmem>>, vector<1024x1024xf32>
    tpu.vector_store %arg4[%swap3A_178, %swap3A_179], %select_n3A_177 {strides = array<i32>} : memref<1024x1024xf32, #tpu.memory_space<vmem>>, vector<1024x1024xf32>,
    %get3A_181 = arith.constant 0 : index
    %get3A_182 = arith.constant 0 : index
    %get3A_183 = vector.load %arg4[%get3A_181, %get3A_182] : memref<1024x1024xf32, #tpu.memory_space<vmem>>, vector<1024x1024xf32>
    %reduce_max3A_184 = arith.constant dense<0xFF800000> : vector<1024xf32>
    %reduce_max3A_185 = vector.multi_reduction <maximumf>, %get3A_183, %reduce_max3A_184 [1] : vector<1024x1024xf32> to vector<1024xf32>
    %broadcast_in_dim3A_186 = vector.shape_cast %reduce_max3A_185 : vector<1024xf32> to vector<1024x1xf32>
    %eq3A_187 = vector.broadcast %broadcast_in_dim3A_186 : vector<1024x1xf32> to vector<1024x1024xf32>
    %eq3A_188 = arith.cmpf oeq, %get3A_183, %eq3A_187 : vector<1024x1024xf32>
    %jit3A_189 = arith.constant 1024 : i32
    %broadcast_in_dim3A_190 = vector.broadcast %jit3A_189 : i32 to vector<1024x1024xi32>
    %select_n3A_191 = arith.select %eq3A_188, %iota3A, %broadcast_in_dim3A_190 : vector<1024x1024xi1>, vector<1024x1024xi32>
    %reduce_min3A_192 = arith.constant dense<2147483647> : vector<1024xi32>
    %reduce_min3A_193 = vector.multi_reduction <minsi>, %select_n3A_191, %reduce_min3A_192 [1] : vector<1024x1024xi32> to vector<1024xi32>
    %swap3A_194 = arith.constant 0 : index
    %swap3A_195 = arith.constant 6 : index
    %swap3A_196 = arith.constant 0 : index
    %swap3A_197 = vector.load %arg3[%swap3A_194, %swap3A_195, %swap3A_196] : memref<1x20x1024xi32, #tpu.memory_space<vmem>>, vector<1x1x1024xi32>
    %swap3A_198 = vector.shape_cast %swap3A_197 : vector<1x1x1024xi32> to vector<1024xi32>
    %swap3A_199 = vector.shape_cast %reduce_min3A_193 : vector<1024xi32> to vector<1x1x1024xi32>
    tpu.vector_store %arg3[%swap3A_194, %swap3A_195, %swap3A_196], %swap3A_199 {strides = array<i32>} : memref<1x20x1024xi32, #tpu.memory_space<vmem>>, vector<1x1x1024xi32>,
    %broadcast_in_dim3A_200 = vector.shape_cast %reduce_min3A_193 : vector<1024xi32> to vector<1024x1xi32>
    %eq3A_201 = vector.broadcast %broadcast_in_dim3A_200 : vector<1024x1xi32> to vector<1024x1024xi32>
    %eq3A_202 = arith.cmpi eq, %iota3A, %eq3A_201 : vector<1024x1024xi32>
    %jit3A_203 = arith.constant 0xFF800000 : f32
    %broadcast_in_dim3A_204 = vector.broadcast %jit3A_203 : f32 to vector<1024x1024xf32>
    %select_n3A_205 = arith.select %eq3A_202, %broadcast_in_dim3A_204, %get3A_183 : vector<1024x1024xi1>, vector<1024x1024xf32>
    %swap3A_206 = arith.constant 0 : index
    %swap3A_207 = arith.constant 0 : index
    %swap3A_208 = vector.load %arg4[%swap3A_206, %swap3A_207] : memref<1024x1024xf32, #tpu.memory_space<vmem>>, vector<1024x1024xf32>
    tpu.vector_store %arg4[%swap3A_206, %swap3A_207], %select_n3A_205 {strides = array<i32>} : memref<1024x1024xf32, #tpu.memory_space<vmem>>, vector<1024x1024xf32>,
    %get3A_209 = arith.constant 0 : index
    %get3A_210 = arith.constant 0 : index
    %get3A_211 = vector.load %arg4[%get3A_209, %get3A_210] : memref<1024x1024xf32, #tpu.memory_space<vmem>>, vector<1024x1024xf32>
    %reduce_max3A_212 = arith.constant dense<0xFF800000> : vector<1024xf32>
    %reduce_max3A_213 = vector.multi_reduction <maximumf>, %get3A_211, %reduce_max3A_212 [1] : vector<1024x1024xf32> to vector<1024xf32>
    %broadcast_in_dim3A_214 = vector.shape_cast %reduce_max3A_213 : vector<1024xf32> to vector<1024x1xf32>
    %eq3A_215 = vector.broadcast %broadcast_in_dim3A_214 : vector<1024x1xf32> to vector<1024x1024xf32>
    %eq3A_216 = arith.cmpf oeq, %get3A_211, %eq3A_215 : vector<1024x1024xf32>
    %jit3A_217 = arith.constant 1024 : i32
    %broadcast_in_dim3A_218 = vector.broadcast %jit3A_217 : i32 to vector<1024x1024xi32>
    %select_n3A_219 = arith.select %eq3A_216, %iota3A, %broadcast_in_dim3A_218 : vector<1024x1024xi1>, vector<1024x1024xi32>
    %reduce_min3A_220 = arith.constant dense<2147483647> : vector<1024xi32>
    %reduce_min3A_221 = vector.multi_reduction <minsi>, %select_n3A_219, %reduce_min3A_220 [1] : vector<1024x1024xi32> to vector<1024xi32>
    %swap3A_222 = arith.constant 0 : index
    %swap3A_223 = arith.constant 7 : index
    %swap3A_224 = arith.constant 0 : index
    %swap3A_225 = vector.load %arg3[%swap3A_222, %swap3A_223, %swap3A_224] : memref<1x20x1024xi32, #tpu.memory_space<vmem>>, vector<1x1x1024xi32>
    %swap3A_226 = vector.shape_cast %swap3A_225 : vector<1x1x1024xi32> to vector<1024xi32>
    %swap3A_227 = vector.shape_cast %reduce_min3A_221 : vector<1024xi32> to vector<1x1x1024xi32>
    tpu.vector_store %arg3[%swap3A_222, %swap3A_223, %swap3A_224], %swap3A_227 {strides = array<i32>} : memref<1x20x1024xi32, #tpu.memory_space<vmem>>, vector<1x1x1024xi32>,
    %broadcast_in_dim3A_228 = vector.shape_cast %reduce_min3A_221 : vector<1024xi32> to vector<1024x1xi32>
    %eq3A_229 = vector.broadcast %broadcast_in_dim3A_228 : vector<1024x1xi32> to vector<1024x1024xi32>
    %eq3A_230 = arith.cmpi eq, %iota3A, %eq3A_229 : vector<1024x1024xi32>
    %jit3A_231 = arith.constant 0xFF800000 : f32
    %broadcast_in_dim3A_232 = vector.broadcast %jit3A_231 : f32 to vector<1024x1024xf32>
    %select_n3A_233 = arith.select %eq3A_230, %broadcast_in_dim3A_232, %get3A_211 : vector<1024x1024xi1>, vector<1024x1024xf32>
    %swap3A_234 = arith.constant 0 : index
    %swap3A_235 = arith.constant 0 : index
    %swap3A_236 = vector.load %arg4[%swap3A_234, %swap3A_235] : memref<1024x1024xf32, #tpu.memory_space<vmem>>, vector<1024x1024xf32>
    tpu.vector_store %arg4[%swap3A_234, %swap3A_235], %select_n3A_233 {strides = array<i32>} : memref<1024x1024xf32, #tpu.memory_space<vmem>>, vector<1024x1024xf32>,
    %get3A_237 = arith.constant 0 : index
    %get3A_238 = arith.constant 0 : index
    %get3A_239 = vector.load %arg4[%get3A_237, %get3A_238] : memref<1024x1024xf32, #tpu.memory_space<vmem>>, vector<1024x1024xf32>
    %reduce_max3A_240 = arith.constant dense<0xFF800000> : vector<1024xf32>
    %reduce_max3A_241 = vector.multi_reduction <maximumf>, %get3A_239, %reduce_max3A_240 [1] : vector<1024x1024xf32> to vector<1024xf32>
    %broadcast_in_dim3A_242 = vector.shape_cast %reduce_max3A_241 : vector<1024xf32> to vector<1024x1xf32>
    %eq3A_243 = vector.broadcast %broadcast_in_dim3A_242 : vector<1024x1xf32> to vector<1024x1024xf32>
    %eq3A_244 = arith.cmpf oeq, %get3A_239, %eq3A_243 : vector<1024x1024xf32>
    %jit3A_245 = arith.constant 1024 : i32
    %broadcast_in_dim3A_246 = vector.broadcast %jit3A_245 : i32 to vector<1024x1024xi32>
    %select_n3A_247 = arith.select %eq3A_244, %iota3A, %broadcast_in_dim3A_246 : vector<1024x1024xi1>, vector<1024x1024xi32>
    %reduce_min3A_248 = arith.constant dense<2147483647> : vector<1024xi32>
    %reduce_min3A_249 = vector.multi_reduction <minsi>, %select_n3A_247, %reduce_min3A_248 [1] : vector<1024x1024xi32> to vector<1024xi32>
    %swap3A_250 = arith.constant 0 : index
    %swap3A_251 = arith.constant 8 : index
    %swap3A_252 = arith.constant 0 : index
    %swap3A_253 = vector.load %arg3[%swap3A_250, %swap3A_251, %swap3A_252] : memref<1x20x1024xi32, #tpu.memory_space<vmem>>, vector<1x1x1024xi32>
    %swap3A_254 = vector.shape_cast %swap3A_253 : vector<1x1x1024xi32> to vector<1024xi32>
    %swap3A_255 = vector.shape_cast %reduce_min3A_249 : vector<1024xi32> to vector<1x1x1024xi32>
    tpu.vector_store %arg3[%swap3A_250, %swap3A_251, %swap3A_252], %swap3A_255 {strides = array<i32>} : memref<1x20x1024xi32, #tpu.memory_space<vmem>>, vector<1x1x1024xi32>,
    %broadcast_in_dim3A_256 = vector.shape_cast %reduce_min3A_249 : vector<1024xi32> to vector<1024x1xi32>
    %eq3A_257 = vector.broadcast %broadcast_in_dim3A_256 : vector<1024x1xi32> to vector<1024x1024xi32>
    %eq3A_258 = arith.cmpi eq, %iota3A, %eq3A_257 : vector<1024x1024xi32>
    %jit3A_259 = arith.constant 0xFF800000 : f32
    %broadcast_in_dim3A_260 = vector.broadcast %jit3A_259 : f32 to vector<1024x1024xf32>
    %select_n3A_261 = arith.select %eq3A_258, %broadcast_in_dim3A_260, %get3A_239 : vector<1024x1024xi1>, vector<1024x1024xf32>
    %swap3A_262 = arith.constant 0 : index
    %swap3A_263 = arith.constant 0 : index
    %swap3A_264 = vector.load %arg4[%swap3A_262, %swap3A_263] : memref<1024x1024xf32, #tpu.memory_space<vmem>>, vector<1024x1024xf32>
    tpu.vector_store %arg4[%swap3A_262, %swap3A_263], %select_n3A_261 {strides = array<i32>} : memref<1024x1024xf32, #tpu.memory_space<vmem>>, vector<1024x1024xf32>,
    %get3A_265 = arith.constant 0 : index
    %get3A_266 = arith.constant 0 : index
    %get3A_267 = vector.load %arg4[%get3A_265, %get3A_266] : memref<1024x1024xf32, #tpu.memory_space<vmem>>, vector<1024x1024xf32>
    %reduce_max3A_268 = arith.constant dense<0xFF800000> : vector<1024xf32>
    %reduce_max3A_269 = vector.multi_reduction <maximumf>, %get3A_267, %reduce_max3A_268 [1] : vector<1024x1024xf32> to vector<1024xf32>
    %broadcast_in_dim3A_270 = vector.shape_cast %reduce_max3A_269 : vector<1024xf32> to vector<1024x1xf32>
    %eq3A_271 = vector.broadcast %broadcast_in_dim3A_270 : vector<1024x1xf32> to vector<1024x1024xf32>
    %eq3A_272 = arith.cmpf oeq, %get3A_267, %eq3A_271 : vector<1024x1024xf32>
    %jit3A_273 = arith.constant 1024 : i32
    %broadcast_in_dim3A_274 = vector.broadcast %jit3A_273 : i32 to vector<1024x1024xi32>
    %select_n3A_275 = arith.select %eq3A_272, %iota3A, %broadcast_in_dim3A_274 : vector<1024x1024xi1>, vector<1024x1024xi32>
    %reduce_min3A_276 = arith.constant dense<2147483647> : vector<1024xi32>
    %reduce_min3A_277 = vector.multi_reduction <minsi>, %select_n3A_275, %reduce_min3A_276 [1] : vector<1024x1024xi32> to vector<1024xi32>
    %swap3A_278 = arith.constant 0 : index
    %swap3A_279 = arith.constant 9 : index
    %swap3A_280 = arith.constant 0 : index
    %swap3A_281 = vector.load %arg3[%swap3A_278, %swap3A_279, %swap3A_280] : memref<1x20x1024xi32, #tpu.memory_space<vmem>>, vector<1x1x1024xi32>
    %swap3A_282 = vector.shape_cast %swap3A_281 : vector<1x1x1024xi32> to vector<1024xi32>
    %swap3A_283 = vector.shape_cast %reduce_min3A_277 : vector<1024xi32> to vector<1x1x1024xi32>
    tpu.vector_store %arg3[%swap3A_278, %swap3A_279, %swap3A_280], %swap3A_283 {strides = array<i32>} : memref<1x20x1024xi32, #tpu.memory_space<vmem>>, vector<1x1x1024xi32>,
    %broadcast_in_dim3A_284 = vector.shape_cast %reduce_min3A_277 : vector<1024xi32> to vector<1024x1xi32>
    %eq3A_285 = vector.broadcast %broadcast_in_dim3A_284 : vector<1024x1xi32> to vector<1024x1024xi32>
    %eq3A_286 = arith.cmpi eq, %iota3A, %eq3A_285 : vector<1024x1024xi32>
    %jit3A_287 = arith.constant 0xFF800000 : f32
    %broadcast_in_dim3A_288 = vector.broadcast %jit3A_287 : f32 to vector<1024x1024xf32>
    %select_n3A_289 = arith.select %eq3A_286, %broadcast_in_dim3A_288, %get3A_267 : vector<1024x1024xi1>, vector<1024x1024xf32>
    %swap3A_290 = arith.constant 0 : index
    %swap3A_291 = arith.constant 0 : index
    %swap3A_292 = vector.load %arg4[%swap3A_290, %swap3A_291] : memref<1024x1024xf32, #tpu.memory_space<vmem>>, vector<1024x1024xf32>
    tpu.vector_store %arg4[%swap3A_290, %swap3A_291], %select_n3A_289 {strides = array<i32>} : memref<1024x1024xf32, #tpu.memory_space<vmem>>, vector<1024x1024xf32>,
    %get3A_293 = arith.constant 0 : index
    %get3A_294 = arith.constant 0 : index
    %get3A_295 = vector.load %arg4[%get3A_293, %get3A_294] : memref<1024x1024xf32, #tpu.memory_space<vmem>>, vector<1024x1024xf32>
    %reduce_max3A_296 = arith.constant dense<0xFF800000> : vector<1024xf32>
    %reduce_max3A_297 = vector.multi_reduction <maximumf>, %get3A_295, %reduce_max3A_296 [1] : vector<1024x1024xf32> to vector<1024xf32>
    %broadcast_in_dim3A_298 = vector.shape_cast %reduce_max3A_297 : vector<1024xf32> to vector<1024x1xf32>
    %eq3A_299 = vector.broadcast %broadcast_in_dim3A_298 : vector<1024x1xf32> to vector<1024x1024xf32>
    %eq3A_300 = arith.cmpf oeq, %get3A_295, %eq3A_299 : vector<1024x1024xf32>
    %jit3A_301 = arith.constant 1024 : i32
    %broadcast_in_dim3A_302 = vector.broadcast %jit3A_301 : i32 to vector<1024x1024xi32>
    %select_n3A_303 = arith.select %eq3A_300, %iota3A, %broadcast_in_dim3A_302 : vector<1024x1024xi1>, vector<1024x1024xi32>
    %reduce_min3A_304 = arith.constant dense<2147483647> : vector<1024xi32>
    %reduce_min3A_305 = vector.multi_reduction <minsi>, %select_n3A_303, %reduce_min3A_304 [1] : vector<1024x1024xi32> to vector<1024xi32>
    %swap3A_306 = arith.constant 0 : index
    %swap3A_307 = arith.constant 10 : index
    %swap3A_308 = arith.constant 0 : index
    %swap3A_309 = vector.load %arg3[%swap3A_306, %swap3A_307, %swap3A_308] : memref<1x20x1024xi32, #tpu.memory_space<vmem>>, vector<1x1x1024xi32>
    %swap3A_310 = vector.shape_cast %swap3A_309 : vector<1x1x1024xi32> to vector<1024xi32>
    %swap3A_311 = vector.shape_cast %reduce_min3A_305 : vector<1024xi32> to vector<1x1x1024xi32>
    tpu.vector_store %arg3[%swap3A_306, %swap3A_307, %swap3A_308], %swap3A_311 {strides = array<i32>} : memref<1x20x1024xi32, #tpu.memory_space<vmem>>, vector<1x1x1024xi32>,
    %broadcast_in_dim3A_312 = vector.shape_cast %reduce_min3A_305 : vector<1024xi32> to vector<1024x1xi32>
    %eq3A_313 = vector.broadcast %broadcast_in_dim3A_312 : vector<1024x1xi32> to vector<1024x1024xi32>
    %eq3A_314 = arith.cmpi eq, %iota3A, %eq3A_313 : vector<1024x1024xi32>
    %jit3A_315 = arith.constant 0xFF800000 : f32
    %broadcast_in_dim3A_316 = vector.broadcast %jit3A_315 : f32 to vector<1024x1024xf32>
    %select_n3A_317 = arith.select %eq3A_314, %broadcast_in_dim3A_316, %get3A_295 : vector<1024x1024xi1>, vector<1024x1024xf32>
    %swap3A_318 = arith.constant 0 : index
    %swap3A_319 = arith.constant 0 : index
    %swap3A_320 = vector.load %arg4[%swap3A_318, %swap3A_319] : memref<1024x1024xf32, #tpu.memory_space<vmem>>, vector<1024x1024xf32>
    tpu.vector_store %arg4[%swap3A_318, %swap3A_319], %select_n3A_317 {strides = array<i32>} : memref<1024x1024xf32, #tpu.memory_space<vmem>>, vector<1024x1024xf32>,
    %get3A_321 = arith.constant 0 : index
    %get3A_322 = arith.constant 0 : index
    %get3A_323 = vector.load %arg4[%get3A_321, %get3A_322] : memref<1024x1024xf32, #tpu.memory_space<vmem>>, vector<1024x1024xf32>
    %reduce_max3A_324 = arith.constant dense<0xFF800000> : vector<1024xf32>
    %reduce_max3A_325 = vector.multi_reduction <maximumf>, %get3A_323, %reduce_max3A_324 [1] : vector<1024x1024xf32> to vector<1024xf32>
    %broadcast_in_dim3A_326 = vector.shape_cast %reduce_max3A_325 : vector<1024xf32> to vector<1024x1xf32>
    %eq3A_327 = vector.broadcast %broadcast_in_dim3A_326 : vector<1024x1xf32> to vector<1024x1024xf32>
    %eq3A_328 = arith.cmpf oeq, %get3A_323, %eq3A_327 : vector<1024x1024xf32>
    %jit3A_329 = arith.constant 1024 : i32
    %broadcast_in_dim3A_330 = vector.broadcast %jit3A_329 : i32 to vector<1024x1024xi32>
    %select_n3A_331 = arith.select %eq3A_328, %iota3A, %broadcast_in_dim3A_330 : vector<1024x1024xi1>, vector<1024x1024xi32>
    %reduce_min3A_332 = arith.constant dense<2147483647> : vector<1024xi32>
    %reduce_min3A_333 = vector.multi_reduction <minsi>, %select_n3A_331, %reduce_min3A_332 [1] : vector<1024x1024xi32> to vector<1024xi32>
    %swap3A_334 = arith.constant 0 : index
    %swap3A_335 = arith.constant 11 : index
    %swap3A_336 = arith.constant 0 : index
    %swap3A_337 = vector.load %arg3[%swap3A_334, %swap3A_335, %swap3A_336] : memref<1x20x1024xi32, #tpu.memory_space<vmem>>, vector<1x1x1024xi32>
    %swap3A_338 = vector.shape_cast %swap3A_337 : vector<1x1x1024xi32> to vector<1024xi32>
    %swap3A_339 = vector.shape_cast %reduce_min3A_333 : vector<1024xi32> to vector<1x1x1024xi32>
    tpu.vector_store %arg3[%swap3A_334, %swap3A_335, %swap3A_336], %swap3A_339 {strides = array<i32>} : memref<1x20x1024xi32, #tpu.memory_space<vmem>>, vector<1x1x1024xi32>,
    %broadcast_in_dim3A_340 = vector.shape_cast %reduce_min3A_333 : vector<1024xi32> to vector<1024x1xi32>
    %eq3A_341 = vector.broadcast %broadcast_in_dim3A_340 : vector<1024x1xi32> to vector<1024x1024xi32>
    %eq3A_342 = arith.cmpi eq, %iota3A, %eq3A_341 : vector<1024x1024xi32>
    %jit3A_343 = arith.constant 0xFF800000 : f32
    %broadcast_in_dim3A_344 = vector.broadcast %jit3A_343 : f32 to vector<1024x1024xf32>
    %select_n3A_345 = arith.select %eq3A_342, %broadcast_in_dim3A_344, %get3A_323 : vector<1024x1024xi1>, vector<1024x1024xf32>
    %swap3A_346 = arith.constant 0 : index
    %swap3A_347 = arith.constant 0 : index
    %swap3A_348 = vector.load %arg4[%swap3A_346, %swap3A_347] : memref<1024x1024xf32, #tpu.memory_space<vmem>>, vector<1024x1024xf32>
    tpu.vector_store %arg4[%swap3A_346, %swap3A_347], %select_n3A_345 {strides = array<i32>} : memref<1024x1024xf32, #tpu.memory_space<vmem>>, vector<1024x1024xf32>,
    %get3A_349 = arith.constant 0 : index
    %get3A_350 = arith.constant 0 : index
    %get3A_351 = vector.load %arg4[%get3A_349, %get3A_350] : memref<1024x1024xf32, #tpu.memory_space<vmem>>, vector<1024x1024xf32>
    %reduce_max3A_352 = arith.constant dense<0xFF800000> : vector<1024xf32>
    %reduce_max3A_353 = vector.multi_reduction <maximumf>, %get3A_351, %reduce_max3A_352 [1] : vector<1024x1024xf32> to vector<1024xf32>
    %broadcast_in_dim3A_354 = vector.shape_cast %reduce_max3A_353 : vector<1024xf32> to vector<1024x1xf32>
    %eq3A_355 = vector.broadcast %broadcast_in_dim3A_354 : vector<1024x1xf32> to vector<1024x1024xf32>
    %eq3A_356 = arith.cmpf oeq, %get3A_351, %eq3A_355 : vector<1024x1024xf32>
    %jit3A_357 = arith.constant 1024 : i32
    %broadcast_in_dim3A_358 = vector.broadcast %jit3A_357 : i32 to vector<1024x1024xi32>
    %select_n3A_359 = arith.select %eq3A_356, %iota3A, %broadcast_in_dim3A_358 : vector<1024x1024xi1>, vector<1024x1024xi32>
    %reduce_min3A_360 = arith.constant dense<2147483647> : vector<1024xi32>
    %reduce_min3A_361 = vector.multi_reduction <minsi>, %select_n3A_359, %reduce_min3A_360 [1] : vector<1024x1024xi32> to vector<1024xi32>
    %swap3A_362 = arith.constant 0 : index
    %swap3A_363 = arith.constant 12 : index
    %swap3A_364 = arith.constant 0 : index
    %swap3A_365 = vector.load %arg3[%swap3A_362, %swap3A_363, %swap3A_364] : memref<1x20x1024xi32, #tpu.memory_space<vmem>>, vector<1x1x1024xi32>
    %swap3A_366 = vector.shape_cast %swap3A_365 : vector<1x1x1024xi32> to vector<1024xi32>
    %swap3A_367 = vector.shape_cast %reduce_min3A_361 : vector<1024xi32> to vector<1x1x1024xi32>
    tpu.vector_store %arg3[%swap3A_362, %swap3A_363, %swap3A_364], %swap3A_367 {strides = array<i32>} : memref<1x20x1024xi32, #tpu.memory_space<vmem>>, vector<1x1x1024xi32>,
    %broadcast_in_dim3A_368 = vector.shape_cast %reduce_min3A_361 : vector<1024xi32> to vector<1024x1xi32>
    %eq3A_369 = vector.broadcast %broadcast_in_dim3A_368 : vector<1024x1xi32> to vector<1024x1024xi32>
    %eq3A_370 = arith.cmpi eq, %iota3A, %eq3A_369 : vector<1024x1024xi32>
    %jit3A_371 = arith.constant 0xFF800000 : f32
    %broadcast_in_dim3A_372 = vector.broadcast %jit3A_371 : f32 to vector<1024x1024xf32>
    %select_n3A_373 = arith.select %eq3A_370, %broadcast_in_dim3A_372, %get3A_351 : vector<1024x1024xi1>, vector<1024x1024xf32>
    %swap3A_374 = arith.constant 0 : index
    %swap3A_375 = arith.constant 0 : index
    %swap3A_376 = vector.load %arg4[%swap3A_374, %swap3A_375] : memref<1024x1024xf32, #tpu.memory_space<vmem>>, vector<1024x1024xf32>
    tpu.vector_store %arg4[%swap3A_374, %swap3A_375], %select_n3A_373 {strides = array<i32>} : memref<1024x1024xf32, #tpu.memory_space<vmem>>, vector<1024x1024xf32>,
    %get3A_377 = arith.constant 0 : index
    %get3A_378 = arith.constant 0 : index
    %get3A_379 = vector.load %arg4[%get3A_377, %get3A_378] : memref<1024x1024xf32, #tpu.memory_space<vmem>>, vector<1024x1024xf32>
    %reduce_max3A_380 = arith.constant dense<0xFF800000> : vector<1024xf32>
    %reduce_max3A_381 = vector.multi_reduction <maximumf>, %get3A_379, %reduce_max3A_380 [1] : vector<1024x1024xf32> to vector<1024xf32>
    %broadcast_in_dim3A_382 = vector.shape_cast %reduce_max3A_381 : vector<1024xf32> to vector<1024x1xf32>
    %eq3A_383 = vector.broadcast %broadcast_in_dim3A_382 : vector<1024x1xf32> to vector<1024x1024xf32>
    %eq3A_384 = arith.cmpf oeq, %get3A_379, %eq3A_383 : vector<1024x1024xf32>
    %jit3A_385 = arith.constant 1024 : i32
    %broadcast_in_dim3A_386 = vector.broadcast %jit3A_385 : i32 to vector<1024x1024xi32>
    %select_n3A_387 = arith.select %eq3A_384, %iota3A, %broadcast_in_dim3A_386 : vector<1024x1024xi1>, vector<1024x1024xi32>
    %reduce_min3A_388 = arith.constant dense<2147483647> : vector<1024xi32>
    %reduce_min3A_389 = vector.multi_reduction <minsi>, %select_n3A_387, %reduce_min3A_388 [1] : vector<1024x1024xi32> to vector<1024xi32>
    %swap3A_390 = arith.constant 0 : index
    %swap3A_391 = arith.constant 13 : index
    %swap3A_392 = arith.constant 0 : index
    %swap3A_393 = vector.load %arg3[%swap3A_390, %swap3A_391, %swap3A_392] : memref<1x20x1024xi32, #tpu.memory_space<vmem>>, vector<1x1x1024xi32>
    %swap3A_394 = vector.shape_cast %swap3A_393 : vector<1x1x1024xi32> to vector<1024xi32>
    %swap3A_395 = vector.shape_cast %reduce_min3A_389 : vector<1024xi32> to vector<1x1x1024xi32>
    tpu.vector_store %arg3[%swap3A_390, %swap3A_391, %swap3A_392], %swap3A_395 {strides = array<i32>} : memref<1x20x1024xi32, #tpu.memory_space<vmem>>, vector<1x1x1024xi32>,
    %broadcast_in_dim3A_396 = vector.shape_cast %reduce_min3A_389 : vector<1024xi32> to vector<1024x1xi32>
    %eq3A_397 = vector.broadcast %broadcast_in_dim3A_396 : vector<1024x1xi32> to vector<1024x1024xi32>
    %eq3A_398 = arith.cmpi eq, %iota3A, %eq3A_397 : vector<1024x1024xi32>
    %jit3A_399 = arith.constant 0xFF800000 : f32
    %broadcast_in_dim3A_400 = vector.broadcast %jit3A_399 : f32 to vector<1024x1024xf32>
    %select_n3A_401 = arith.select %eq3A_398, %broadcast_in_dim3A_400, %get3A_379 : vector<1024x1024xi1>, vector<1024x1024xf32>
    %swap3A_402 = arith.constant 0 : index
    %swap3A_403 = arith.constant 0 : index
    %swap3A_404 = vector.load %arg4[%swap3A_402, %swap3A_403] : memref<1024x1024xf32, #tpu.memory_space<vmem>>, vector<1024x1024xf32>
    tpu.vector_store %arg4[%swap3A_402, %swap3A_403], %select_n3A_401 {strides = array<i32>} : memref<1024x1024xf32, #tpu.memory_space<vmem>>, vector<1024x1024xf32>,
    %get3A_405 = arith.constant 0 : index
    %get3A_406 = arith.constant 0 : index
    %get3A_407 = vector.load %arg4[%get3A_405, %get3A_406] : memref<1024x1024xf32, #tpu.memory_space<vmem>>, vector<1024x1024xf32>
    %reduce_max3A_408 = arith.constant dense<0xFF800000> : vector<1024xf32>
    %reduce_max3A_409 = vector.multi_reduction <maximumf>, %get3A_407, %reduce_max3A_408 [1] : vector<1024x1024xf32> to vector<1024xf32>
    %broadcast_in_dim3A_410 = vector.shape_cast %reduce_max3A_409 : vector<1024xf32> to vector<1024x1xf32>
    %eq3A_411 = vector.broadcast %broadcast_in_dim3A_410 : vector<1024x1xf32> to vector<1024x1024xf32>
    %eq3A_412 = arith.cmpf oeq, %get3A_407, %eq3A_411 : vector<1024x1024xf32>
    %jit3A_413 = arith.constant 1024 : i32
    %broadcast_in_dim3A_414 = vector.broadcast %jit3A_413 : i32 to vector<1024x1024xi32>
    %select_n3A_415 = arith.select %eq3A_412, %iota3A, %broadcast_in_dim3A_414 : vector<1024x1024xi1>, vector<1024x1024xi32>
    %reduce_min3A_416 = arith.constant dense<2147483647> : vector<1024xi32>
    %reduce_min3A_417 = vector.multi_reduction <minsi>, %select_n3A_415, %reduce_min3A_416 [1] : vector<1024x1024xi32> to vector<1024xi32>
    %swap3A_418 = arith.constant 0 : index
    %swap3A_419 = arith.constant 14 : index
    %swap3A_420 = arith.constant 0 : index
    %swap3A_421 = vector.load %arg3[%swap3A_418, %swap3A_419, %swap3A_420] : memref<1x20x1024xi32, #tpu.memory_space<vmem>>, vector<1x1x1024xi32>
    %swap3A_422 = vector.shape_cast %swap3A_421 : vector<1x1x1024xi32> to vector<1024xi32>
    %swap3A_423 = vector.shape_cast %reduce_min3A_417 : vector<1024xi32> to vector<1x1x1024xi32>
    tpu.vector_store %arg3[%swap3A_418, %swap3A_419, %swap3A_420], %swap3A_423 {strides = array<i32>} : memref<1x20x1024xi32, #tpu.memory_space<vmem>>, vector<1x1x1024xi32>,
    %broadcast_in_dim3A_424 = vector.shape_cast %reduce_min3A_417 : vector<1024xi32> to vector<1024x1xi32>
    %eq3A_425 = vector.broadcast %broadcast_in_dim3A_424 : vector<1024x1xi32> to vector<1024x1024xi32>
    %eq3A_426 = arith.cmpi eq, %iota3A, %eq3A_425 : vector<1024x1024xi32>
    %jit3A_427 = arith.constant 0xFF800000 : f32
    %broadcast_in_dim3A_428 = vector.broadcast %jit3A_427 : f32 to vector<1024x1024xf32>
    %select_n3A_429 = arith.select %eq3A_426, %broadcast_in_dim3A_428, %get3A_407 : vector<1024x1024xi1>, vector<1024x1024xf32>
    %swap3A_430 = arith.constant 0 : index
    %swap3A_431 = arith.constant 0 : index
    %swap3A_432 = vector.load %arg4[%swap3A_430, %swap3A_431] : memref<1024x1024xf32, #tpu.memory_space<vmem>>, vector<1024x1024xf32>
    tpu.vector_store %arg4[%swap3A_430, %swap3A_431], %select_n3A_429 {strides = array<i32>} : memref<1024x1024xf32, #tpu.memory_space<vmem>>, vector<1024x1024xf32>,
    %get3A_433 = arith.constant 0 : index
    %get3A_434 = arith.constant 0 : index
    %get3A_435 = vector.load %arg4[%get3A_433, %get3A_434] : memref<1024x1024xf32, #tpu.memory_space<vmem>>, vector<1024x1024xf32>
    %reduce_max3A_436 = arith.constant dense<0xFF800000> : vector<1024xf32>
    %reduce_max3A_437 = vector.multi_reduction <maximumf>, %get3A_435, %reduce_max3A_436 [1] : vector<1024x1024xf32> to vector<1024xf32>
    %broadcast_in_dim3A_438 = vector.shape_cast %reduce_max3A_437 : vector<1024xf32> to vector<1024x1xf32>
    %eq3A_439 = vector.broadcast %broadcast_in_dim3A_438 : vector<1024x1xf32> to vector<1024x1024xf32>
    %eq3A_440 = arith.cmpf oeq, %get3A_435, %eq3A_439 : vector<1024x1024xf32>
    %jit3A_441 = arith.constant 1024 : i32
    %broadcast_in_dim3A_442 = vector.broadcast %jit3A_441 : i32 to vector<1024x1024xi32>
    %select_n3A_443 = arith.select %eq3A_440, %iota3A, %broadcast_in_dim3A_442 : vector<1024x1024xi1>, vector<1024x1024xi32>
    %reduce_min3A_444 = arith.constant dense<2147483647> : vector<1024xi32>
    %reduce_min3A_445 = vector.multi_reduction <minsi>, %select_n3A_443, %reduce_min3A_444 [1] : vector<1024x1024xi32> to vector<1024xi32>
    %swap3A_446 = arith.constant 0 : index
    %swap3A_447 = arith.constant 15 : index
    %swap3A_448 = arith.constant 0 : index
    %swap3A_449 = vector.load %arg3[%swap3A_446, %swap3A_447, %swap3A_448] : memref<1x20x1024xi32, #tpu.memory_space<vmem>>, vector<1x1x1024xi32>
    %swap3A_450 = vector.shape_cast %swap3A_449 : vector<1x1x1024xi32> to vector<1024xi32>
    %swap3A_451 = vector.shape_cast %reduce_min3A_445 : vector<1024xi32> to vector<1x1x1024xi32>
    tpu.vector_store %arg3[%swap3A_446, %swap3A_447, %swap3A_448], %swap3A_451 {strides = array<i32>} : memref<1x20x1024xi32, #tpu.memory_space<vmem>>, vector<1x1x1024xi32>,
    %broadcast_in_dim3A_452 = vector.shape_cast %reduce_min3A_445 : vector<1024xi32> to vector<1024x1xi32>
    %eq3A_453 = vector.broadcast %broadcast_in_dim3A_452 : vector<1024x1xi32> to vector<1024x1024xi32>
    %eq3A_454 = arith.cmpi eq, %iota3A, %eq3A_453 : vector<1024x1024xi32>
    %jit3A_455 = arith.constant 0xFF800000 : f32
    %broadcast_in_dim3A_456 = vector.broadcast %jit3A_455 : f32 to vector<1024x1024xf32>
    %select_n3A_457 = arith.select %eq3A_454, %broadcast_in_dim3A_456, %get3A_435 : vector<1024x1024xi1>, vector<1024x1024xf32>
    %swap3A_458 = arith.constant 0 : index
    %swap3A_459 = arith.constant 0 : index
    %swap3A_460 = vector.load %arg4[%swap3A_458, %swap3A_459] : memref<1024x1024xf32, #tpu.memory_space<vmem>>, vector<1024x1024xf32>
    tpu.vector_store %arg4[%swap3A_458, %swap3A_459], %select_n3A_457 {strides = array<i32>} : memref<1024x1024xf32, #tpu.memory_space<vmem>>, vector<1024x1024xf32>,
    %get3A_461 = arith.constant 0 : index
    %get3A_462 = arith.constant 0 : index
    %get3A_463 = vector.load %arg4[%get3A_461, %get3A_462] : memref<1024x1024xf32, #tpu.memory_space<vmem>>, vector<1024x1024xf32>
    %reduce_max3A_464 = arith.constant dense<0xFF800000> : vector<1024xf32>
    %reduce_max3A_465 = vector.multi_reduction <maximumf>, %get3A_463, %reduce_max3A_464 [1] : vector<1024x1024xf32> to vector<1024xf32>
    %broadcast_in_dim3A_466 = vector.shape_cast %reduce_max3A_465 : vector<1024xf32> to vector<1024x1xf32>
    %eq3A_467 = vector.broadcast %broadcast_in_dim3A_466 : vector<1024x1xf32> to vector<1024x1024xf32>
    %eq3A_468 = arith.cmpf oeq, %get3A_463, %eq3A_467 : vector<1024x1024xf32>
    %jit3A_469 = arith.constant 1024 : i32
    %broadcast_in_dim3A_470 = vector.broadcast %jit3A_469 : i32 to vector<1024x1024xi32>
    %select_n3A_471 = arith.select %eq3A_468, %iota3A, %broadcast_in_dim3A_470 : vector<1024x1024xi1>, vector<1024x1024xi32>
    %reduce_min3A_472 = arith.constant dense<2147483647> : vector<1024xi32>
    %reduce_min3A_473 = vector.multi_reduction <minsi>, %select_n3A_471, %reduce_min3A_472 [1] : vector<1024x1024xi32> to vector<1024xi32>
    %swap3A_474 = arith.constant 0 : index
    %swap3A_475 = arith.constant 16 : index
    %swap3A_476 = arith.constant 0 : index
    %swap3A_477 = vector.load %arg3[%swap3A_474, %swap3A_475, %swap3A_476] : memref<1x20x1024xi32, #tpu.memory_space<vmem>>, vector<1x1x1024xi32>
    %swap3A_478 = vector.shape_cast %swap3A_477 : vector<1x1x1024xi32> to vector<1024xi32>
    %swap3A_479 = vector.shape_cast %reduce_min3A_473 : vector<1024xi32> to vector<1x1x1024xi32>
    tpu.vector_store %arg3[%swap3A_474, %swap3A_475, %swap3A_476], %swap3A_479 {strides = array<i32>} : memref<1x20x1024xi32, #tpu.memory_space<vmem>>, vector<1x1x1024xi32>,
    %broadcast_in_dim3A_480 = vector.shape_cast %reduce_min3A_473 : vector<1024xi32> to vector<1024x1xi32>
    %eq3A_481 = vector.broadcast %broadcast_in_dim3A_480 : vector<1024x1xi32> to vector<1024x1024xi32>
    %eq3A_482 = arith.cmpi eq, %iota3A, %eq3A_481 : vector<1024x1024xi32>
    %jit3A_483 = arith.constant 0xFF800000 : f32
    %broadcast_in_dim3A_484 = vector.broadcast %jit3A_483 : f32 to vector<1024x1024xf32>
    %select_n3A_485 = arith.select %eq3A_482, %broadcast_in_dim3A_484, %get3A_463 : vector<1024x1024xi1>, vector<1024x1024xf32>
    %swap3A_486 = arith.constant 0 : index
    %swap3A_487 = arith.constant 0 : index
    %swap3A_488 = vector.load %arg4[%swap3A_486, %swap3A_487] : memref<1024x1024xf32, #tpu.memory_space<vmem>>, vector<1024x1024xf32>
    tpu.vector_store %arg4[%swap3A_486, %swap3A_487], %select_n3A_485 {strides = array<i32>} : memref<1024x1024xf32, #tpu.memory_space<vmem>>, vector<1024x1024xf32>,
    %get3A_489 = arith.constant 0 : index
    %get3A_490 = arith.constant 0 : index
    %get3A_491 = vector.load %arg4[%get3A_489, %get3A_490] : memref<1024x1024xf32, #tpu.memory_space<vmem>>, vector<1024x1024xf32>
    %reduce_max3A_492 = arith.constant dense<0xFF800000> : vector<1024xf32>
    %reduce_max3A_493 = vector.multi_reduction <maximumf>, %get3A_491, %reduce_max3A_492 [1] : vector<1024x1024xf32> to vector<1024xf32>
    %broadcast_in_dim3A_494 = vector.shape_cast %reduce_max3A_493 : vector<1024xf32> to vector<1024x1xf32>
    %eq3A_495 = vector.broadcast %broadcast_in_dim3A_494 : vector<1024x1xf32> to vector<1024x1024xf32>
    %eq3A_496 = arith.cmpf oeq, %get3A_491, %eq3A_495 : vector<1024x1024xf32>
    %jit3A_497 = arith.constant 1024 : i32
    %broadcast_in_dim3A_498 = vector.broadcast %jit3A_497 : i32 to vector<1024x1024xi32>
    %select_n3A_499 = arith.select %eq3A_496, %iota3A, %broadcast_in_dim3A_498 : vector<1024x1024xi1>, vector<1024x1024xi32>
    %reduce_min3A_500 = arith.constant dense<2147483647> : vector<1024xi32>
    %reduce_min3A_501 = vector.multi_reduction <minsi>, %select_n3A_499, %reduce_min3A_500 [1] : vector<1024x1024xi32> to vector<1024xi32>
    %swap3A_502 = arith.constant 0 : index
    %swap3A_503 = arith.constant 17 : index
    %swap3A_504 = arith.constant 0 : index
    %swap3A_505 = vector.load %arg3[%swap3A_502, %swap3A_503, %swap3A_504] : memref<1x20x1024xi32, #tpu.memory_space<vmem>>, vector<1x1x1024xi32>
    %swap3A_506 = vector.shape_cast %swap3A_505 : vector<1x1x1024xi32> to vector<1024xi32>
    %swap3A_507 = vector.shape_cast %reduce_min3A_501 : vector<1024xi32> to vector<1x1x1024xi32>
    tpu.vector_store %arg3[%swap3A_502, %swap3A_503, %swap3A_504], %swap3A_507 {strides = array<i32>} : memref<1x20x1024xi32, #tpu.memory_space<vmem>>, vector<1x1x1024xi32>,
    %broadcast_in_dim3A_508 = vector.shape_cast %reduce_min3A_501 : vector<1024xi32> to vector<1024x1xi32>
    %eq3A_509 = vector.broadcast %broadcast_in_dim3A_508 : vector<1024x1xi32> to vector<1024x1024xi32>
    %eq3A_510 = arith.cmpi eq, %iota3A, %eq3A_509 : vector<1024x1024xi32>
    %jit3A_511 = arith.constant 0xFF800000 : f32
    %broadcast_in_dim3A_512 = vector.broadcast %jit3A_511 : f32 to vector<1024x1024xf32>
    %select_n3A_513 = arith.select %eq3A_510, %broadcast_in_dim3A_512, %get3A_491 : vector<1024x1024xi1>, vector<1024x1024xf32>
    %swap3A_514 = arith.constant 0 : index
    %swap3A_515 = arith.constant 0 : index
    %swap3A_516 = vector.load %arg4[%swap3A_514, %swap3A_515] : memref<1024x1024xf32, #tpu.memory_space<vmem>>, vector<1024x1024xf32>
    tpu.vector_store %arg4[%swap3A_514, %swap3A_515], %select_n3A_513 {strides = array<i32>} : memref<1024x1024xf32, #tpu.memory_space<vmem>>, vector<1024x1024xf32>,
    %get3A_517 = arith.constant 0 : index
    %get3A_518 = arith.constant 0 : index
    %get3A_519 = vector.load %arg4[%get3A_517, %get3A_518] : memref<1024x1024xf32, #tpu.memory_space<vmem>>, vector<1024x1024xf32>
    %reduce_max3A_520 = arith.constant dense<0xFF800000> : vector<1024xf32>
    %reduce_max3A_521 = vector.multi_reduction <maximumf>, %get3A_519, %reduce_max3A_520 [1] : vector<1024x1024xf32> to vector<1024xf32>
    %broadcast_in_dim3A_522 = vector.shape_cast %reduce_max3A_521 : vector<1024xf32> to vector<1024x1xf32>
    %eq3A_523 = vector.broadcast %broadcast_in_dim3A_522 : vector<1024x1xf32> to vector<1024x1024xf32>
    %eq3A_524 = arith.cmpf oeq, %get3A_519, %eq3A_523 : vector<1024x1024xf32>
    %jit3A_525 = arith.constant 1024 : i32
    %broadcast_in_dim3A_526 = vector.broadcast %jit3A_525 : i32 to vector<1024x1024xi32>
    %select_n3A_527 = arith.select %eq3A_524, %iota3A, %broadcast_in_dim3A_526 : vector<1024x1024xi1>, vector<1024x1024xi32>
    %reduce_min3A_528 = arith.constant dense<2147483647> : vector<1024xi32>
    %reduce_min3A_529 = vector.multi_reduction <minsi>, %select_n3A_527, %reduce_min3A_528 [1] : vector<1024x1024xi32> to vector<1024xi32>
    %swap3A_530 = arith.constant 0 : index
    %swap3A_531 = arith.constant 18 : index
    %swap3A_532 = arith.constant 0 : index
    %swap3A_533 = vector.load %arg3[%swap3A_530, %swap3A_531, %swap3A_532] : memref<1x20x1024xi32, #tpu.memory_space<vmem>>, vector<1x1x1024xi32>
    %swap3A_534 = vector.shape_cast %swap3A_533 : vector<1x1x1024xi32> to vector<1024xi32>
    %swap3A_535 = vector.shape_cast %reduce_min3A_529 : vector<1024xi32> to vector<1x1x1024xi32>
    tpu.vector_store %arg3[%swap3A_530, %swap3A_531, %swap3A_532], %swap3A_535 {strides = array<i32>} : memref<1x20x1024xi32, #tpu.memory_space<vmem>>, vector<1x1x1024xi32>,
    %broadcast_in_dim3A_536 = vector.shape_cast %reduce_min3A_529 : vector<1024xi32> to vector<1024x1xi32>
    %eq3A_537 = vector.broadcast %broadcast_in_dim3A_536 : vector<1024x1xi32> to vector<1024x1024xi32>
    %eq3A_538 = arith.cmpi eq, %iota3A, %eq3A_537 : vector<1024x1024xi32>
    %jit3A_539 = arith.constant 0xFF800000 : f32
    %broadcast_in_dim3A_540 = vector.broadcast %jit3A_539 : f32 to vector<1024x1024xf32>
    %select_n3A_541 = arith.select %eq3A_538, %broadcast_in_dim3A_540, %get3A_519 : vector<1024x1024xi1>, vector<1024x1024xf32>
    %swap3A_542 = arith.constant 0 : index
    %swap3A_543 = arith.constant 0 : index
    %swap3A_544 = vector.load %arg4[%swap3A_542, %swap3A_543] : memref<1024x1024xf32, #tpu.memory_space<vmem>>, vector<1024x1024xf32>
    tpu.vector_store %arg4[%swap3A_542, %swap3A_543], %select_n3A_541 {strides = array<i32>} : memref<1024x1024xf32, #tpu.memory_space<vmem>>, vector<1024x1024xf32>,
    %get3A_545 = arith.constant 0 : index
    %get3A_546 = arith.constant 0 : index
    %get3A_547 = vector.load %arg4[%get3A_545, %get3A_546] : memref<1024x1024xf32, #tpu.memory_space<vmem>>, vector<1024x1024xf32>
    %reduce_max3A_548 = arith.constant dense<0xFF800000> : vector<1024xf32>
    %reduce_max3A_549 = vector.multi_reduction <maximumf>, %get3A_547, %reduce_max3A_548 [1] : vector<1024x1024xf32> to vector<1024xf32>
    %broadcast_in_dim3A_550 = vector.shape_cast %reduce_max3A_549 : vector<1024xf32> to vector<1024x1xf32>
    %eq3A_551 = vector.broadcast %broadcast_in_dim3A_550 : vector<1024x1xf32> to vector<1024x1024xf32>
    %eq3A_552 = arith.cmpf oeq, %get3A_547, %eq3A_551 : vector<1024x1024xf32>
    %jit3A_553 = arith.constant 1024 : i32
    %broadcast_in_dim3A_554 = vector.broadcast %jit3A_553 : i32 to vector<1024x1024xi32>
    %select_n3A_555 = arith.select %eq3A_552, %iota3A, %broadcast_in_dim3A_554 : vector<1024x1024xi1>, vector<1024x1024xi32>
    %reduce_min3A_556 = arith.constant dense<2147483647> : vector<1024xi32>
    %reduce_min3A_557 = vector.multi_reduction <minsi>, %select_n3A_555, %reduce_min3A_556 [1] : vector<1024x1024xi32> to vector<1024xi32>
    %swap3A_558 = arith.constant 0 : index
    %swap3A_559 = arith.constant 19 : index
    %swap3A_560 = arith.constant 0 : index
    %swap3A_561 = vector.load %arg3[%swap3A_558, %swap3A_559, %swap3A_560] : memref<1x20x1024xi32, #tpu.memory_space<vmem>>, vector<1x1x1024xi32>
    %swap3A_562 = vector.shape_cast %swap3A_561 : vector<1x1x1024xi32> to vector<1024xi32>
    %swap3A_563 = vector.shape_cast %reduce_min3A_557 : vector<1024xi32> to vector<1x1x1024xi32>
    tpu.vector_store %arg3[%swap3A_558, %swap3A_559, %swap3A_560], %swap3A_563 {strides = array<i32>} : memref<1x20x1024xi32, #tpu.memory_space<vmem>>, vector<1x1x1024xi32>,
    %broadcast_in_dim3A_564 = vector.shape_cast %reduce_min3A_557 : vector<1024xi32> to vector<1024x1xi32>
    %eq3A_565 = vector.broadcast %broadcast_in_dim3A_564 : vector<1024x1xi32> to vector<1024x1024xi32>
    %eq3A_566 = arith.cmpi eq, %iota3A, %eq3A_565 : vector<1024x1024xi32>
    %jit3A_567 = arith.constant 0xFF800000 : f32
    %broadcast_in_dim3A_568 = vector.broadcast %jit3A_567 : f32 to vector<1024x1024xf32>
    %select_n3A_569 = arith.select %eq3A_566, %broadcast_in_dim3A_568, %get3A_547 : vector<1024x1024xi1>, vector<1024x1024xf32>
    %swap3A_570 = arith.constant 0 : index
    %swap3A_571 = arith.constant 0 : index
    %swap3A_572 = vector.load %arg4[%swap3A_570, %swap3A_571] : memref<1024x1024xf32, #tpu.memory_space<vmem>>, vector<1024x1024xf32>
    tpu.vector_store %arg4[%swap3A_570, %swap3A_571], %select_n3A_569 {strides = array<i32>} : memref<1024x1024xf32, #tpu.memory_space<vmem>>, vector<1024x1024xf32>,
    return
  }
  func.func @transform_0(%arg0: i32) -> (i32, i32, i32) {
    %c0_i32 = arith.constant 0 : i32
    %c0_i32_0 = arith.constant 0 : i32
    %c0_i32_1 = arith.constant 0 : i32
    return %arg0, %c0_i32, %c0_i32_0 : i32, i32, i32
  }
  func.func @transform_1(%arg0: i32) -> (i32, i32, i32) {
    %c0_i32 = arith.constant 0 : i32
    %c0_i32_0 = arith.constant 0 : i32
    %c0_i32_1 = arith.constant 0 : i32
    return %arg0, %c0_i32, %c0_i32_0 : i32, i32, i32
  }
  func.func @transform_2(%arg0: i32) -> (i32, i32, i32) {
    %c0_i32 = arith.constant 0 : i32
    %c0_i32_0 = arith.constant 0 : i32
    %c0_i32_1 = arith.constant 0 : i32
    return %arg0, %c0_i32, %c0_i32_0 : i32, i32, i32
  }
}

module attributes {stable_mosaic.version = 14 : i64} {
  func.func @_knn_body(%arg0: i32, %arg1: memref<1x1024x128xf32, #tpu.memory_space<vmem>>, %arg2: memref<1x1x1024xf32, #tpu.memory_space<vmem>>, %arg3: memref<1x20x1024xi32, #tpu.memory_space<vmem>>, %arg4: memref<1024x1024xf32, #tpu.memory_space<vmem>>) attributes {dimension_semantics = [#tpu.dimension_semantics<arbitrary>], iteration_bounds = array<i64: 8>, scalar_prefetch = 0 : i64, scratch_operands = 1 : i64, tpu.core_type = #tpu.core_type<tc>, window_params = [{transform_indices = @transform_0, window_bounds = array<i64: 1, 1024, 128>}, {transform_indices = @transform_1, window_bounds = array<i64: 1, 1, 1024>}, {transform_indices = @transform_2, window_bounds = array<i64: 1, 20, 1024>}]} {
    %get3A = arith.constant 0 : index
    %get3A_0 = arith.constant 0 : index
    %get3A_1 = arith.constant 0 : index
    %get3A_2 = vector.load %arg1[%get3A, %get3A_0, %get3A_1] : memref<1x1024x128xf32, #tpu.memory_space<vmem>>, vector<1x1024x128xf32>
    %get3A_3 = vector.shape_cast %get3A_2 : vector<1x1024x128xf32> to vector<1024x128xf32>
    %dot_general3A = arith.constant dense<0.000000e+00> : vector<1024x1024xf32>
    %dot_general3A_4 = tpu.matmul %get3A_3, %get3A_3, %dot_general3A {dimension_numbers = #tpu.dot_dimension_numbers<[1], [1], [0], [0], [0, 0, 1, 0], [], []>, transpose_lhs_hint = false} : vector<1024x128xf32>, vector<1024x128xf32>, vector<1024x1024xf32> -> vector<1024x1024xf32>
    %get3A_5 = arith.constant 0 : index
    %get3A_6 = arith.constant 0 : index
    %get3A_7 = arith.constant 0 : index
    %get3A_8 = vector.load %arg2[%get3A_5, %get3A_6, %get3A_7] : memref<1x1x1024xf32, #tpu.memory_space<vmem>>, vector<1x1x1024xf32>
    %get3A_9 = vector.shape_cast %get3A_8 : vector<1x1x1024xf32> to vector<1024xf32>
    %mul3A = arith.constant 2.000000e+00 : f32
    %mul3A_10 = vector.broadcast %mul3A : f32 to vector<1024x1024xf32>
    %mul3A_11 = arith.mulf %mul3A_10, %dot_general3A_4 : vector<1024x1024xf32>
    %broadcast_in_dim3A = vector.shape_cast %get3A_9 : vector<1024xf32> to vector<1024x1xf32>
    %sub3A = vector.broadcast %broadcast_in_dim3A : vector<1024x1xf32> to vector<1024x1024xf32>
    %sub3A_12 = arith.subf %mul3A_11, %sub3A : vector<1024x1024xf32>
    %broadcast_in_dim3A_13 = vector.shape_cast %get3A_9 : vector<1024xf32> to vector<1x1024xf32>
    %sub3A_14 = vector.broadcast %broadcast_in_dim3A_13 : vector<1x1024xf32> to vector<1024x1024xf32>
    %sub3A_15 = arith.subf %sub3A_12, %sub3A_14 : vector<1024x1024xf32>
    %swap3A = arith.constant 0 : index
    %swap3A_16 = arith.constant 0 : index
    %swap3A_17 = vector.load %arg4[%swap3A, %swap3A_16] : memref<1024x1024xf32, #tpu.memory_space<vmem>>, vector<1024x1024xf32>
    tpu.vector_store %arg4[%swap3A, %swap3A_16], %sub3A_15 {strides = array<i32>} : memref<1024x1024xf32, #tpu.memory_space<vmem>>, vector<1024x1024xf32>,
    %iota3A = tpu.iota {dimensions = array<i32: 1>} : vector<1024x1024xi32>
    %get3A_18 = arith.constant 0 : index
    %get3A_19 = arith.constant 0 : index
    %get3A_20 = vector.load %arg4[%get3A_18, %get3A_19] : memref<1024x1024xf32, #tpu.memory_space<vmem>>, vector<1024x1024xf32>
    %reduce_max3A = arith.constant dense<0xFF800000> : vector<1024xf32>
    %reduce_max3A_21 = vector.multi_reduction <maximumf>, %get3A_20, %reduce_max3A [1] : vector<1024x1024xf32> to vector<1024xf32>
    %broadcast_in_dim3A_22 = vector.shape_cast %reduce_max3A_21 : vector<1024xf32> to vector<1024x1xf32>
    %eq3A = vector.broadcast %broadcast_in_dim3A_22 : vector<1024x1xf32> to vector<1024x1024xf32>
    %eq3A_23 = arith.cmpf oeq, %get3A_20, %eq3A : vector<1024x1024xf32>
    %jit3A = arith.constant 1024 : i32
    %broadcast_in_dim3A_24 = vector.broadcast %jit3A : i32 to vector<1024x1024xi32>
    %select_n3A = arith.select %eq3A_23, %iota3A, %broadcast_in_dim3A_24 : vector<1024x1024xi1>, vector<1024x1024xi32>
    %reduce_min3A = arith.constant dense<2147483647> : vector<1024xi32>
    %reduce_min3A_25 = vector.multi_reduction <minsi>, %select_n3A, %reduce_min3A [1] : vector<1024x1024xi32> to vector<1024xi32>
    %swap3A_26 = arith.constant 0 : index
    %swap3A_27 = arith.constant 0 : index
    %swap3A_28 = arith.constant 0 : index
    %swap3A_29 = vector.load %arg3[%swap3A_26, %swap3A_27, %swap3A_28] : memref<1x20x1024xi32, #tpu.memory_space<vmem>>, vector<1x1x1024xi32>
    %swap3A_30 = vector.shape_cast %swap3A_29 : vector<1x1x1024xi32> to vector<1024xi32>
    %swap3A_31 = vector.shape_cast %reduce_min3A_25 : vector<1024xi32> to vector<1x1x1024xi32>
    tpu.vector_store %arg3[%swap3A_26, %swap3A_27, %swap3A_28], %swap3A_31 {strides = array<i32>} : memref<1x20x1024xi32, #tpu.memory_space<vmem>>, vector<1x1x1024xi32>,
    %broadcast_in_dim3A_32 = vector.shape_cast %reduce_min3A_25 : vector<1024xi32> to vector<1024x1xi32>
    %eq3A_33 = vector.broadcast %broadcast_in_dim3A_32 : vector<1024x1xi32> to vector<1024x1024xi32>
    %eq3A_34 = arith.cmpi eq, %iota3A, %eq3A_33 : vector<1024x1024xi32>
    %jit3A_35 = arith.constant 0xFF800000 : f32
    %broadcast_in_dim3A_36 = vector.broadcast %jit3A_35 : f32 to vector<1024x1024xf32>
    %select_n3A_37 = arith.select %eq3A_34, %broadcast_in_dim3A_36, %get3A_20 : vector<1024x1024xi1>, vector<1024x1024xf32>
    %swap3A_38 = arith.constant 0 : index
    %swap3A_39 = arith.constant 0 : index
    %swap3A_40 = vector.load %arg4[%swap3A_38, %swap3A_39] : memref<1024x1024xf32, #tpu.memory_space<vmem>>, vector<1024x1024xf32>
    tpu.vector_store %arg4[%swap3A_38, %swap3A_39], %select_n3A_37 {strides = array<i32>} : memref<1024x1024xf32, #tpu.memory_space<vmem>>, vector<1024x1024xf32>,
    %get3A_41 = arith.constant 0 : index
    %get3A_42 = arith.constant 0 : index
    %get3A_43 = vector.load %arg4[%get3A_41, %get3A_42] : memref<1024x1024xf32, #tpu.memory_space<vmem>>, vector<1024x1024xf32>
    %reduce_max3A_44 = arith.constant dense<0xFF800000> : vector<1024xf32>
    %reduce_max3A_45 = vector.multi_reduction <maximumf>, %get3A_43, %reduce_max3A_44 [1] : vector<1024x1024xf32> to vector<1024xf32>
    %broadcast_in_dim3A_46 = vector.shape_cast %reduce_max3A_45 : vector<1024xf32> to vector<1024x1xf32>
    %eq3A_47 = vector.broadcast %broadcast_in_dim3A_46 : vector<1024x1xf32> to vector<1024x1024xf32>
    %eq3A_48 = arith.cmpf oeq, %get3A_43, %eq3A_47 : vector<1024x1024xf32>
    %jit3A_49 = arith.constant 1024 : i32
    %broadcast_in_dim3A_50 = vector.broadcast %jit3A_49 : i32 to vector<1024x1024xi32>
    %select_n3A_51 = arith.select %eq3A_48, %iota3A, %broadcast_in_dim3A_50 : vector<1024x1024xi1>, vector<1024x1024xi32>
    %reduce_min3A_52 = arith.constant dense<2147483647> : vector<1024xi32>
    %reduce_min3A_53 = vector.multi_reduction <minsi>, %select_n3A_51, %reduce_min3A_52 [1] : vector<1024x1024xi32> to vector<1024xi32>
    %swap3A_54 = arith.constant 0 : index
    %swap3A_55 = arith.constant 1 : index
    %swap3A_56 = arith.constant 0 : index
    %swap3A_57 = vector.load %arg3[%swap3A_54, %swap3A_55, %swap3A_56] : memref<1x20x1024xi32, #tpu.memory_space<vmem>>, vector<1x1x1024xi32>
    %swap3A_58 = vector.shape_cast %swap3A_57 : vector<1x1x1024xi32> to vector<1024xi32>
    %swap3A_59 = vector.shape_cast %reduce_min3A_53 : vector<1024xi32> to vector<1x1x1024xi32>
    tpu.vector_store %arg3[%swap3A_54, %swap3A_55, %swap3A_56], %swap3A_59 {strides = array<i32>} : memref<1x20x1024xi32, #tpu.memory_space<vmem>>, vector<1x1x1024xi32>,
    %broadcast_in_dim3A_60 = vector.shape_cast %reduce_min3A_53 : vector<1024xi32> to vector<1024x1xi32>
    %eq3A_61 = vector.broadcast %broadcast_in_dim3A_60 : vector<1024x1xi32> to vector<1024x1024xi32>
    %eq3A_62 = arith.cmpi eq, %iota3A, %eq3A_61 : vector<1024x1024xi32>
    %jit3A_63 = arith.constant 0xFF800000 : f32
    %broadcast_in_dim3A_64 = vector.broadcast %jit3A_63 : f32 to vector<1024x1024xf32>
    %select_n3A_65 = arith.select %eq3A_62, %broadcast_in_dim3A_64, %get3A_43 : vector<1024x1024xi1>, vector<1024x1024xf32>
    %swap3A_66 = arith.constant 0 : index
    %swap3A_67 = arith.constant 0 : index
    %swap3A_68 = vector.load %arg4[%swap3A_66, %swap3A_67] : memref<1024x1024xf32, #tpu.memory_space<vmem>>, vector<1024x1024xf32>
    tpu.vector_store %arg4[%swap3A_66, %swap3A_67], %select_n3A_65 {strides = array<i32>} : memref<1024x1024xf32, #tpu.memory_space<vmem>>, vector<1024x1024xf32>,
    %get3A_69 = arith.constant 0 : index
    %get3A_70 = arith.constant 0 : index
    %get3A_71 = vector.load %arg4[%get3A_69, %get3A_70] : memref<1024x1024xf32, #tpu.memory_space<vmem>>, vector<1024x1024xf32>
    %reduce_max3A_72 = arith.constant dense<0xFF800000> : vector<1024xf32>
    %reduce_max3A_73 = vector.multi_reduction <maximumf>, %get3A_71, %reduce_max3A_72 [1] : vector<1024x1024xf32> to vector<1024xf32>
    %broadcast_in_dim3A_74 = vector.shape_cast %reduce_max3A_73 : vector<1024xf32> to vector<1024x1xf32>
    %eq3A_75 = vector.broadcast %broadcast_in_dim3A_74 : vector<1024x1xf32> to vector<1024x1024xf32>
    %eq3A_76 = arith.cmpf oeq, %get3A_71, %eq3A_75 : vector<1024x1024xf32>
    %jit3A_77 = arith.constant 1024 : i32
    %broadcast_in_dim3A_78 = vector.broadcast %jit3A_77 : i32 to vector<1024x1024xi32>
    %select_n3A_79 = arith.select %eq3A_76, %iota3A, %broadcast_in_dim3A_78 : vector<1024x1024xi1>, vector<1024x1024xi32>
    %reduce_min3A_80 = arith.constant dense<2147483647> : vector<1024xi32>
    %reduce_min3A_81 = vector.multi_reduction <minsi>, %select_n3A_79, %reduce_min3A_80 [1] : vector<1024x1024xi32> to vector<1024xi32>
    %swap3A_82 = arith.constant 0 : index
    %swap3A_83 = arith.constant 2 : index
    %swap3A_84 = arith.constant 0 : index
    %swap3A_85 = vector.load %arg3[%swap3A_82, %swap3A_83, %swap3A_84] : memref<1x20x1024xi32, #tpu.memory_space<vmem>>, vector<1x1x1024xi32>
    %swap3A_86 = vector.shape_cast %swap3A_85 : vector<1x1x1024xi32> to vector<1024xi32>
    %swap3A_87 = vector.shape_cast %reduce_min3A_81 : vector<1024xi32> to vector<1x1x1024xi32>
    tpu.vector_store %arg3[%swap3A_82, %swap3A_83, %swap3A_84], %swap3A_87 {strides = array<i32>} : memref<1x20x1024xi32, #tpu.memory_space<vmem>>, vector<1x1x1024xi32>,
    %broadcast_in_dim3A_88 = vector.shape_cast %reduce_min3A_81 : vector<1024xi32> to vector<1024x1xi32>
    %eq3A_89 = vector.broadcast %broadcast_in_dim3A_88 : vector<1024x1xi32> to vector<1024x1024xi32>
    %eq3A_90 = arith.cmpi eq, %iota3A, %eq3A_89 : vector<1024x1024xi32>
    %jit3A_91 = arith.constant 0xFF800000 : f32
    %broadcast_in_dim3A_92 = vector.broadcast %jit3A_91 : f32 to vector<1024x1024xf32>
    %select_n3A_93 = arith.select %eq3A_90, %broadcast_in_dim3A_92, %get3A_71 : vector<1024x1024xi1>, vector<1024x1024xf32>
    %swap3A_94 = arith.constant 0 : index
    %swap3A_95 = arith.constant 0 : index
    %swap3A_96 = vector.load %arg4[%swap3A_94, %swap3A_95] : memref<1024x1024xf32, #tpu.memory_space<vmem>>, vector<1024x1024xf32>
    tpu.vector_store %arg4[%swap3A_94, %swap3A_95], %select_n3A_93 {strides = array<i32>} : memref<1024x1024xf32, #tpu.memory_space<vmem>>, vector<1024x1024xf32>,
    %get3A_97 = arith.constant 0 : index
    %get3A_98 = arith.constant 0 : index
    %get3A_99 = vector.load %arg4[%get3A_97, %get3A_98] : memref<1024x1024xf32, #tpu.memory_space<vmem>>, vector<1024x1024xf32>
    %reduce_max3A_100 = arith.constant dense<0xFF800000> : vector<1024xf32>
    %reduce_max3A_101 = vector.multi_reduction <maximumf>, %get3A_99, %reduce_max3A_100 [1] : vector<1024x1024xf32> to vector<1024xf32>
    %broadcast_in_dim3A_102 = vector.shape_cast %reduce_max3A_101 : vector<1024xf32> to vector<1024x1xf32>
    %eq3A_103 = vector.broadcast %broadcast_in_dim3A_102 : vector<1024x1xf32> to vector<1024x1024xf32>
    %eq3A_104 = arith.cmpf oeq, %get3A_99, %eq3A_103 : vector<1024x1024xf32>
    %jit3A_105 = arith.constant 1024 : i32
    %broadcast_in_dim3A_106 = vector.broadcast %jit3A_105 : i32 to vector<1024x1024xi32>
    %select_n3A_107 = arith.select %eq3A_104, %iota3A, %broadcast_in_dim3A_106 : vector<1024x1024xi1>, vector<1024x1024xi32>
    %reduce_min3A_108 = arith.constant dense<2147483647> : vector<1024xi32>
    %reduce_min3A_109 = vector.multi_reduction <minsi>, %select_n3A_107, %reduce_min3A_108 [1] : vector<1024x1024xi32> to vector<1024xi32>
    %swap3A_110 = arith.constant 0 : index
    %swap3A_111 = arith.constant 3 : index
    %swap3A_112 = arith.constant 0 : index
    %swap3A_113 = vector.load %arg3[%swap3A_110, %swap3A_111, %swap3A_112] : memref<1x20x1024xi32, #tpu.memory_space<vmem>>, vector<1x1x1024xi32>
    %swap3A_114 = vector.shape_cast %swap3A_113 : vector<1x1x1024xi32> to vector<1024xi32>
    %swap3A_115 = vector.shape_cast %reduce_min3A_109 : vector<1024xi32> to vector<1x1x1024xi32>
    tpu.vector_store %arg3[%swap3A_110, %swap3A_111, %swap3A_112], %swap3A_115 {strides = array<i32>} : memref<1x20x1024xi32, #tpu.memory_space<vmem>>, vector<1x1x1024xi32>,
    %broadcast_in_dim3A_116 = vector.shape_cast %reduce_min3A_109 : vector<1024xi32> to vector<1024x1xi32>
    %eq3A_117 = vector.broadcast %broadcast_in_dim3A_116 : vector<1024x1xi32> to vector<1024x1024xi32>
    %eq3A_118 = arith.cmpi eq, %iota3A, %eq3A_117 : vector<1024x1024xi32>
    %jit3A_119 = arith.constant 0xFF800000 : f32
    %broadcast_in_dim3A_120 = vector.broadcast %jit3A_119 : f32 to vector<1024x1024xf32>
    %select_n3A_121 = arith.select %eq3A_118, %broadcast_in_dim3A_120, %get3A_99 : vector<1024x1024xi1>, vector<1024x1024xf32>
    %swap3A_122 = arith.constant 0 : index
    %swap3A_123 = arith.constant 0 : index
    %swap3A_124 = vector.load %arg4[%swap3A_122, %swap3A_123] : memref<1024x1024xf32, #tpu.memory_space<vmem>>, vector<1024x1024xf32>
    tpu.vector_store %arg4[%swap3A_122, %swap3A_123], %select_n3A_121 {strides = array<i32>} : memref<1024x1024xf32, #tpu.memory_space<vmem>>, vector<1024x1024xf32>,
    %get3A_125 = arith.constant 0 : index
    %get3A_126 = arith.constant 0 : index
    %get3A_127 = vector.load %arg4[%get3A_125, %get3A_126] : memref<1024x1024xf32, #tpu.memory_space<vmem>>, vector<1024x1024xf32>
    %reduce_max3A_128 = arith.constant dense<0xFF800000> : vector<1024xf32>
    %reduce_max3A_129 = vector.multi_reduction <maximumf>, %get3A_127, %reduce_max3A_128 [1] : vector<1024x1024xf32> to vector<1024xf32>
    %broadcast_in_dim3A_130 = vector.shape_cast %reduce_max3A_129 : vector<1024xf32> to vector<1024x1xf32>
    %eq3A_131 = vector.broadcast %broadcast_in_dim3A_130 : vector<1024x1xf32> to vector<1024x1024xf32>
    %eq3A_132 = arith.cmpf oeq, %get3A_127, %eq3A_131 : vector<1024x1024xf32>
    %jit3A_133 = arith.constant 1024 : i32
    %broadcast_in_dim3A_134 = vector.broadcast %jit3A_133 : i32 to vector<1024x1024xi32>
    %select_n3A_135 = arith.select %eq3A_132, %iota3A, %broadcast_in_dim3A_134 : vector<1024x1024xi1>, vector<1024x1024xi32>
    %reduce_min3A_136 = arith.constant dense<2147483647> : vector<1024xi32>
    %reduce_min3A_137 = vector.multi_reduction <minsi>, %select_n3A_135, %reduce_min3A_136 [1] : vector<1024x1024xi32> to vector<1024xi32>
    %swap3A_138 = arith.constant 0 : index
    %swap3A_139 = arith.constant 4 : index
    %swap3A_140 = arith.constant 0 : index
    %swap3A_141 = vector.load %arg3[%swap3A_138, %swap3A_139, %swap3A_140] : memref<1x20x1024xi32, #tpu.memory_space<vmem>>, vector<1x1x1024xi32>
    %swap3A_142 = vector.shape_cast %swap3A_141 : vector<1x1x1024xi32> to vector<1024xi32>
    %swap3A_143 = vector.shape_cast %reduce_min3A_137 : vector<1024xi32> to vector<1x1x1024xi32>
    tpu.vector_store %arg3[%swap3A_138, %swap3A_139, %swap3A_140], %swap3A_143 {strides = array<i32>} : memref<1x20x1024xi32, #tpu.memory_space<vmem>>, vector<1x1x1024xi32>,
    %broadcast_in_dim3A_144 = vector.shape_cast %reduce_min3A_137 : vector<1024xi32> to vector<1024x1xi32>
    %eq3A_145 = vector.broadcast %broadcast_in_dim3A_144 : vector<1024x1xi32> to vector<1024x1024xi32>
    %eq3A_146 = arith.cmpi eq, %iota3A, %eq3A_145 : vector<1024x1024xi32>
    %jit3A_147 = arith.constant 0xFF800000 : f32
    %broadcast_in_dim3A_148 = vector.broadcast %jit3A_147 : f32 to vector<1024x1024xf32>
    %select_n3A_149 = arith.select %eq3A_146, %broadcast_in_dim3A_148, %get3A_127 : vector<1024x1024xi1>, vector<1024x1024xf32>
    %swap3A_150 = arith.constant 0 : index
    %swap3A_151 = arith.constant 0 : index
    %swap3A_152 = vector.load %arg4[%swap3A_150, %swap3A_151] : memref<1024x1024xf32, #tpu.memory_space<vmem>>, vector<1024x1024xf32>
    tpu.vector_store %arg4[%swap3A_150, %swap3A_151], %select_n3A_149 {strides = array<i32>} : memref<1024x1024xf32, #tpu.memory_space<vmem>>, vector<1024x1024xf32>,
    %get3A_153 = arith.constant 0 : index
    %get3A_154 = arith.constant 0 : index
    %get3A_155 = vector.load %arg4[%get3A_153, %get3A_154] : memref<1024x1024xf32, #tpu.memory_space<vmem>>, vector<1024x1024xf32>
    %reduce_max3A_156 = arith.constant dense<0xFF800000> : vector<1024xf32>
    %reduce_max3A_157 = vector.multi_reduction <maximumf>, %get3A_155, %reduce_max3A_156 [1] : vector<1024x1024xf32> to vector<1024xf32>
    %broadcast_in_dim3A_158 = vector.shape_cast %reduce_max3A_157 : vector<1024xf32> to vector<1024x1xf32>
    %eq3A_159 = vector.broadcast %broadcast_in_dim3A_158 : vector<1024x1xf32> to vector<1024x1024xf32>
    %eq3A_160 = arith.cmpf oeq, %get3A_155, %eq3A_159 : vector<1024x1024xf32>
    %jit3A_161 = arith.constant 1024 : i32
    %broadcast_in_dim3A_162 = vector.broadcast %jit3A_161 : i32 to vector<1024x1024xi32>
    %select_n3A_163 = arith.select %eq3A_160, %iota3A, %broadcast_in_dim3A_162 : vector<1024x1024xi1>, vector<1024x1024xi32>
    %reduce_min3A_164 = arith.constant dense<2147483647> : vector<1024xi32>
    %reduce_min3A_165 = vector.multi_reduction <minsi>, %select_n3A_163, %reduce_min3A_164 [1] : vector<1024x1024xi32> to vector<1024xi32>
    %swap3A_166 = arith.constant 0 : index
    %swap3A_167 = arith.constant 5 : index
    %swap3A_168 = arith.constant 0 : index
    %swap3A_169 = vector.load %arg3[%swap3A_166, %swap3A_167, %swap3A_168] : memref<1x20x1024xi32, #tpu.memory_space<vmem>>, vector<1x1x1024xi32>
    %swap3A_170 = vector.shape_cast %swap3A_169 : vector<1x1x1024xi32> to vector<1024xi32>
    %swap3A_171 = vector.shape_cast %reduce_min3A_165 : vector<1024xi32> to vector<1x1x1024xi32>
    tpu.vector_store %arg3[%swap3A_166, %swap3A_167, %swap3A_168], %swap3A_171 {strides = array<i32>} : memref<1x20x1024xi32, #tpu.memory_space<vmem>>, vector<1x1x1024xi32>,
    %broadcast_in_dim3A_172 = vector.shape_cast %reduce_min3A_165 : vector<1024xi32> to vector<1024x1xi32>
    %eq3A_173 = vector.broadcast %broadcast_in_dim3A_172 : vector<1024x1xi32> to vector<1024x1024xi32>
    %eq3A_174 = arith.cmpi eq, %iota3A, %eq3A_173 : vector<1024x1024xi32>
    %jit3A_175 = arith.constant 0xFF800000 : f32
    %broadcast_in_dim3A_176 = vector.broadcast %jit3A_175 : f32 to vector<1024x1024xf32>
    %select_n3A_177 = arith.select %eq3A_174, %broadcast_in_dim3A_176, %get3A_155 : vector<1024x1024xi1>, vector<1024x1024xf32>
    %swap3A_178 = arith.constant 0 : index
    %swap3A_179 = arith.constant 0 : index
    %swap3A_180 = vector.load %arg4[%swap3A_178, %swap3A_179] : memref<1024x1024xf32, #tpu.memory_space<vmem>>, vector<1024x1024xf32>
    tpu.vector_store %arg4[%swap3A_178, %swap3A_179], %select_n3A_177 {strides = array<i32>} : memref<1024x1024xf32, #tpu.memory_space<vmem>>, vector<1024x1024xf32>,
    %get3A_181 = arith.constant 0 : index
    %get3A_182 = arith.constant 0 : index
    %get3A_183 = vector.load %arg4[%get3A_181, %get3A_182] : memref<1024x1024xf32, #tpu.memory_space<vmem>>, vector<1024x1024xf32>
    %reduce_max3A_184 = arith.constant dense<0xFF800000> : vector<1024xf32>
    %reduce_max3A_185 = vector.multi_reduction <maximumf>, %get3A_183, %reduce_max3A_184 [1] : vector<1024x1024xf32> to vector<1024xf32>
    %broadcast_in_dim3A_186 = vector.shape_cast %reduce_max3A_185 : vector<1024xf32> to vector<1024x1xf32>
    %eq3A_187 = vector.broadcast %broadcast_in_dim3A_186 : vector<1024x1xf32> to vector<1024x1024xf32>
    %eq3A_188 = arith.cmpf oeq, %get3A_183, %eq3A_187 : vector<1024x1024xf32>
    %jit3A_189 = arith.constant 1024 : i32
    %broadcast_in_dim3A_190 = vector.broadcast %jit3A_189 : i32 to vector<1024x1024xi32>
    %select_n3A_191 = arith.select %eq3A_188, %iota3A, %broadcast_in_dim3A_190 : vector<1024x1024xi1>, vector<1024x1024xi32>
    %reduce_min3A_192 = arith.constant dense<2147483647> : vector<1024xi32>
    %reduce_min3A_193 = vector.multi_reduction <minsi>, %select_n3A_191, %reduce_min3A_192 [1] : vector<1024x1024xi32> to vector<1024xi32>
    %swap3A_194 = arith.constant 0 : index
    %swap3A_195 = arith.constant 6 : index
    %swap3A_196 = arith.constant 0 : index
    %swap3A_197 = vector.load %arg3[%swap3A_194, %swap3A_195, %swap3A_196] : memref<1x20x1024xi32, #tpu.memory_space<vmem>>, vector<1x1x1024xi32>
    %swap3A_198 = vector.shape_cast %swap3A_197 : vector<1x1x1024xi32> to vector<1024xi32>
    %swap3A_199 = vector.shape_cast %reduce_min3A_193 : vector<1024xi32> to vector<1x1x1024xi32>
    tpu.vector_store %arg3[%swap3A_194, %swap3A_195, %swap3A_196], %swap3A_199 {strides = array<i32>} : memref<1x20x1024xi32, #tpu.memory_space<vmem>>, vector<1x1x1024xi32>,
    %broadcast_in_dim3A_200 = vector.shape_cast %reduce_min3A_193 : vector<1024xi32> to vector<1024x1xi32>
    %eq3A_201 = vector.broadcast %broadcast_in_dim3A_200 : vector<1024x1xi32> to vector<1024x1024xi32>
    %eq3A_202 = arith.cmpi eq, %iota3A, %eq3A_201 : vector<1024x1024xi32>
    %jit3A_203 = arith.constant 0xFF800000 : f32
    %broadcast_in_dim3A_204 = vector.broadcast %jit3A_203 : f32 to vector<1024x1024xf32>
    %select_n3A_205 = arith.select %eq3A_202, %broadcast_in_dim3A_204, %get3A_183 : vector<1024x1024xi1>, vector<1024x1024xf32>
    %swap3A_206 = arith.constant 0 : index
    %swap3A_207 = arith.constant 0 : index
    %swap3A_208 = vector.load %arg4[%swap3A_206, %swap3A_207] : memref<1024x1024xf32, #tpu.memory_space<vmem>>, vector<1024x1024xf32>
    tpu.vector_store %arg4[%swap3A_206, %swap3A_207], %select_n3A_205 {strides = array<i32>} : memref<1024x1024xf32, #tpu.memory_space<vmem>>, vector<1024x1024xf32>,
    %get3A_209 = arith.constant 0 : index
    %get3A_210 = arith.constant 0 : index
    %get3A_211 = vector.load %arg4[%get3A_209, %get3A_210] : memref<1024x1024xf32, #tpu.memory_space<vmem>>, vector<1024x1024xf32>
    %reduce_max3A_212 = arith.constant dense<0xFF800000> : vector<1024xf32>
    %reduce_max3A_213 = vector.multi_reduction <maximumf>, %get3A_211, %reduce_max3A_212 [1] : vector<1024x1024xf32> to vector<1024xf32>
    %broadcast_in_dim3A_214 = vector.shape_cast %reduce_max3A_213 : vector<1024xf32> to vector<1024x1xf32>
    %eq3A_215 = vector.broadcast %broadcast_in_dim3A_214 : vector<1024x1xf32> to vector<1024x1024xf32>
    %eq3A_216 = arith.cmpf oeq, %get3A_211, %eq3A_215 : vector<1024x1024xf32>
    %jit3A_217 = arith.constant 1024 : i32
    %broadcast_in_dim3A_218 = vector.broadcast %jit3A_217 : i32 to vector<1024x1024xi32>
    %select_n3A_219 = arith.select %eq3A_216, %iota3A, %broadcast_in_dim3A_218 : vector<1024x1024xi1>, vector<1024x1024xi32>
    %reduce_min3A_220 = arith.constant dense<2147483647> : vector<1024xi32>
    %reduce_min3A_221 = vector.multi_reduction <minsi>, %select_n3A_219, %reduce_min3A_220 [1] : vector<1024x1024xi32> to vector<1024xi32>
    %swap3A_222 = arith.constant 0 : index
    %swap3A_223 = arith.constant 7 : index
    %swap3A_224 = arith.constant 0 : index
    %swap3A_225 = vector.load %arg3[%swap3A_222, %swap3A_223, %swap3A_224] : memref<1x20x1024xi32, #tpu.memory_space<vmem>>, vector<1x1x1024xi32>
    %swap3A_226 = vector.shape_cast %swap3A_225 : vector<1x1x1024xi32> to vector<1024xi32>
    %swap3A_227 = vector.shape_cast %reduce_min3A_221 : vector<1024xi32> to vector<1x1x1024xi32>
    tpu.vector_store %arg3[%swap3A_222, %swap3A_223, %swap3A_224], %swap3A_227 {strides = array<i32>} : memref<1x20x1024xi32, #tpu.memory_space<vmem>>, vector<1x1x1024xi32>,
    %broadcast_in_dim3A_228 = vector.shape_cast %reduce_min3A_221 : vector<1024xi32> to vector<1024x1xi32>
    %eq3A_229 = vector.broadcast %broadcast_in_dim3A_228 : vector<1024x1xi32> to vector<1024x1024xi32>
    %eq3A_230 = arith.cmpi eq, %iota3A, %eq3A_229 : vector<1024x1024xi32>
    %jit3A_231 = arith.constant 0xFF800000 : f32
    %broadcast_in_dim3A_232 = vector.broadcast %jit3A_231 : f32 to vector<1024x1024xf32>
    %select_n3A_233 = arith.select %eq3A_230, %broadcast_in_dim3A_232, %get3A_211 : vector<1024x1024xi1>, vector<1024x1024xf32>
    %swap3A_234 = arith.constant 0 : index
    %swap3A_235 = arith.constant 0 : index
    %swap3A_236 = vector.load %arg4[%swap3A_234, %swap3A_235] : memref<1024x1024xf32, #tpu.memory_space<vmem>>, vector<1024x1024xf32>
    tpu.vector_store %arg4[%swap3A_234, %swap3A_235], %select_n3A_233 {strides = array<i32>} : memref<1024x1024xf32, #tpu.memory_space<vmem>>, vector<1024x1024xf32>,
    %get3A_237 = arith.constant 0 : index
    %get3A_238 = arith.constant 0 : index
    %get3A_239 = vector.load %arg4[%get3A_237, %get3A_238] : memref<1024x1024xf32, #tpu.memory_space<vmem>>, vector<1024x1024xf32>
    %reduce_max3A_240 = arith.constant dense<0xFF800000> : vector<1024xf32>
    %reduce_max3A_241 = vector.multi_reduction <maximumf>, %get3A_239, %reduce_max3A_240 [1] : vector<1024x1024xf32> to vector<1024xf32>
    %broadcast_in_dim3A_242 = vector.shape_cast %reduce_max3A_241 : vector<1024xf32> to vector<1024x1xf32>
    %eq3A_243 = vector.broadcast %broadcast_in_dim3A_242 : vector<1024x1xf32> to vector<1024x1024xf32>
    %eq3A_244 = arith.cmpf oeq, %get3A_239, %eq3A_243 : vector<1024x1024xf32>
    %jit3A_245 = arith.constant 1024 : i32
    %broadcast_in_dim3A_246 = vector.broadcast %jit3A_245 : i32 to vector<1024x1024xi32>
    %select_n3A_247 = arith.select %eq3A_244, %iota3A, %broadcast_in_dim3A_246 : vector<1024x1024xi1>, vector<1024x1024xi32>
    %reduce_min3A_248 = arith.constant dense<2147483647> : vector<1024xi32>
    %reduce_min3A_249 = vector.multi_reduction <minsi>, %select_n3A_247, %reduce_min3A_248 [1] : vector<1024x1024xi32> to vector<1024xi32>
    %swap3A_250 = arith.constant 0 : index
    %swap3A_251 = arith.constant 8 : index
    %swap3A_252 = arith.constant 0 : index
    %swap3A_253 = vector.load %arg3[%swap3A_250, %swap3A_251, %swap3A_252] : memref<1x20x1024xi32, #tpu.memory_space<vmem>>, vector<1x1x1024xi32>
    %swap3A_254 = vector.shape_cast %swap3A_253 : vector<1x1x1024xi32> to vector<1024xi32>
    %swap3A_255 = vector.shape_cast %reduce_min3A_249 : vector<1024xi32> to vector<1x1x1024xi32>
    tpu.vector_store %arg3[%swap3A_250, %swap3A_251, %swap3A_252], %swap3A_255 {strides = array<i32>} : memref<1x20x1024xi32, #tpu.memory_space<vmem>>, vector<1x1x1024xi32>,
    %broadcast_in_dim3A_256 = vector.shape_cast %reduce_min3A_249 : vector<1024xi32> to vector<1024x1xi32>
    %eq3A_257 = vector.broadcast %broadcast_in_dim3A_256 : vector<1024x1xi32> to vector<1024x1024xi32>
    %eq3A_258 = arith.cmpi eq, %iota3A, %eq3A_257 : vector<1024x1024xi32>
    %jit3A_259 = arith.constant 0xFF800000 : f32
    %broadcast_in_dim3A_260 = vector.broadcast %jit3A_259 : f32 to vector<1024x1024xf32>
    %select_n3A_261 = arith.select %eq3A_258, %broadcast_in_dim3A_260, %get3A_239 : vector<1024x1024xi1>, vector<1024x1024xf32>
    %swap3A_262 = arith.constant 0 : index
    %swap3A_263 = arith.constant 0 : index
    %swap3A_264 = vector.load %arg4[%swap3A_262, %swap3A_263] : memref<1024x1024xf32, #tpu.memory_space<vmem>>, vector<1024x1024xf32>
    tpu.vector_store %arg4[%swap3A_262, %swap3A_263], %select_n3A_261 {strides = array<i32>} : memref<1024x1024xf32, #tpu.memory_space<vmem>>, vector<1024x1024xf32>,
    %get3A_265 = arith.constant 0 : index
    %get3A_266 = arith.constant 0 : index
    %get3A_267 = vector.load %arg4[%get3A_265, %get3A_266] : memref<1024x1024xf32, #tpu.memory_space<vmem>>, vector<1024x1024xf32>
    %reduce_max3A_268 = arith.constant dense<0xFF800000> : vector<1024xf32>
    %reduce_max3A_269 = vector.multi_reduction <maximumf>, %get3A_267, %reduce_max3A_268 [1] : vector<1024x1024xf32> to vector<1024xf32>
    %broadcast_in_dim3A_270 = vector.shape_cast %reduce_max3A_269 : vector<1024xf32> to vector<1024x1xf32>
    %eq3A_271 = vector.broadcast %broadcast_in_dim3A_270 : vector<1024x1xf32> to vector<1024x1024xf32>
    %eq3A_272 = arith.cmpf oeq, %get3A_267, %eq3A_271 : vector<1024x1024xf32>
    %jit3A_273 = arith.constant 1024 : i32
    %broadcast_in_dim3A_274 = vector.broadcast %jit3A_273 : i32 to vector<1024x1024xi32>
    %select_n3A_275 = arith.select %eq3A_272, %iota3A, %broadcast_in_dim3A_274 : vector<1024x1024xi1>, vector<1024x1024xi32>
    %reduce_min3A_276 = arith.constant dense<2147483647> : vector<1024xi32>
    %reduce_min3A_277 = vector.multi_reduction <minsi>, %select_n3A_275, %reduce_min3A_276 [1] : vector<1024x1024xi32> to vector<1024xi32>
    %swap3A_278 = arith.constant 0 : index
    %swap3A_279 = arith.constant 9 : index
    %swap3A_280 = arith.constant 0 : index
    %swap3A_281 = vector.load %arg3[%swap3A_278, %swap3A_279, %swap3A_280] : memref<1x20x1024xi32, #tpu.memory_space<vmem>>, vector<1x1x1024xi32>
    %swap3A_282 = vector.shape_cast %swap3A_281 : vector<1x1x1024xi32> to vector<1024xi32>
    %swap3A_283 = vector.shape_cast %reduce_min3A_277 : vector<1024xi32> to vector<1x1x1024xi32>
    tpu.vector_store %arg3[%swap3A_278, %swap3A_279, %swap3A_280], %swap3A_283 {strides = array<i32>} : memref<1x20x1024xi32, #tpu.memory_space<vmem>>, vector<1x1x1024xi32>,
    %broadcast_in_dim3A_284 = vector.shape_cast %reduce_min3A_277 : vector<1024xi32> to vector<1024x1xi32>
    %eq3A_285 = vector.broadcast %broadcast_in_dim3A_284 : vector<1024x1xi32> to vector<1024x1024xi32>
    %eq3A_286 = arith.cmpi eq, %iota3A, %eq3A_285 : vector<1024x1024xi32>
    %jit3A_287 = arith.constant 0xFF800000 : f32
    %broadcast_in_dim3A_288 = vector.broadcast %jit3A_287 : f32 to vector<1024x1024xf32>
    %select_n3A_289 = arith.select %eq3A_286, %broadcast_in_dim3A_288, %get3A_267 : vector<1024x1024xi1>, vector<1024x1024xf32>
    %swap3A_290 = arith.constant 0 : index
    %swap3A_291 = arith.constant 0 : index
    %swap3A_292 = vector.load %arg4[%swap3A_290, %swap3A_291] : memref<1024x1024xf32, #tpu.memory_space<vmem>>, vector<1024x1024xf32>
    tpu.vector_store %arg4[%swap3A_290, %swap3A_291], %select_n3A_289 {strides = array<i32>} : memref<1024x1024xf32, #tpu.memory_space<vmem>>, vector<1024x1024xf32>,
    %get3A_293 = arith.constant 0 : index
    %get3A_294 = arith.constant 0 : index
    %get3A_295 = vector.load %arg4[%get3A_293, %get3A_294] : memref<1024x1024xf32, #tpu.memory_space<vmem>>, vector<1024x1024xf32>
    %reduce_max3A_296 = arith.constant dense<0xFF800000> : vector<1024xf32>
    %reduce_max3A_297 = vector.multi_reduction <maximumf>, %get3A_295, %reduce_max3A_296 [1] : vector<1024x1024xf32> to vector<1024xf32>
    %broadcast_in_dim3A_298 = vector.shape_cast %reduce_max3A_297 : vector<1024xf32> to vector<1024x1xf32>
    %eq3A_299 = vector.broadcast %broadcast_in_dim3A_298 : vector<1024x1xf32> to vector<1024x1024xf32>
    %eq3A_300 = arith.cmpf oeq, %get3A_295, %eq3A_299 : vector<1024x1024xf32>
    %jit3A_301 = arith.constant 1024 : i32
    %broadcast_in_dim3A_302 = vector.broadcast %jit3A_301 : i32 to vector<1024x1024xi32>
    %select_n3A_303 = arith.select %eq3A_300, %iota3A, %broadcast_in_dim3A_302 : vector<1024x1024xi1>, vector<1024x1024xi32>
    %reduce_min3A_304 = arith.constant dense<2147483647> : vector<1024xi32>
    %reduce_min3A_305 = vector.multi_reduction <minsi>, %select_n3A_303, %reduce_min3A_304 [1] : vector<1024x1024xi32> to vector<1024xi32>
    %swap3A_306 = arith.constant 0 : index
    %swap3A_307 = arith.constant 10 : index
    %swap3A_308 = arith.constant 0 : index
    %swap3A_309 = vector.load %arg3[%swap3A_306, %swap3A_307, %swap3A_308] : memref<1x20x1024xi32, #tpu.memory_space<vmem>>, vector<1x1x1024xi32>
    %swap3A_310 = vector.shape_cast %swap3A_309 : vector<1x1x1024xi32> to vector<1024xi32>
    %swap3A_311 = vector.shape_cast %reduce_min3A_305 : vector<1024xi32> to vector<1x1x1024xi32>
    tpu.vector_store %arg3[%swap3A_306, %swap3A_307, %swap3A_308], %swap3A_311 {strides = array<i32>} : memref<1x20x1024xi32, #tpu.memory_space<vmem>>, vector<1x1x1024xi32>,
    %broadcast_in_dim3A_312 = vector.shape_cast %reduce_min3A_305 : vector<1024xi32> to vector<1024x1xi32>
    %eq3A_313 = vector.broadcast %broadcast_in_dim3A_312 : vector<1024x1xi32> to vector<1024x1024xi32>
    %eq3A_314 = arith.cmpi eq, %iota3A, %eq3A_313 : vector<1024x1024xi32>
    %jit3A_315 = arith.constant 0xFF800000 : f32
    %broadcast_in_dim3A_316 = vector.broadcast %jit3A_315 : f32 to vector<1024x1024xf32>
    %select_n3A_317 = arith.select %eq3A_314, %broadcast_in_dim3A_316, %get3A_295 : vector<1024x1024xi1>, vector<1024x1024xf32>
    %swap3A_318 = arith.constant 0 : index
    %swap3A_319 = arith.constant 0 : index
    %swap3A_320 = vector.load %arg4[%swap3A_318, %swap3A_319] : memref<1024x1024xf32, #tpu.memory_space<vmem>>, vector<1024x1024xf32>
    tpu.vector_store %arg4[%swap3A_318, %swap3A_319], %select_n3A_317 {strides = array<i32>} : memref<1024x1024xf32, #tpu.memory_space<vmem>>, vector<1024x1024xf32>,
    %get3A_321 = arith.constant 0 : index
    %get3A_322 = arith.constant 0 : index
    %get3A_323 = vector.load %arg4[%get3A_321, %get3A_322] : memref<1024x1024xf32, #tpu.memory_space<vmem>>, vector<1024x1024xf32>
    %reduce_max3A_324 = arith.constant dense<0xFF800000> : vector<1024xf32>
    %reduce_max3A_325 = vector.multi_reduction <maximumf>, %get3A_323, %reduce_max3A_324 [1] : vector<1024x1024xf32> to vector<1024xf32>
    %broadcast_in_dim3A_326 = vector.shape_cast %reduce_max3A_325 : vector<1024xf32> to vector<1024x1xf32>
    %eq3A_327 = vector.broadcast %broadcast_in_dim3A_326 : vector<1024x1xf32> to vector<1024x1024xf32>
    %eq3A_328 = arith.cmpf oeq, %get3A_323, %eq3A_327 : vector<1024x1024xf32>
    %jit3A_329 = arith.constant 1024 : i32
    %broadcast_in_dim3A_330 = vector.broadcast %jit3A_329 : i32 to vector<1024x1024xi32>
    %select_n3A_331 = arith.select %eq3A_328, %iota3A, %broadcast_in_dim3A_330 : vector<1024x1024xi1>, vector<1024x1024xi32>
    %reduce_min3A_332 = arith.constant dense<2147483647> : vector<1024xi32>
    %reduce_min3A_333 = vector.multi_reduction <minsi>, %select_n3A_331, %reduce_min3A_332 [1] : vector<1024x1024xi32> to vector<1024xi32>
    %swap3A_334 = arith.constant 0 : index
    %swap3A_335 = arith.constant 11 : index
    %swap3A_336 = arith.constant 0 : index
    %swap3A_337 = vector.load %arg3[%swap3A_334, %swap3A_335, %swap3A_336] : memref<1x20x1024xi32, #tpu.memory_space<vmem>>, vector<1x1x1024xi32>
    %swap3A_338 = vector.shape_cast %swap3A_337 : vector<1x1x1024xi32> to vector<1024xi32>
    %swap3A_339 = vector.shape_cast %reduce_min3A_333 : vector<1024xi32> to vector<1x1x1024xi32>
    tpu.vector_store %arg3[%swap3A_334, %swap3A_335, %swap3A_336], %swap3A_339 {strides = array<i32>} : memref<1x20x1024xi32, #tpu.memory_space<vmem>>, vector<1x1x1024xi32>,
    %broadcast_in_dim3A_340 = vector.shape_cast %reduce_min3A_333 : vector<1024xi32> to vector<1024x1xi32>
    %eq3A_341 = vector.broadcast %broadcast_in_dim3A_340 : vector<1024x1xi32> to vector<1024x1024xi32>
    %eq3A_342 = arith.cmpi eq, %iota3A, %eq3A_341 : vector<1024x1024xi32>
    %jit3A_343 = arith.constant 0xFF800000 : f32
    %broadcast_in_dim3A_344 = vector.broadcast %jit3A_343 : f32 to vector<1024x1024xf32>
    %select_n3A_345 = arith.select %eq3A_342, %broadcast_in_dim3A_344, %get3A_323 : vector<1024x1024xi1>, vector<1024x1024xf32>
    %swap3A_346 = arith.constant 0 : index
    %swap3A_347 = arith.constant 0 : index
    %swap3A_348 = vector.load %arg4[%swap3A_346, %swap3A_347] : memref<1024x1024xf32, #tpu.memory_space<vmem>>, vector<1024x1024xf32>
    tpu.vector_store %arg4[%swap3A_346, %swap3A_347], %select_n3A_345 {strides = array<i32>} : memref<1024x1024xf32, #tpu.memory_space<vmem>>, vector<1024x1024xf32>,
    %get3A_349 = arith.constant 0 : index
    %get3A_350 = arith.constant 0 : index
    %get3A_351 = vector.load %arg4[%get3A_349, %get3A_350] : memref<1024x1024xf32, #tpu.memory_space<vmem>>, vector<1024x1024xf32>
    %reduce_max3A_352 = arith.constant dense<0xFF800000> : vector<1024xf32>
    %reduce_max3A_353 = vector.multi_reduction <maximumf>, %get3A_351, %reduce_max3A_352 [1] : vector<1024x1024xf32> to vector<1024xf32>
    %broadcast_in_dim3A_354 = vector.shape_cast %reduce_max3A_353 : vector<1024xf32> to vector<1024x1xf32>
    %eq3A_355 = vector.broadcast %broadcast_in_dim3A_354 : vector<1024x1xf32> to vector<1024x1024xf32>
    %eq3A_356 = arith.cmpf oeq, %get3A_351, %eq3A_355 : vector<1024x1024xf32>
    %jit3A_357 = arith.constant 1024 : i32
    %broadcast_in_dim3A_358 = vector.broadcast %jit3A_357 : i32 to vector<1024x1024xi32>
    %select_n3A_359 = arith.select %eq3A_356, %iota3A, %broadcast_in_dim3A_358 : vector<1024x1024xi1>, vector<1024x1024xi32>
    %reduce_min3A_360 = arith.constant dense<2147483647> : vector<1024xi32>
    %reduce_min3A_361 = vector.multi_reduction <minsi>, %select_n3A_359, %reduce_min3A_360 [1] : vector<1024x1024xi32> to vector<1024xi32>
    %swap3A_362 = arith.constant 0 : index
    %swap3A_363 = arith.constant 12 : index
    %swap3A_364 = arith.constant 0 : index
    %swap3A_365 = vector.load %arg3[%swap3A_362, %swap3A_363, %swap3A_364] : memref<1x20x1024xi32, #tpu.memory_space<vmem>>, vector<1x1x1024xi32>
    %swap3A_366 = vector.shape_cast %swap3A_365 : vector<1x1x1024xi32> to vector<1024xi32>
    %swap3A_367 = vector.shape_cast %reduce_min3A_361 : vector<1024xi32> to vector<1x1x1024xi32>
    tpu.vector_store %arg3[%swap3A_362, %swap3A_363, %swap3A_364], %swap3A_367 {strides = array<i32>} : memref<1x20x1024xi32, #tpu.memory_space<vmem>>, vector<1x1x1024xi32>,
    %broadcast_in_dim3A_368 = vector.shape_cast %reduce_min3A_361 : vector<1024xi32> to vector<1024x1xi32>
    %eq3A_369 = vector.broadcast %broadcast_in_dim3A_368 : vector<1024x1xi32> to vector<1024x1024xi32>
    %eq3A_370 = arith.cmpi eq, %iota3A, %eq3A_369 : vector<1024x1024xi32>
    %jit3A_371 = arith.constant 0xFF800000 : f32
    %broadcast_in_dim3A_372 = vector.broadcast %jit3A_371 : f32 to vector<1024x1024xf32>
    %select_n3A_373 = arith.select %eq3A_370, %broadcast_in_dim3A_372, %get3A_351 : vector<1024x1024xi1>, vector<1024x1024xf32>
    %swap3A_374 = arith.constant 0 : index
    %swap3A_375 = arith.constant 0 : index
    %swap3A_376 = vector.load %arg4[%swap3A_374, %swap3A_375] : memref<1024x1024xf32, #tpu.memory_space<vmem>>, vector<1024x1024xf32>
    tpu.vector_store %arg4[%swap3A_374, %swap3A_375], %select_n3A_373 {strides = array<i32>} : memref<1024x1024xf32, #tpu.memory_space<vmem>>, vector<1024x1024xf32>,
    %get3A_377 = arith.constant 0 : index
    %get3A_378 = arith.constant 0 : index
    %get3A_379 = vector.load %arg4[%get3A_377, %get3A_378] : memref<1024x1024xf32, #tpu.memory_space<vmem>>, vector<1024x1024xf32>
    %reduce_max3A_380 = arith.constant dense<0xFF800000> : vector<1024xf32>
    %reduce_max3A_381 = vector.multi_reduction <maximumf>, %get3A_379, %reduce_max3A_380 [1] : vector<1024x1024xf32> to vector<1024xf32>
    %broadcast_in_dim3A_382 = vector.shape_cast %reduce_max3A_381 : vector<1024xf32> to vector<1024x1xf32>
    %eq3A_383 = vector.broadcast %broadcast_in_dim3A_382 : vector<1024x1xf32> to vector<1024x1024xf32>
    %eq3A_384 = arith.cmpf oeq, %get3A_379, %eq3A_383 : vector<1024x1024xf32>
    %jit3A_385 = arith.constant 1024 : i32
    %broadcast_in_dim3A_386 = vector.broadcast %jit3A_385 : i32 to vector<1024x1024xi32>
    %select_n3A_387 = arith.select %eq3A_384, %iota3A, %broadcast_in_dim3A_386 : vector<1024x1024xi1>, vector<1024x1024xi32>
    %reduce_min3A_388 = arith.constant dense<2147483647> : vector<1024xi32>
    %reduce_min3A_389 = vector.multi_reduction <minsi>, %select_n3A_387, %reduce_min3A_388 [1] : vector<1024x1024xi32> to vector<1024xi32>
    %swap3A_390 = arith.constant 0 : index
    %swap3A_391 = arith.constant 13 : index
    %swap3A_392 = arith.constant 0 : index
    %swap3A_393 = vector.load %arg3[%swap3A_390, %swap3A_391, %swap3A_392] : memref<1x20x1024xi32, #tpu.memory_space<vmem>>, vector<1x1x1024xi32>
    %swap3A_394 = vector.shape_cast %swap3A_393 : vector<1x1x1024xi32> to vector<1024xi32>
    %swap3A_395 = vector.shape_cast %reduce_min3A_389 : vector<1024xi32> to vector<1x1x1024xi32>
    tpu.vector_store %arg3[%swap3A_390, %swap3A_391, %swap3A_392], %swap3A_395 {strides = array<i32>} : memref<1x20x1024xi32, #tpu.memory_space<vmem>>, vector<1x1x1024xi32>,
    %broadcast_in_dim3A_396 = vector.shape_cast %reduce_min3A_389 : vector<1024xi32> to vector<1024x1xi32>
    %eq3A_397 = vector.broadcast %broadcast_in_dim3A_396 : vector<1024x1xi32> to vector<1024x1024xi32>
    %eq3A_398 = arith.cmpi eq, %iota3A, %eq3A_397 : vector<1024x1024xi32>
    %jit3A_399 = arith.constant 0xFF800000 : f32
    %broadcast_in_dim3A_400 = vector.broadcast %jit3A_399 : f32 to vector<1024x1024xf32>
    %select_n3A_401 = arith.select %eq3A_398, %broadcast_in_dim3A_400, %get3A_379 : vector<1024x1024xi1>, vector<1024x1024xf32>
    %swap3A_402 = arith.constant 0 : index
    %swap3A_403 = arith.constant 0 : index
    %swap3A_404 = vector.load %arg4[%swap3A_402, %swap3A_403] : memref<1024x1024xf32, #tpu.memory_space<vmem>>, vector<1024x1024xf32>
    tpu.vector_store %arg4[%swap3A_402, %swap3A_403], %select_n3A_401 {strides = array<i32>} : memref<1024x1024xf32, #tpu.memory_space<vmem>>, vector<1024x1024xf32>,
    %get3A_405 = arith.constant 0 : index
    %get3A_406 = arith.constant 0 : index
    %get3A_407 = vector.load %arg4[%get3A_405, %get3A_406] : memref<1024x1024xf32, #tpu.memory_space<vmem>>, vector<1024x1024xf32>
    %reduce_max3A_408 = arith.constant dense<0xFF800000> : vector<1024xf32>
    %reduce_max3A_409 = vector.multi_reduction <maximumf>, %get3A_407, %reduce_max3A_408 [1] : vector<1024x1024xf32> to vector<1024xf32>
    %broadcast_in_dim3A_410 = vector.shape_cast %reduce_max3A_409 : vector<1024xf32> to vector<1024x1xf32>
    %eq3A_411 = vector.broadcast %broadcast_in_dim3A_410 : vector<1024x1xf32> to vector<1024x1024xf32>
    %eq3A_412 = arith.cmpf oeq, %get3A_407, %eq3A_411 : vector<1024x1024xf32>
    %jit3A_413 = arith.constant 1024 : i32
    %broadcast_in_dim3A_414 = vector.broadcast %jit3A_413 : i32 to vector<1024x1024xi32>
    %select_n3A_415 = arith.select %eq3A_412, %iota3A, %broadcast_in_dim3A_414 : vector<1024x1024xi1>, vector<1024x1024xi32>
    %reduce_min3A_416 = arith.constant dense<2147483647> : vector<1024xi32>
    %reduce_min3A_417 = vector.multi_reduction <minsi>, %select_n3A_415, %reduce_min3A_416 [1] : vector<1024x1024xi32> to vector<1024xi32>
    %swap3A_418 = arith.constant 0 : index
    %swap3A_419 = arith.constant 14 : index
    %swap3A_420 = arith.constant 0 : index
    %swap3A_421 = vector.load %arg3[%swap3A_418, %swap3A_419, %swap3A_420] : memref<1x20x1024xi32, #tpu.memory_space<vmem>>, vector<1x1x1024xi32>
    %swap3A_422 = vector.shape_cast %swap3A_421 : vector<1x1x1024xi32> to vector<1024xi32>
    %swap3A_423 = vector.shape_cast %reduce_min3A_417 : vector<1024xi32> to vector<1x1x1024xi32>
    tpu.vector_store %arg3[%swap3A_418, %swap3A_419, %swap3A_420], %swap3A_423 {strides = array<i32>} : memref<1x20x1024xi32, #tpu.memory_space<vmem>>, vector<1x1x1024xi32>,
    %broadcast_in_dim3A_424 = vector.shape_cast %reduce_min3A_417 : vector<1024xi32> to vector<1024x1xi32>
    %eq3A_425 = vector.broadcast %broadcast_in_dim3A_424 : vector<1024x1xi32> to vector<1024x1024xi32>
    %eq3A_426 = arith.cmpi eq, %iota3A, %eq3A_425 : vector<1024x1024xi32>
    %jit3A_427 = arith.constant 0xFF800000 : f32
    %broadcast_in_dim3A_428 = vector.broadcast %jit3A_427 : f32 to vector<1024x1024xf32>
    %select_n3A_429 = arith.select %eq3A_426, %broadcast_in_dim3A_428, %get3A_407 : vector<1024x1024xi1>, vector<1024x1024xf32>
    %swap3A_430 = arith.constant 0 : index
    %swap3A_431 = arith.constant 0 : index
    %swap3A_432 = vector.load %arg4[%swap3A_430, %swap3A_431] : memref<1024x1024xf32, #tpu.memory_space<vmem>>, vector<1024x1024xf32>
    tpu.vector_store %arg4[%swap3A_430, %swap3A_431], %select_n3A_429 {strides = array<i32>} : memref<1024x1024xf32, #tpu.memory_space<vmem>>, vector<1024x1024xf32>,
    %get3A_433 = arith.constant 0 : index
    %get3A_434 = arith.constant 0 : index
    %get3A_435 = vector.load %arg4[%get3A_433, %get3A_434] : memref<1024x1024xf32, #tpu.memory_space<vmem>>, vector<1024x1024xf32>
    %reduce_max3A_436 = arith.constant dense<0xFF800000> : vector<1024xf32>
    %reduce_max3A_437 = vector.multi_reduction <maximumf>, %get3A_435, %reduce_max3A_436 [1] : vector<1024x1024xf32> to vector<1024xf32>
    %broadcast_in_dim3A_438 = vector.shape_cast %reduce_max3A_437 : vector<1024xf32> to vector<1024x1xf32>
    %eq3A_439 = vector.broadcast %broadcast_in_dim3A_438 : vector<1024x1xf32> to vector<1024x1024xf32>
    %eq3A_440 = arith.cmpf oeq, %get3A_435, %eq3A_439 : vector<1024x1024xf32>
    %jit3A_441 = arith.constant 1024 : i32
    %broadcast_in_dim3A_442 = vector.broadcast %jit3A_441 : i32 to vector<1024x1024xi32>
    %select_n3A_443 = arith.select %eq3A_440, %iota3A, %broadcast_in_dim3A_442 : vector<1024x1024xi1>, vector<1024x1024xi32>
    %reduce_min3A_444 = arith.constant dense<2147483647> : vector<1024xi32>
    %reduce_min3A_445 = vector.multi_reduction <minsi>, %select_n3A_443, %reduce_min3A_444 [1] : vector<1024x1024xi32> to vector<1024xi32>
    %swap3A_446 = arith.constant 0 : index
    %swap3A_447 = arith.constant 15 : index
    %swap3A_448 = arith.constant 0 : index
    %swap3A_449 = vector.load %arg3[%swap3A_446, %swap3A_447, %swap3A_448] : memref<1x20x1024xi32, #tpu.memory_space<vmem>>, vector<1x1x1024xi32>
    %swap3A_450 = vector.shape_cast %swap3A_449 : vector<1x1x1024xi32> to vector<1024xi32>
    %swap3A_451 = vector.shape_cast %reduce_min3A_445 : vector<1024xi32> to vector<1x1x1024xi32>
    tpu.vector_store %arg3[%swap3A_446, %swap3A_447, %swap3A_448], %swap3A_451 {strides = array<i32>} : memref<1x20x1024xi32, #tpu.memory_space<vmem>>, vector<1x1x1024xi32>,
    %broadcast_in_dim3A_452 = vector.shape_cast %reduce_min3A_445 : vector<1024xi32> to vector<1024x1xi32>
    %eq3A_453 = vector.broadcast %broadcast_in_dim3A_452 : vector<1024x1xi32> to vector<1024x1024xi32>
    %eq3A_454 = arith.cmpi eq, %iota3A, %eq3A_453 : vector<1024x1024xi32>
    %jit3A_455 = arith.constant 0xFF800000 : f32
    %broadcast_in_dim3A_456 = vector.broadcast %jit3A_455 : f32 to vector<1024x1024xf32>
    %select_n3A_457 = arith.select %eq3A_454, %broadcast_in_dim3A_456, %get3A_435 : vector<1024x1024xi1>, vector<1024x1024xf32>
    %swap3A_458 = arith.constant 0 : index
    %swap3A_459 = arith.constant 0 : index
    %swap3A_460 = vector.load %arg4[%swap3A_458, %swap3A_459] : memref<1024x1024xf32, #tpu.memory_space<vmem>>, vector<1024x1024xf32>
    tpu.vector_store %arg4[%swap3A_458, %swap3A_459], %select_n3A_457 {strides = array<i32>} : memref<1024x1024xf32, #tpu.memory_space<vmem>>, vector<1024x1024xf32>,
    %get3A_461 = arith.constant 0 : index
    %get3A_462 = arith.constant 0 : index
    %get3A_463 = vector.load %arg4[%get3A_461, %get3A_462] : memref<1024x1024xf32, #tpu.memory_space<vmem>>, vector<1024x1024xf32>
    %reduce_max3A_464 = arith.constant dense<0xFF800000> : vector<1024xf32>
    %reduce_max3A_465 = vector.multi_reduction <maximumf>, %get3A_463, %reduce_max3A_464 [1] : vector<1024x1024xf32> to vector<1024xf32>
    %broadcast_in_dim3A_466 = vector.shape_cast %reduce_max3A_465 : vector<1024xf32> to vector<1024x1xf32>
    %eq3A_467 = vector.broadcast %broadcast_in_dim3A_466 : vector<1024x1xf32> to vector<1024x1024xf32>
    %eq3A_468 = arith.cmpf oeq, %get3A_463, %eq3A_467 : vector<1024x1024xf32>
    %jit3A_469 = arith.constant 1024 : i32
    %broadcast_in_dim3A_470 = vector.broadcast %jit3A_469 : i32 to vector<1024x1024xi32>
    %select_n3A_471 = arith.select %eq3A_468, %iota3A, %broadcast_in_dim3A_470 : vector<1024x1024xi1>, vector<1024x1024xi32>
    %reduce_min3A_472 = arith.constant dense<2147483647> : vector<1024xi32>
    %reduce_min3A_473 = vector.multi_reduction <minsi>, %select_n3A_471, %reduce_min3A_472 [1] : vector<1024x1024xi32> to vector<1024xi32>
    %swap3A_474 = arith.constant 0 : index
    %swap3A_475 = arith.constant 16 : index
    %swap3A_476 = arith.constant 0 : index
    %swap3A_477 = vector.load %arg3[%swap3A_474, %swap3A_475, %swap3A_476] : memref<1x20x1024xi32, #tpu.memory_space<vmem>>, vector<1x1x1024xi32>
    %swap3A_478 = vector.shape_cast %swap3A_477 : vector<1x1x1024xi32> to vector<1024xi32>
    %swap3A_479 = vector.shape_cast %reduce_min3A_473 : vector<1024xi32> to vector<1x1x1024xi32>
    tpu.vector_store %arg3[%swap3A_474, %swap3A_475, %swap3A_476], %swap3A_479 {strides = array<i32>} : memref<1x20x1024xi32, #tpu.memory_space<vmem>>, vector<1x1x1024xi32>,
    %broadcast_in_dim3A_480 = vector.shape_cast %reduce_min3A_473 : vector<1024xi32> to vector<1024x1xi32>
    %eq3A_481 = vector.broadcast %broadcast_in_dim3A_480 : vector<1024x1xi32> to vector<1024x1024xi32>
    %eq3A_482 = arith.cmpi eq, %iota3A, %eq3A_481 : vector<1024x1024xi32>
    %jit3A_483 = arith.constant 0xFF800000 : f32
    %broadcast_in_dim3A_484 = vector.broadcast %jit3A_483 : f32 to vector<1024x1024xf32>
    %select_n3A_485 = arith.select %eq3A_482, %broadcast_in_dim3A_484, %get3A_463 : vector<1024x1024xi1>, vector<1024x1024xf32>
    %swap3A_486 = arith.constant 0 : index
    %swap3A_487 = arith.constant 0 : index
    %swap3A_488 = vector.load %arg4[%swap3A_486, %swap3A_487] : memref<1024x1024xf32, #tpu.memory_space<vmem>>, vector<1024x1024xf32>
    tpu.vector_store %arg4[%swap3A_486, %swap3A_487], %select_n3A_485 {strides = array<i32>} : memref<1024x1024xf32, #tpu.memory_space<vmem>>, vector<1024x1024xf32>,
    %get3A_489 = arith.constant 0 : index
    %get3A_490 = arith.constant 0 : index
    %get3A_491 = vector.load %arg4[%get3A_489, %get3A_490] : memref<1024x1024xf32, #tpu.memory_space<vmem>>, vector<1024x1024xf32>
    %reduce_max3A_492 = arith.constant dense<0xFF800000> : vector<1024xf32>
    %reduce_max3A_493 = vector.multi_reduction <maximumf>, %get3A_491, %reduce_max3A_492 [1] : vector<1024x1024xf32> to vector<1024xf32>
    %broadcast_in_dim3A_494 = vector.shape_cast %reduce_max3A_493 : vector<1024xf32> to vector<1024x1xf32>
    %eq3A_495 = vector.broadcast %broadcast_in_dim3A_494 : vector<1024x1xf32> to vector<1024x1024xf32>
    %eq3A_496 = arith.cmpf oeq, %get3A_491, %eq3A_495 : vector<1024x1024xf32>
    %jit3A_497 = arith.constant 1024 : i32
    %broadcast_in_dim3A_498 = vector.broadcast %jit3A_497 : i32 to vector<1024x1024xi32>
    %select_n3A_499 = arith.select %eq3A_496, %iota3A, %broadcast_in_dim3A_498 : vector<1024x1024xi1>, vector<1024x1024xi32>
    %reduce_min3A_500 = arith.constant dense<2147483647> : vector<1024xi32>
    %reduce_min3A_501 = vector.multi_reduction <minsi>, %select_n3A_499, %reduce_min3A_500 [1] : vector<1024x1024xi32> to vector<1024xi32>
    %swap3A_502 = arith.constant 0 : index
    %swap3A_503 = arith.constant 17 : index
    %swap3A_504 = arith.constant 0 : index
    %swap3A_505 = vector.load %arg3[%swap3A_502, %swap3A_503, %swap3A_504] : memref<1x20x1024xi32, #tpu.memory_space<vmem>>, vector<1x1x1024xi32>
    %swap3A_506 = vector.shape_cast %swap3A_505 : vector<1x1x1024xi32> to vector<1024xi32>
    %swap3A_507 = vector.shape_cast %reduce_min3A_501 : vector<1024xi32> to vector<1x1x1024xi32>
    tpu.vector_store %arg3[%swap3A_502, %swap3A_503, %swap3A_504], %swap3A_507 {strides = array<i32>} : memref<1x20x1024xi32, #tpu.memory_space<vmem>>, vector<1x1x1024xi32>,
    %broadcast_in_dim3A_508 = vector.shape_cast %reduce_min3A_501 : vector<1024xi32> to vector<1024x1xi32>
    %eq3A_509 = vector.broadcast %broadcast_in_dim3A_508 : vector<1024x1xi32> to vector<1024x1024xi32>
    %eq3A_510 = arith.cmpi eq, %iota3A, %eq3A_509 : vector<1024x1024xi32>
    %jit3A_511 = arith.constant 0xFF800000 : f32
    %broadcast_in_dim3A_512 = vector.broadcast %jit3A_511 : f32 to vector<1024x1024xf32>
    %select_n3A_513 = arith.select %eq3A_510, %broadcast_in_dim3A_512, %get3A_491 : vector<1024x1024xi1>, vector<1024x1024xf32>
    %swap3A_514 = arith.constant 0 : index
    %swap3A_515 = arith.constant 0 : index
    %swap3A_516 = vector.load %arg4[%swap3A_514, %swap3A_515] : memref<1024x1024xf32, #tpu.memory_space<vmem>>, vector<1024x1024xf32>
    tpu.vector_store %arg4[%swap3A_514, %swap3A_515], %select_n3A_513 {strides = array<i32>} : memref<1024x1024xf32, #tpu.memory_space<vmem>>, vector<1024x1024xf32>,
    %get3A_517 = arith.constant 0 : index
    %get3A_518 = arith.constant 0 : index
    %get3A_519 = vector.load %arg4[%get3A_517, %get3A_518] : memref<1024x1024xf32, #tpu.memory_space<vmem>>, vector<1024x1024xf32>
    %reduce_max3A_520 = arith.constant dense<0xFF800000> : vector<1024xf32>
    %reduce_max3A_521 = vector.multi_reduction <maximumf>, %get3A_519, %reduce_max3A_520 [1] : vector<1024x1024xf32> to vector<1024xf32>
    %broadcast_in_dim3A_522 = vector.shape_cast %reduce_max3A_521 : vector<1024xf32> to vector<1024x1xf32>
    %eq3A_523 = vector.broadcast %broadcast_in_dim3A_522 : vector<1024x1xf32> to vector<1024x1024xf32>
    %eq3A_524 = arith.cmpf oeq, %get3A_519, %eq3A_523 : vector<1024x1024xf32>
    %jit3A_525 = arith.constant 1024 : i32
    %broadcast_in_dim3A_526 = vector.broadcast %jit3A_525 : i32 to vector<1024x1024xi32>
    %select_n3A_527 = arith.select %eq3A_524, %iota3A, %broadcast_in_dim3A_526 : vector<1024x1024xi1>, vector<1024x1024xi32>
    %reduce_min3A_528 = arith.constant dense<2147483647> : vector<1024xi32>
    %reduce_min3A_529 = vector.multi_reduction <minsi>, %select_n3A_527, %reduce_min3A_528 [1] : vector<1024x1024xi32> to vector<1024xi32>
    %swap3A_530 = arith.constant 0 : index
    %swap3A_531 = arith.constant 18 : index
    %swap3A_532 = arith.constant 0 : index
    %swap3A_533 = vector.load %arg3[%swap3A_530, %swap3A_531, %swap3A_532] : memref<1x20x1024xi32, #tpu.memory_space<vmem>>, vector<1x1x1024xi32>
    %swap3A_534 = vector.shape_cast %swap3A_533 : vector<1x1x1024xi32> to vector<1024xi32>
    %swap3A_535 = vector.shape_cast %reduce_min3A_529 : vector<1024xi32> to vector<1x1x1024xi32>
    tpu.vector_store %arg3[%swap3A_530, %swap3A_531, %swap3A_532], %swap3A_535 {strides = array<i32>} : memref<1x20x1024xi32, #tpu.memory_space<vmem>>, vector<1x1x1024xi32>,
    %broadcast_in_dim3A_536 = vector.shape_cast %reduce_min3A_529 : vector<1024xi32> to vector<1024x1xi32>
    %eq3A_537 = vector.broadcast %broadcast_in_dim3A_536 : vector<1024x1xi32> to vector<1024x1024xi32>
    %eq3A_538 = arith.cmpi eq, %iota3A, %eq3A_537 : vector<1024x1024xi32>
    %jit3A_539 = arith.constant 0xFF800000 : f32
    %broadcast_in_dim3A_540 = vector.broadcast %jit3A_539 : f32 to vector<1024x1024xf32>
    %select_n3A_541 = arith.select %eq3A_538, %broadcast_in_dim3A_540, %get3A_519 : vector<1024x1024xi1>, vector<1024x1024xf32>
    %swap3A_542 = arith.constant 0 : index
    %swap3A_543 = arith.constant 0 : index
    %swap3A_544 = vector.load %arg4[%swap3A_542, %swap3A_543] : memref<1024x1024xf32, #tpu.memory_space<vmem>>, vector<1024x1024xf32>
    tpu.vector_store %arg4[%swap3A_542, %swap3A_543], %select_n3A_541 {strides = array<i32>} : memref<1024x1024xf32, #tpu.memory_space<vmem>>, vector<1024x1024xf32>,
    %get3A_545 = arith.constant 0 : index
    %get3A_546 = arith.constant 0 : index
    %get3A_547 = vector.load %arg4[%get3A_545, %get3A_546] : memref<1024x1024xf32, #tpu.memory_space<vmem>>, vector<1024x1024xf32>
    %reduce_max3A_548 = arith.constant dense<0xFF800000> : vector<1024xf32>
    %reduce_max3A_549 = vector.multi_reduction <maximumf>, %get3A_547, %reduce_max3A_548 [1] : vector<1024x1024xf32> to vector<1024xf32>
    %broadcast_in_dim3A_550 = vector.shape_cast %reduce_max3A_549 : vector<1024xf32> to vector<1024x1xf32>
    %eq3A_551 = vector.broadcast %broadcast_in_dim3A_550 : vector<1024x1xf32> to vector<1024x1024xf32>
    %eq3A_552 = arith.cmpf oeq, %get3A_547, %eq3A_551 : vector<1024x1024xf32>
    %jit3A_553 = arith.constant 1024 : i32
    %broadcast_in_dim3A_554 = vector.broadcast %jit3A_553 : i32 to vector<1024x1024xi32>
    %select_n3A_555 = arith.select %eq3A_552, %iota3A, %broadcast_in_dim3A_554 : vector<1024x1024xi1>, vector<1024x1024xi32>
    %reduce_min3A_556 = arith.constant dense<2147483647> : vector<1024xi32>
    %reduce_min3A_557 = vector.multi_reduction <minsi>, %select_n3A_555, %reduce_min3A_556 [1] : vector<1024x1024xi32> to vector<1024xi32>
    %swap3A_558 = arith.constant 0 : index
    %swap3A_559 = arith.constant 19 : index
    %swap3A_560 = arith.constant 0 : index
    %swap3A_561 = vector.load %arg3[%swap3A_558, %swap3A_559, %swap3A_560] : memref<1x20x1024xi32, #tpu.memory_space<vmem>>, vector<1x1x1024xi32>
    %swap3A_562 = vector.shape_cast %swap3A_561 : vector<1x1x1024xi32> to vector<1024xi32>
    %swap3A_563 = vector.shape_cast %reduce_min3A_557 : vector<1024xi32> to vector<1x1x1024xi32>
    tpu.vector_store %arg3[%swap3A_558, %swap3A_559, %swap3A_560], %swap3A_563 {strides = array<i32>} : memref<1x20x1024xi32, #tpu.memory_space<vmem>>, vector<1x1x1024xi32>,
    %broadcast_in_dim3A_564 = vector.shape_cast %reduce_min3A_557 : vector<1024xi32> to vector<1024x1xi32>
    %eq3A_565 = vector.broadcast %broadcast_in_dim3A_564 : vector<1024x1xi32> to vector<1024x1024xi32>
    %eq3A_566 = arith.cmpi eq, %iota3A, %eq3A_565 : vector<1024x1024xi32>
    %jit3A_567 = arith.constant 0xFF800000 : f32
    %broadcast_in_dim3A_568 = vector.broadcast %jit3A_567 : f32 to vector<1024x1024xf32>
    %select_n3A_569 = arith.select %eq3A_566, %broadcast_in_dim3A_568, %get3A_547 : vector<1024x1024xi1>, vector<1024x1024xf32>
    %swap3A_570 = arith.constant 0 : index
    %swap3A_571 = arith.constant 0 : index
    %swap3A_572 = vector.load %arg4[%swap3A_570, %swap3A_571] : memref<1024x1024xf32, #tpu.memory_space<vmem>>, vector<1024x1024xf32>
    tpu.vector_store %arg4[%swap3A_570, %swap3A_571], %select_n3A_569 {strides = array<i32>} : memref<1024x1024xf32, #tpu.memory_space<vmem>>, vector<1024x1024xf32>,
    return
  }
  func.func @transform_0(%arg0: i32) -> (i32, i32, i32) {
    %c0_i32 = arith.constant 0 : i32
    %c0_i32_0 = arith.constant 0 : i32
    %c0_i32_1 = arith.constant 0 : i32
    return %arg0, %c0_i32, %c0_i32_0 : i32, i32, i32
  }
  func.func @transform_1(%arg0: i32) -> (i32, i32, i32) {
    %c0_i32 = arith.constant 0 : i32
    %c0_i32_0 = arith.constant 0 : i32
    %c0_i32_1 = arith.constant 0 : i32
    return %arg0, %c0_i32, %c0_i32_0 : i32, i32, i32
  }
  func.func @transform_2(%arg0: i32) -> (i32, i32, i32) {
    %c0_i32 = arith.constant 0 : i32
    %c0_i32_0 = arith.constant 0 : i32
    %c0_i32_1 = arith.constant 0 : i32
    return %arg0, %c0_i32, %c0_i32_0 : i32, i32, i32
  }
}

</mosaic_0001>

<sc_bundles>
// kernel: sparse-core-data-format-call.cloned.1.call-start
scs
called_computation_lowered:
.L_overlay_start_0:
0x0: {  	s1 =	sld [smem:$0x3FD9]  }
0x1: {  	s2 =	sld [smem:$0x3FFE];
	_ =	sdelay $0x1  }
0x2: {  	s3 =	srdreg.scid  }
0x3: {  	s0 =	sand.u32 $0x1, s3  }
0x4: {  	s17 =	sshll.u32 s0, $0xA;
	s1 =	sadd.s32 s2, s1  }
0x5: {  	s1 =	sadd.s32 s1, s17  }
0x6: {  	[smem:$0x3FA2] =	sst s1  }
0x7: {  	_ = 	snop  }
0x8: {  	(tm) =	ssettm $0x1  }
0x9: {  	s18 =	sld [smem:$0x3FFB];
	_ =	sdelay $0x3  }
0xa: {  	_ =	strace s18  }
0xb: {  	s1 =	sld [smem:$0x3FFC];
	_ =	sdelay $0x3  }
0xc: {  	_ =	strace s1  }
0xd: {  	s1 =	sld [smem:$0x3FFD];
	_ =	sdelay $0x3  }
0xe: {  	_ =	strace s1  }
0xf: {  	_ =	strace $0x8FFFFFFF  }
0x10: {  	s19 =	sld [smem:$0x3FDB];
	_ =	sdelay $0x1  }
0x11: {  	s20 =	simm.s32 $_scs_section_size  }
0x12: {  	s4 =	simm.s32 $_size__tile_overlayer_lowered;
	s5 =	simm.s32 $_tile_overlayer_lowered  }
0x13: {  	s23 =	simm.s32 $0x1BFF;
	s22 =	sshll.u32 s5, $0x1;
	s1 =	sadd.s32 s20, s19  }
0x14: {  	s6 =	simm.s32 $0x0;
	s21 =	sshll.u32 s4, $0x1;
	s4 =	sadd.s32 s22, s1  }
0x15: {  	[timem:s6], [sflag:s23] =	dma.local [hbm:s4], s21  }
0x16: {  	_ =	swait.ge [sflag:s23], s21  }
0x17: {  	s2 =	ssub.s32 $0x0, s21;
	[sflag:s23] =	ssyncset.done $0x0  }
0x18: {  	[sflag:s23] =	ssyncadd.s32 s2;
	_ =	sdelay $0x1  }
0x19: {  	s24 =	simm.s32 $0x1B8B  }
0x1a: {  	_ =	swait.ge [sflag:s24], $0x1  }
0x1b: {  	[sflag:s24] =	ssyncset.done $0x0  }
0x1c: {  	s26 =	simm.s32 $0x1B8E;
	s25 =	sld [smem:$0x3FFE];
	[sflag:s24] =	ssyncadd.s32 $0xFFFFFFFF  }
0x1d: {  	s27 =	simm.s32 $execute0_lowered;
	[smem:$0x3FD2] =	sst s26  }
0x1e: {  	s4 =	sshll.u32 s27, $0x1;
	_ =	strace $0x80000046;
	[dreg:$0x1] =	wrdreg $0xFFFFFFFF  }
0x1f: {  	s28 =	simm.s32 $_size_execute0_lowered;
	s1 =	sadd.s32 s1, s4;
	[dreg:$0x0] =	wrdreg $0x0  }
0x20: {  	s4 =	sshll.u32 s28, $0x1;
	[dreg:$0x2] =	wrdreg s1  }
0x21: {  	[dreg:$0x3] =	wrdreg s4  }
0x22: {  	[dreg:$0x4] =	wrdreg $0xC0  }
0x23: {  	_ =	task [dreg:s6], $0x5FFFF  }
0x24: {  	[dreg:$0x1] =	wrdreg $0xFFFFFFFF  }
0x25: {  	[dreg:$0x0] =	wrdreg $0x60  }
0x26: {  	[dreg:$0x2] =	wrdreg s25  }
0x27: {  	[dreg:$0x3] =	wrdreg $0x9  }
0x28: {  	_ =	task.clear_ibuf [dreg:s6], $0x4FFFF;
	_ =	strace $0x90000046  }
0x29: {  	s29 =	simm.s32 $0x9;
	_ =	strace $0x80000048  }
0x2a: {  	_ =	swait.ge [sflag:s29], $0x1  }
0x2b: {  	[sflag:s29] =	ssyncadd.s32 $0xFFFFFFFF  }
0x2c: {  	_ =	strace $0x90000048  }
0x2d: {  	_ =	sfence  }
0x2e: {  	s30 =	sld [smem:$0x0];
	_ =	sdelay $0x2  }
0x2f: {  	s31 =	sshll.u32 s3, $0xD;
	s3 =	sshrl.u32 s3, $0x2  }
0x30: {  	s2 =	sand.u32 $0x4000, s31;
	s1 =	sadd.s32 s3, s30  }
0x31: {  	s0 =	sor.u32 s2, s0;
	s1 =	sshll.u32 s1, $0x11  }
0x32: {  	s0 =	sor.u32 s1, s0  }
0x33: {  	s0 =	sadd.s32 $0x8F2B, s0  }
0x34: {  	[sflag:s0] =	ssyncadd.remote.s32 $0x1  }
0x35: {  	_ =	sfence.sel $0xFFFF  }
0x36: {  	[dreg:$0x0] =	wrdreg $0xFFFFFFFF;
	(pc) =	sbr.abs _section_cstart, $3  }
0x37: {  	[dreg:$0x1] =	wrdreg $0xFFFFFFFF  }
0x38: {  	_ =	task.clear_ibuf [dreg:s6], $0x2FFFF;
	_ =	strace $0x9FFFFFFF  }
0x39: {  	(tm) =	ssettm $0x7FFFFFFF  }
tec
execute0_lowered:
.L_overlay_start_1:
0x0: {  	(tag) =	ssettag $0x1  }
0x1: {  	s0 =	stileid.u32;
	s1 =	srdreg.scid  }
0x2: {  	s4 =	rddreg [dreg:$0x0];
	s2 =	sshll.u32 s0, $0x4;
	s1 =	sshll.u32 s1, $0x8  }
0x3: {  	s5 =	simm.s32 $0x1;
	s8 =	simm.s32 $0x2;
	s1 =	sor.u32 s2, s1  }
0x4: {  	s15 =	simm.s32 $0x0;
	s9 =	simm.s32 $0x2000;
	s2 =	sand.u32 $0x180, s1  }
0x5: {  	s14 =	simm.s32 $0x0;
	s16 =	simm.s32 $0x0;
	s3 =	ssub.s32 $0x400, s2  }
0x6: {  	s10 =	simm.s32 $0x0;
	s7 =	sand.u32 $0x7, s0;
	s31 =	sand.u32 $0x180, s3  }
0x7: {  	s13 =	simm.s32 $0x0;
	s12 =	smov.u32 s7;
	p0 =	sne.s32 s31, $0x0  }
.Ltmp0:
0x8: {  	s6 =	sshrl.u32 s3, $0x9;
	s5 =	simm.s32 @!p0 $0x0;
	(pc) =	sbr.rel .LBB1_1-.Ltmp0, $4  }
0x9: {  	s1 =	rddreg [dreg:$0x1];
	_ =	strace $0x80000047;
	s6 =	sadd.s32 s5, s6  }
0xa: {  	s11 =	smov.u32 s2;
	s5 =	simm.s32 $0x1;
	s6 =	smul.u32 $0x14, s6  }
0xb: {  	s3 =	sadd.s32 $0x500200, s4;
	s4 =	sadd.s32 $0x280200, s4;
	[sflag:s5] =	ssyncpa.u1 $0x0  }
0xc: {  	p0 =	por $0x0, $0x0;
	[sflag:s8] =	ssyncpa.u1 $0x0;
	s8 =	sor.u32 $0x1, s6  }
.LBB1_4:
0xd: {  	s16 =	smul.u32 $0x28000, s16;
	_ =	sdelay $0x1  }
0xe: {  	s19 =	sand.u32 $0x1F80, s14;
	s15 =	sshll.u32 s15, $0xD;
	s16 =	sadd.s32 s4, s16  }
0xf: {  	[tilespmem:s18+$0x810 ss:$0x81] =	vst.msk $0xffff, v2;
	s20 =	sshrl.u32 s14, $0x3;
	s30 =	sand.u32 $0x7, s14;
	s16 =	sadd.s32 s19, s16  }
0x10: {  	[tilespmem:s18+$0x1020 ss:$0x81] =	vst.msk $0xffff, v0;
	s31 =	sand.u32 $0xF, s20;
	s14 =	sshll.u32 s30, $0x12;
	s15 =	sadd.s32 s15, s16  }
0x11: {  	[tilespmem:s18+$0x0 ss:$0x81] =	vst.msk $0xffff, v1;
	s14 =	sor.u32 $0x400, s14;
	s15 =	sadd.s32 s31, s15  }
0x12: {  	[hbm4b:s15+s14] =	stream.strided.scatter [tilespmem:s17], [sflag:$0x2], $0x2000, s9, s14, $0x20;
	[tilespmem:$0x8080] =	vst v63  }
.LBB1_5:
0x13: {  	s17 =	sadd.s32 $0x1, s10  }
0x14: {  	s14 =	sadd.s32 $0x200, s11;
	s18 =	smov.u32 s11;
	p2 =	sgt.s32 s17, $0x13  }
0x15: {  	s18 =	smov.u32 @p2 s14  }
0x16: {  	s20 =	smov.u32 s12;
	s14 =	sadd.s32 $0x8, s12;
	p3 =	sgt.s32 s18, $0x3FF  }
0x17: {  	s20 =	smov.u32 @p3 s14  }
0x18: {  	s17 =	simm.s32 @p2 $0x0;
	p2 =	sgt.s32 s20, $0x7  }
0x19: {  	p1 =	slt.u32 s13, $0x2;
	s20 =	smov.u32 @p2 s7;
	p2 =	sne.s32 s13, s8  }
.Ltmp1:
0x1a: {  	s19 =	simm.s32 @!p1 $0x2;
	(pc) =	sbr.rel @!p2 .LBB1_6-.Ltmp1, $4  }
0x1b: {  	s15 =	smov.u32 s10;
	s16 =	smov.u32 s12;
	_ =	swait.ge @!p1 [sflag:s19], $0x2000  }
0x1c: {  	p0 =	por !p0, !p0;
	[sflag:s19] =	ssyncset.done @!p1 $0x0;
	s10 =	smov.u32 s17  }
0x1d: {  	s18 =	smov.u32 @p3 s2;
	s14 =	smov.u32 s11;
	[sflag:s19] =	ssyncadd.s32 @!p1 $0xFFFFE000  }
0x1e: {  	s11 =	smov.u32 s18;
	s13 =	sadd.s32 $0x1, s13;
	s12 =	smov.u32 s20  }
.LBB1_1:
0x1f: {  	p1 =	sge.u32 s13, s6  }
0x20: {  	s17 =	sand.u32 @!p1 $0x1FFFFFF, s10;
	s19 =	smul.u32 @!p1 $0x60000, s12  }
0x21: {  	s18 =	smulhi.u32 @!p1 $0xAAAAAAB, s17  }
0x22: {  	s21 =	smul.u32 @!p1 $0x180, s11  }
0x23: {  	s18 =	smul.u32 @!p1 $0x18, s18  }
0x24: {  	s31 =	sadd.s32 $0xFFFFFFFF, s13;
	s19 =	sadd.s32 @!p1 s3, s19  }
0x25: {  	s20 =	sxor.u32 @!p1 $0xFFFFFFFF, s13;
	s19 =	sadd.s32 @!p1 s21, s19;
	s17 =	ssub.s32 @!p1 s17, s18  }
0x26: {  	s18 =	sshll.u32 @!p1 s20, $0xD;
	s20 =	simm.s32 @!p1 $0xC00;
	s17 =	sshll.u32 @!p1 s17, $0x4  }
0x27: {  	s18 =	sand.u32 @!p1 $0x2000, s18;
	s17 =	sadd.s32 @!p1 s17, s19;
	s19 =	simm.s32 @!p1 $0x40  }
0x28: {  	[tilespmem:s18], [sflag:$0x1] =	stream.strided.gather @!p1 [hbm4b:s17+s19], $0x2000, s20, s19, $0x38;
	[tilespmem:$0x8080] =	vst v63  }
0x29: {  	p1 =	sge.u32 s31, s6  }
.Ltmp2:
0x2a: {  	_ = 	snop;
	(pc) =	sbr.rel @p1 .LBB1_5-.Ltmp2, $1  }
0x2b: {  	_ =	sdelay $0x3  }
0x2c: {  	s17 =	simm.s32 $0x1  }
0x2d: {  	_ =	swait.ge [sflag:s5], $0x2000;
	s17 =	simm.s32 @!p0 $0x0  }
0x2e: {  	[sflag:s5] =	ssyncset.done $0x0;
	s18 =	sshll.u32 s17, $0xD  }
0x2f: {  	[sflag:s5] =	ssyncadd.s32 $0xFFFFE000;
	s21 =	sor.u32 $0x20, s18  }
0x30: {  	s17 =	smul.u32 $0x8100, s17;
	v3 =	vld [tilespmem:s21+$0x10]  }
0x31: {  	s30 =	sand.u32 $0x1, s13;
	v2 =	vld [tilespmem:s21+$0xFFFFFFF0]  }
0x32: {  	s18 =	smul.u32 $0x8100, s30;
	s17 =	sshrl.u32 s17, $0x2;
	v0 =	vld [tilespmem:s21+$0x0]  }
0x33: {  	v1 =	vld [tilespmem:s21+$0xFFFFFFE0];
	s19 =	sor.u32 $0x4000, s17  }
0x34: {  	s31 =	sshrl.u32 s18, $0x2;
	s18 =	sadd.s32 $0x0, s19  }
0x35: {  	s20 =	simm.s32 $0x4;
	s21 =	sadd.s32 $0x40, s21;
	s17 =	sor.u32 $0x4000, s31;
	[tilespmem:s18+$0x1830 ss:$0x81] =	vst.msk $0xffff, v3  }
.LBB1_3:
0x36: {  	v3 =	vld [tilespmem:s21+$0x10];
	p1 =	sne.s32 s20, $0x1FC;
	[tilespmem:s18+$0x810 ss:$0x81] =	vst.msk $0xffff, v2;
	s22 =	smov.u32 s20;
	s20 =	sadd.s32 $0x4, s20  }
.Ltmp3:
0x37: {  	v2 =	vld [tilespmem:s21+$0xFFFFFFF0];
	[tilespmem:s18+$0x1020 ss:$0x81] =	vst.msk $0xffff, v0;
	(pc) =	sbr.rel @p1 .LBB1_3-.Ltmp3, $4  }
0x38: {  	v0 =	vld [tilespmem:s21+$0x0];
	[tilespmem:s18+$0x0 ss:$0x81] =	vst.msk $0xffff, v1  }
0x39: {  	s18 =	sshra.s32 s22, $0x2;
	v1 =	vld [tilespmem:s21+$0xFFFFFFE0]  }
0x3a: {  	s18 =	sadd.s32 s18, s19  }
0x3b: {  	s21 =	sadd.s32 $0x40, s21;
	[tilespmem:s18+$0x1830 ss:$0x81] =	vst.msk $0xffff, v3  }
.Ltmp4:
0x3c: {  	_ = 	snop;
	(pc) =	sbr.rel .LBB1_4-.Ltmp4, $1  }
0x3d: {  	_ =	sdelay $0x3  }
.LBB1_6:
0x3e: {  	_ =	sfence.sel $0x180000  }
0x3f: {  	s2 =	simm.s32 $0x1;
	[bflag:$0x0] =	sbarrier.arrive $0xFFFF  }
0x40: {  	s31 =	simm.s32 $0x2;
	[sflag:s2] =	ssyncpa.u1 $0x1  }
0x41: {  	[sflag:s31] =	ssyncpa.u1 $0x1  }
0x42: {  	p0 =	sne.s32 s0, $0x0;
	_ =	strace $0x90000047  }
0x43: {  	s0 =	sadd.s32 @!p0 $0x100000, s1;
	[bflag:$0x2] =	sbarrier.arrive $0xFFFF  }
0x44: {  	[sflag:s0] =	ssyncadd.tile.s32 @!p0 $0x1;
	_ =	shalt  }
.Lfunc_end1:
_tile_overlayer_lowered:
.L_overlay_start_2:
0x45: {  	(tag) =	ssettag $0x2  }
0x46: {  	s0 =	rddreg [dreg:$0x0];
	s2 =	stileid.u32  }
0x47: {  	s1 =	rddreg [dreg:$0x1];
	p0 =	sne.s32 s2, $0x0  }
0x48: {  	s3 =	rddreg [dreg:$0x2];
	[bflag:$0x3] =	sbarrier.arrive $0xFFFF;
	s2 =	simm.s32 @!p0 $0x1C01  }
0x49: {  	[timem:s3], [sflag:s2] =	dma.local @!p0 [hbm:s0], s1  }
0x4a: {  	s0 =	simm.s32 @!p0 $0x1  }
0x4b: {  	_ =	swait.ge @!p0 [sflag:s0], s1  }
0x4c: {  	s1 =	ssub.s32 @!p0 $0x0, s1;
	[sflag:s0] =	ssyncset.done @!p0 $0x0  }
0x4d: {  	[sflag:s0] =	ssyncadd.s32 @!p0 s1  }
0x4e: {  	[bflag:$0x3] =	sbarrier.arrive $0xFFFF  }
0x4f: {  	_ =	shalt  }

</sc_bundles>
